<compile_context>
chip_gen: v7x
topology: tpu7x:2x2x1
jax: 0.10.2.dev20260603
libtpu: 0.0.44.dev20260713+nightly
codegen_flags: <defaults>
</compile_context>

<pallas_src>
import functools

import jax
import jax.numpy as jnp
from jax import lax
from jax.experimental import pallas as pl
from jax.experimental.pallas import tpu as pltpu
from jax.experimental.pallas import tpu_sc as plsc

B = 320000
D = 128
NC = 2
NS = 16
NW = NC * NS
B_PER_W = B // NW
CHUNK = 320
L = 16
NG = B_PER_W // L
SLICE = 5
NGS = NG // SLICE
U = 5
TRASH = B_PER_W + CHUNK
FLAT = TRASH + L
BIGLOC = 1 << 20

_mesh = plsc.VectorSubcoreMesh(core_axis_name="c", subcore_axis_name="s")


@functools.partial(
    pl.kernel,
    mesh=_mesh,
    out_type=jax.ShapeDtypeStruct((B, D), jnp.float32),
    scratch_types=[
        pltpu.VMEM((B_PER_W,), jnp.int32),
        pltpu.VMEM((FLAT,), jnp.int32),
        pltpu.VMEM((FLAT,), jnp.int32),
        pltpu.VMEM((CHUNK, D), jnp.float32),
        pltpu.VMEM((CHUNK, D), jnp.float32),
        pltpu.VMEM((B_PER_W,), jnp.int32),
        pltpu.VMEM((CHUNK,), jnp.int32),
        pltpu.VMEM((CHUNK,), jnp.int32),
        pltpu.SMEM((NG,), jnp.int32),
        pltpu.SMEM((NG,), jnp.int32),
        pltpu.VMEM_SHARED((2, D), jnp.float32),
        pltpu.SemaphoreType.DMA,
        pltpu.SemaphoreType.DMA,
    ],
    compiler_params=pltpu.CompilerParams(needs_layout_passes=False),
)
def _lookup(x_hbm, lin_hbm, out_hbm, idx_v, flat0, flat1, rows0, rows1,
            qbuf, fidx0, fidx1, cnt_sm, base_sm, table_sh, fill_sem,
            sc_sem):
    sid = lax.axis_index("s")
    wid = sid * NC + lax.axis_index("c")
    base = wid * B_PER_W

    @pl.when(sid == 0)
    def _():
        pltpu.sync_copy(lin_hbm, table_sh)

    pltpu.sync_copy(x_hbm.at[pl.ds(base, B_PER_W)], idx_v)
    plsc.subcore_barrier()

    zeros = jnp.zeros((L,), jnp.int32)
    ones = jnp.ones((L,), jnp.int32)
    for k in range(CHUNK // L):
        fidx0[pl.ds(k * L, L)] = zeros
        fidx1[pl.ds(k * L, L)] = ones
    fill0 = pltpu.make_async_copy(table_sh.at[fidx0], rows0, fill_sem)
    fill1 = pltpu.make_async_copy(table_sh.at[fidx1], rows1, fill_sem)
    fill0.start()
    fill1.start()

    iota = lax.iota(jnp.int32, L)
    bigloc = jnp.full((L,), jnp.int32(BIGLOC))
    trashv = jnp.full((L,), jnp.int32(TRASH))
    lane0 = jnp.zeros((L,), jnp.int32)

    def phase1(k, carry):
        for u in range(U):
            g = k * U + u
            xv = idx_v[pl.ds(g * L, L)]
            q = plsc.cumsum(xv)
            qbuf[pl.ds(g * L, L)] = q
            cnt_sm[g] = jnp.max(q)
        return carry

    lax.fori_loop(0, NG // U, phase1, 0)

    def phase2(k, c):
        for u in range(U):
            g = k * U + u
            base_sm[g] = c
            c = c + cnt_sm[g]
        return c

    c1 = lax.fori_loop(0, NG // U, phase2, jnp.int32(0))
    c0 = B_PER_W - c1

    fill0.wait()
    fill1.wait()

    def fire0(k, carry):
        pltpu.make_async_copy(
            rows0, out_hbm.at[flat0.at[pl.ds(k * CHUNK, CHUNK)]], sc_sem
        ).start()
        return carry

    def fire1(k, carry):
        pltpu.make_async_copy(
            rows1, out_hbm.at[flat1.at[pl.ds(k * CHUNK, CHUNK)]], sc_sem
        ).start()
        return carry

    k0_fired = jnp.int32(0)
    k1_fired = jnp.int32(0)
    for s in range(SLICE):
        def phase3(k, carry):
            for u in range(U):
                g = s * NGS + k * U + u
                b1s = base_sm[g]
                b1 = jnp.full((L,), b1s)
                b0 = jnp.full((L,), g * L - b1s)
                q = qbuf[pl.ds(g * L, L)]
                xv = idx_v[pl.ds(g * L, L)]
                m0 = xv == 0
                rowid = base + g * L + iota
                pos0 = jnp.minimum(
                    b0 + jnp.where(m0, iota - q, bigloc), trashv)
                pos1 = jnp.minimum(
                    b1 + jnp.where(m0, bigloc, q - 1), trashv)
                plsc.store_scatter(flat0, [pos0], rowid)
                plsc.store_scatter(flat1, [pos1], rowid)
            return carry

        lax.fori_loop(0, NGS // U, phase3, 0)

        if s < SLICE - 1:
            gn = (s + 1) * NGS
            b1n = base_sm[gn]
            b0n = gn * L - b1n
            k0_done = b0n // CHUNK
            k1_done = b1n // CHUNK
            lax.fori_loop(k0_fired, k0_done, fire0, 0)
            lax.fori_loop(k1_fired, k1_done, fire1, 0)
            k0_fired = k0_done
            k1_fired = k1_done

    def _bcast_lane0(v):
        return lax.gather(
            v, lane0[:, None],
            lax.GatherDimensionNumbers(
                offset_dims=(), collapsed_slice_dims=(0,),
                start_index_map=(0,)),
            slice_sizes=(1,),
            mode=lax.GatherScatterMode.PROMISE_IN_BOUNDS)

    pad0 = _bcast_lane0(flat0[pl.ds(0, L)])
    pad1 = _bcast_lane0(flat1[pl.ds(0, L)])
    for k in range(CHUNK // L):
        plsc.store_scatter(flat0, [c0 + k * L + iota], pad0)
        plsc.store_scatter(flat1, [c1 + k * L + iota], pad1)

    nch0 = (c0 + CHUNK - 1) // CHUNK
    nch1 = (c1 + CHUNK - 1) // CHUNK
    lax.fori_loop(k0_fired, nch0, fire0, 0)
    lax.fori_loop(k1_fired, nch1, fire1, 0)

    def drain(k, carry):
        pltpu.make_async_copy(
            rows0, out_hbm.at[flat0.at[pl.ds(0, CHUNK)]], sc_sem
        ).wait()
        return carry

    lax.fori_loop(0, nch0 + nch1, drain, 0)


def kernel(x, lin):
    out = _lookup(x.astype(jnp.int32), lin)
    return out.reshape(B, 1, D)

# --- scband reference (transcript-rebuilt; emitter-appended) ---
"""Pipeline reference for scband-edge-mask-encoder-73778948210958 (READ-ONLY COPY).

The authoritative reference and input builder live on the scoring server;
editing this copy changes nothing except your own understanding.
"""

import jax, jax.numpy as jnp
import numpy as np


def setup_inputs(seed: int = 0) -> dict:
    key = jax.random.key(seed)
    k1, k2 = jax.random.split(key)
    x = jax.random.randint(k1, (320000,), 0, 2, dtype=jnp.int64 if jax.config.jax_enable_x64 else jnp.int32)
    lin = jax.random.normal(k2, (2, 128), dtype=jnp.float32)
    return {"x": x, "lin": lin}


def reference(x, lin):
    # Faithful translation of EdgeMaskEncoder.forward
    if x.ndim == 1:
        x = x[:, None]
    out = jnp.take(lin, x, axis=0)  # lin[x] -> [B, 1, hidden_dim]
    return out

if __name__ == "__main__":
    import jax
    _d = setup_inputs()
    print(jax.jit(kernel)(*tuple(_d.values())))

</pallas_src>

<mosaic_0001>
#map = affine_map<(d0, d1) -> (0)>
#map1 = affine_map<(d0, d1) -> (0, 0)>
module attributes {stable_mosaic.version = 14 : i64} {
  func.func @_lookup(%arg0: i32, %arg1: i32, %arg2: memref<320000xi32, #tpu.memory_space<hbm>>, %arg3: memref<2x128xf32, #tpu.memory_space<hbm>>, %arg4: memref<320000x128xf32, #tpu.memory_space<hbm>>, %arg5: memref<10000xi32, #tpu.memory_space<vmem>>, %arg6: memref<10336xi32, #tpu.memory_space<vmem>>, %arg7: memref<10336xi32, #tpu.memory_space<vmem>>, %arg8: memref<320x128xf32, #tpu.memory_space<vmem>>, %arg9: memref<320x128xf32, #tpu.memory_space<vmem>>, %arg10: memref<10000xi32, #tpu.memory_space<vmem>>, %arg11: memref<320xi32, #tpu.memory_space<vmem>>, %arg12: memref<320xi32, #tpu.memory_space<vmem>>, %arg13: memref<625xi32, #tpu.memory_space<smem>>, %arg14: memref<625xi32, #tpu.memory_space<smem>>, %arg15: memref<2x128xf32, #tpu.memory_space<vmem_shared>>, %arg16: memref<!tpu.dma_semaphore, #tpu.memory_space<semaphore_mem>>, %arg17: memref<!tpu.dma_semaphore, #tpu.memory_space<semaphore_mem>>) attributes {dimension_semantics = [#tpu.dimension_semantics<core_parallel>, #tpu.dimension_semantics<subcore_parallel>], iteration_bounds = array<i64: 2, 16>, scalar_prefetch = 0 : i64, scratch_operands = 13 : i64, tpu.core_type = #tpu.core_type<sc_vector_subcore>, window_params = [{transform_indices = #map}, {transform_indices = #map1}, {transform_indices = #map1}]} {
    %mul3A = arith.constant 2 : i32
    %mul3A_0 = arith.muli %arg1, %mul3A : i32
    %add3A = arith.addi %mul3A_0, %arg0 : i32
    %mul3A_1 = arith.constant 10000 : i32
    %mul3A_2 = arith.muli %add3A, %mul3A_1 : i32
    %eq3A = arith.constant 0 : i32
    %eq3A_3 = arith.cmpi eq, %arg1, %eq3A : i32
    %convert_element_type3A = arith.extui %eq3A_3 : i1 to i32
    %cond3A = arith.constant 0 : i32
    %cond3A_4 = arith.cmpi ne, %convert_element_type3A, %cond3A : i32
    scf.if %cond3A_4 {
      "tpu.region"() ({
        %run_scoped3A = tpu.sem_alloc : memref<!tpu.dma_semaphore, #tpu.memory_space<semaphore_mem>>
        tpu.enqueue_dma source(%arg3 : memref<2x128xf32, #tpu.memory_space<hbm>>) target(%arg15 : memref<2x128xf32, #tpu.memory_space<vmem_shared>>) target_semaphore(%run_scoped3A : memref<!tpu.dma_semaphore, #tpu.memory_space<semaphore_mem>>)
        tpu.wait_dma2 semaphore(%run_scoped3A : memref<!tpu.dma_semaphore, #tpu.memory_space<semaphore_mem>>) src(%arg3 : memref<2x128xf32, #tpu.memory_space<hbm>>) dst(%arg15 : memref<2x128xf32, #tpu.memory_space<vmem_shared>>)
        tpu.yield
      }) : () -> ()
    } else {
    }
    "tpu.region"() ({
      %run_scoped3A = tpu.sem_alloc : memref<!tpu.dma_semaphore, #tpu.memory_space<semaphore_mem>>
      %dma_start3A_677 = tpu.memref_slice %arg2[%mul3A_2] : memref<320000xi32, #tpu.memory_space<hbm>> -> memref<10000xi32, #tpu.memory_space<hbm>>
      %dma_start3A_678 = tpu.memref_slice %arg2[%mul3A_2] : memref<320000xi32, #tpu.memory_space<hbm>> -> memref<10000xi32, #tpu.memory_space<hbm>>
      tpu.enqueue_dma source(%dma_start3A_678 : memref<10000xi32, #tpu.memory_space<hbm>>) target(%arg5 : memref<10000xi32, #tpu.memory_space<vmem>>) target_semaphore(%run_scoped3A : memref<!tpu.dma_semaphore, #tpu.memory_space<semaphore_mem>>)
      %dma_wait3A_679 = tpu.memref_slice %arg2[%mul3A_2] : memref<320000xi32, #tpu.memory_space<hbm>> -> memref<10000xi32, #tpu.memory_space<hbm>>
      %dma_wait3A_680 = tpu.memref_slice %arg2[%mul3A_2] : memref<320000xi32, #tpu.memory_space<hbm>> -> memref<10000xi32, #tpu.memory_space<hbm>>
      tpu.wait_dma2 semaphore(%run_scoped3A : memref<!tpu.dma_semaphore, #tpu.memory_space<semaphore_mem>>) src(%dma_wait3A_680 : memref<10000xi32, #tpu.memory_space<hbm>>) dst(%arg5 : memref<10000xi32, #tpu.memory_space<vmem>>)
      tpu.yield
    }) : () -> ()
    %barrier3A = arith.constant 0 : index
    tpu.barrier barrier_id(%barrier3A)
    %broadcast_in_dim3A = arith.constant 0 : i32
    %broadcast_in_dim3A_5 = vector.broadcast %broadcast_in_dim3A : i32 to vector<16xi32>
    %broadcast_in_dim3A_6 = arith.constant 1 : i32
    %broadcast_in_dim3A_7 = vector.broadcast %broadcast_in_dim3A_6 : i32 to vector<16xi32>
    %swap3A = arith.constant 0 : index
    %swap3A_8 = tpu.vector_load %arg11[%swap3A] {strides = array<i32>} : memref<320xi32, #tpu.memory_space<vmem>>, vector<16xi32>,
    tpu.vector_store %arg11[%swap3A], %broadcast_in_dim3A_5 {strides = array<i32>} : memref<320xi32, #tpu.memory_space<vmem>>, vector<16xi32>,
    %swap3A_9 = arith.constant 0 : index
    %swap3A_10 = tpu.vector_load %arg12[%swap3A_9] {strides = array<i32>} : memref<320xi32, #tpu.memory_space<vmem>>, vector<16xi32>,
    tpu.vector_store %arg12[%swap3A_9], %broadcast_in_dim3A_7 {strides = array<i32>} : memref<320xi32, #tpu.memory_space<vmem>>, vector<16xi32>,
    %swap3A_11 = arith.constant 16 : index
    %swap3A_12 = tpu.vector_load %arg11[%swap3A_11] {strides = array<i32>} : memref<320xi32, #tpu.memory_space<vmem>>, vector<16xi32>,
    tpu.vector_store %arg11[%swap3A_11], %broadcast_in_dim3A_5 {strides = array<i32>} : memref<320xi32, #tpu.memory_space<vmem>>, vector<16xi32>,
    %swap3A_13 = arith.constant 16 : index
    %swap3A_14 = tpu.vector_load %arg12[%swap3A_13] {strides = array<i32>} : memref<320xi32, #tpu.memory_space<vmem>>, vector<16xi32>,
    tpu.vector_store %arg12[%swap3A_13], %broadcast_in_dim3A_7 {strides = array<i32>} : memref<320xi32, #tpu.memory_space<vmem>>, vector<16xi32>,
    %swap3A_15 = arith.constant 32 : index
    %swap3A_16 = tpu.vector_load %arg11[%swap3A_15] {strides = array<i32>} : memref<320xi32, #tpu.memory_space<vmem>>, vector<16xi32>,
    tpu.vector_store %arg11[%swap3A_15], %broadcast_in_dim3A_5 {strides = array<i32>} : memref<320xi32, #tpu.memory_space<vmem>>, vector<16xi32>,
    %swap3A_17 = arith.constant 32 : index
    %swap3A_18 = tpu.vector_load %arg12[%swap3A_17] {strides = array<i32>} : memref<320xi32, #tpu.memory_space<vmem>>, vector<16xi32>,
    tpu.vector_store %arg12[%swap3A_17], %broadcast_in_dim3A_7 {strides = array<i32>} : memref<320xi32, #tpu.memory_space<vmem>>, vector<16xi32>,
    %swap3A_19 = arith.constant 48 : index
    %swap3A_20 = tpu.vector_load %arg11[%swap3A_19] {strides = array<i32>} : memref<320xi32, #tpu.memory_space<vmem>>, vector<16xi32>,
    tpu.vector_store %arg11[%swap3A_19], %broadcast_in_dim3A_5 {strides = array<i32>} : memref<320xi32, #tpu.memory_space<vmem>>, vector<16xi32>,
    %swap3A_21 = arith.constant 48 : index
    %swap3A_22 = tpu.vector_load %arg12[%swap3A_21] {strides = array<i32>} : memref<320xi32, #tpu.memory_space<vmem>>, vector<16xi32>,
    tpu.vector_store %arg12[%swap3A_21], %broadcast_in_dim3A_7 {strides = array<i32>} : memref<320xi32, #tpu.memory_space<vmem>>, vector<16xi32>,
    %swap3A_23 = arith.constant 64 : index
    %swap3A_24 = tpu.vector_load %arg11[%swap3A_23] {strides = array<i32>} : memref<320xi32, #tpu.memory_space<vmem>>, vector<16xi32>,
    tpu.vector_store %arg11[%swap3A_23], %broadcast_in_dim3A_5 {strides = array<i32>} : memref<320xi32, #tpu.memory_space<vmem>>, vector<16xi32>,
    %swap3A_25 = arith.constant 64 : index
    %swap3A_26 = tpu.vector_load %arg12[%swap3A_25] {strides = array<i32>} : memref<320xi32, #tpu.memory_space<vmem>>, vector<16xi32>,
    tpu.vector_store %arg12[%swap3A_25], %broadcast_in_dim3A_7 {strides = array<i32>} : memref<320xi32, #tpu.memory_space<vmem>>, vector<16xi32>,
    %swap3A_27 = arith.constant 80 : index
    %swap3A_28 = tpu.vector_load %arg11[%swap3A_27] {strides = array<i32>} : memref<320xi32, #tpu.memory_space<vmem>>, vector<16xi32>,
    tpu.vector_store %arg11[%swap3A_27], %broadcast_in_dim3A_5 {strides = array<i32>} : memref<320xi32, #tpu.memory_space<vmem>>, vector<16xi32>,
    %swap3A_29 = arith.constant 80 : index
    %swap3A_30 = tpu.vector_load %arg12[%swap3A_29] {strides = array<i32>} : memref<320xi32, #tpu.memory_space<vmem>>, vector<16xi32>,
    tpu.vector_store %arg12[%swap3A_29], %broadcast_in_dim3A_7 {strides = array<i32>} : memref<320xi32, #tpu.memory_space<vmem>>, vector<16xi32>,
    %swap3A_31 = arith.constant 96 : index
    %swap3A_32 = tpu.vector_load %arg11[%swap3A_31] {strides = array<i32>} : memref<320xi32, #tpu.memory_space<vmem>>, vector<16xi32>,
    tpu.vector_store %arg11[%swap3A_31], %broadcast_in_dim3A_5 {strides = array<i32>} : memref<320xi32, #tpu.memory_space<vmem>>, vector<16xi32>,
    %swap3A_33 = arith.constant 96 : index
    %swap3A_34 = tpu.vector_load %arg12[%swap3A_33] {strides = array<i32>} : memref<320xi32, #tpu.memory_space<vmem>>, vector<16xi32>,
    tpu.vector_store %arg12[%swap3A_33], %broadcast_in_dim3A_7 {strides = array<i32>} : memref<320xi32, #tpu.memory_space<vmem>>, vector<16xi32>,
    %swap3A_35 = arith.constant 112 : index
    %swap3A_36 = tpu.vector_load %arg11[%swap3A_35] {strides = array<i32>} : memref<320xi32, #tpu.memory_space<vmem>>, vector<16xi32>,
    tpu.vector_store %arg11[%swap3A_35], %broadcast_in_dim3A_5 {strides = array<i32>} : memref<320xi32, #tpu.memory_space<vmem>>, vector<16xi32>,
    %swap3A_37 = arith.constant 112 : index
    %swap3A_38 = tpu.vector_load %arg12[%swap3A_37] {strides = array<i32>} : memref<320xi32, #tpu.memory_space<vmem>>, vector<16xi32>,
    tpu.vector_store %arg12[%swap3A_37], %broadcast_in_dim3A_7 {strides = array<i32>} : memref<320xi32, #tpu.memory_space<vmem>>, vector<16xi32>,
    %swap3A_39 = arith.constant 128 : index
    %swap3A_40 = tpu.vector_load %arg11[%swap3A_39] {strides = array<i32>} : memref<320xi32, #tpu.memory_space<vmem>>, vector<16xi32>,
    tpu.vector_store %arg11[%swap3A_39], %broadcast_in_dim3A_5 {strides = array<i32>} : memref<320xi32, #tpu.memory_space<vmem>>, vector<16xi32>,
    %swap3A_41 = arith.constant 128 : index
    %swap3A_42 = tpu.vector_load %arg12[%swap3A_41] {strides = array<i32>} : memref<320xi32, #tpu.memory_space<vmem>>, vector<16xi32>,
    tpu.vector_store %arg12[%swap3A_41], %broadcast_in_dim3A_7 {strides = array<i32>} : memref<320xi32, #tpu.memory_space<vmem>>, vector<16xi32>,
    %swap3A_43 = arith.constant 144 : index
    %swap3A_44 = tpu.vector_load %arg11[%swap3A_43] {strides = array<i32>} : memref<320xi32, #tpu.memory_space<vmem>>, vector<16xi32>,
    tpu.vector_store %arg11[%swap3A_43], %broadcast_in_dim3A_5 {strides = array<i32>} : memref<320xi32, #tpu.memory_space<vmem>>, vector<16xi32>,
    %swap3A_45 = arith.constant 144 : index
    %swap3A_46 = tpu.vector_load %arg12[%swap3A_45] {strides = array<i32>} : memref<320xi32, #tpu.memory_space<vmem>>, vector<16xi32>,
    tpu.vector_store %arg12[%swap3A_45], %broadcast_in_dim3A_7 {strides = array<i32>} : memref<320xi32, #tpu.memory_space<vmem>>, vector<16xi32>,
    %swap3A_47 = arith.constant 160 : index
    %swap3A_48 = tpu.vector_load %arg11[%swap3A_47] {strides = array<i32>} : memref<320xi32, #tpu.memory_space<vmem>>, vector<16xi32>,
    tpu.vector_store %arg11[%swap3A_47], %broadcast_in_dim3A_5 {strides = array<i32>} : memref<320xi32, #tpu.memory_space<vmem>>, vector<16xi32>,
    %swap3A_49 = arith.constant 160 : index
    %swap3A_50 = tpu.vector_load %arg12[%swap3A_49] {strides = array<i32>} : memref<320xi32, #tpu.memory_space<vmem>>, vector<16xi32>,
    tpu.vector_store %arg12[%swap3A_49], %broadcast_in_dim3A_7 {strides = array<i32>} : memref<320xi32, #tpu.memory_space<vmem>>, vector<16xi32>,
    %swap3A_51 = arith.constant 176 : index
    %swap3A_52 = tpu.vector_load %arg11[%swap3A_51] {strides = array<i32>} : memref<320xi32, #tpu.memory_space<vmem>>, vector<16xi32>,
    tpu.vector_store %arg11[%swap3A_51], %broadcast_in_dim3A_5 {strides = array<i32>} : memref<320xi32, #tpu.memory_space<vmem>>, vector<16xi32>,
    %swap3A_53 = arith.constant 176 : index
    %swap3A_54 = tpu.vector_load %arg12[%swap3A_53] {strides = array<i32>} : memref<320xi32, #tpu.memory_space<vmem>>, vector<16xi32>,
    tpu.vector_store %arg12[%swap3A_53], %broadcast_in_dim3A_7 {strides = array<i32>} : memref<320xi32, #tpu.memory_space<vmem>>, vector<16xi32>,
    %swap3A_55 = arith.constant 192 : index
    %swap3A_56 = tpu.vector_load %arg11[%swap3A_55] {strides = array<i32>} : memref<320xi32, #tpu.memory_space<vmem>>, vector<16xi32>,
    tpu.vector_store %arg11[%swap3A_55], %broadcast_in_dim3A_5 {strides = array<i32>} : memref<320xi32, #tpu.memory_space<vmem>>, vector<16xi32>,
    %swap3A_57 = arith.constant 192 : index
    %swap3A_58 = tpu.vector_load %arg12[%swap3A_57] {strides = array<i32>} : memref<320xi32, #tpu.memory_space<vmem>>, vector<16xi32>,
    tpu.vector_store %arg12[%swap3A_57], %broadcast_in_dim3A_7 {strides = array<i32>} : memref<320xi32, #tpu.memory_space<vmem>>, vector<16xi32>,
    %swap3A_59 = arith.constant 208 : index
    %swap3A_60 = tpu.vector_load %arg11[%swap3A_59] {strides = array<i32>} : memref<320xi32, #tpu.memory_space<vmem>>, vector<16xi32>,
    tpu.vector_store %arg11[%swap3A_59], %broadcast_in_dim3A_5 {strides = array<i32>} : memref<320xi32, #tpu.memory_space<vmem>>, vector<16xi32>,
    %swap3A_61 = arith.constant 208 : index
    %swap3A_62 = tpu.vector_load %arg12[%swap3A_61] {strides = array<i32>} : memref<320xi32, #tpu.memory_space<vmem>>, vector<16xi32>,
    tpu.vector_store %arg12[%swap3A_61], %broadcast_in_dim3A_7 {strides = array<i32>} : memref<320xi32, #tpu.memory_space<vmem>>, vector<16xi32>,
    %swap3A_63 = arith.constant 224 : index
    %swap3A_64 = tpu.vector_load %arg11[%swap3A_63] {strides = array<i32>} : memref<320xi32, #tpu.memory_space<vmem>>, vector<16xi32>,
    tpu.vector_store %arg11[%swap3A_63], %broadcast_in_dim3A_5 {strides = array<i32>} : memref<320xi32, #tpu.memory_space<vmem>>, vector<16xi32>,
    %swap3A_65 = arith.constant 224 : index
    %swap3A_66 = tpu.vector_load %arg12[%swap3A_65] {strides = array<i32>} : memref<320xi32, #tpu.memory_space<vmem>>, vector<16xi32>,
    tpu.vector_store %arg12[%swap3A_65], %broadcast_in_dim3A_7 {strides = array<i32>} : memref<320xi32, #tpu.memory_space<vmem>>, vector<16xi32>,
    %swap3A_67 = arith.constant 240 : index
    %swap3A_68 = tpu.vector_load %arg11[%swap3A_67] {strides = array<i32>} : memref<320xi32, #tpu.memory_space<vmem>>, vector<16xi32>,
    tpu.vector_store %arg11[%swap3A_67], %broadcast_in_dim3A_5 {strides = array<i32>} : memref<320xi32, #tpu.memory_space<vmem>>, vector<16xi32>,
    %swap3A_69 = arith.constant 240 : index
    %swap3A_70 = tpu.vector_load %arg12[%swap3A_69] {strides = array<i32>} : memref<320xi32, #tpu.memory_space<vmem>>, vector<16xi32>,
    tpu.vector_store %arg12[%swap3A_69], %broadcast_in_dim3A_7 {strides = array<i32>} : memref<320xi32, #tpu.memory_space<vmem>>, vector<16xi32>,
    %swap3A_71 = arith.constant 256 : index
    %swap3A_72 = tpu.vector_load %arg11[%swap3A_71] {strides = array<i32>} : memref<320xi32, #tpu.memory_space<vmem>>, vector<16xi32>,
    tpu.vector_store %arg11[%swap3A_71], %broadcast_in_dim3A_5 {strides = array<i32>} : memref<320xi32, #tpu.memory_space<vmem>>, vector<16xi32>,
    %swap3A_73 = arith.constant 256 : index
    %swap3A_74 = tpu.vector_load %arg12[%swap3A_73] {strides = array<i32>} : memref<320xi32, #tpu.memory_space<vmem>>, vector<16xi32>,
    tpu.vector_store %arg12[%swap3A_73], %broadcast_in_dim3A_7 {strides = array<i32>} : memref<320xi32, #tpu.memory_space<vmem>>, vector<16xi32>,
    %swap3A_75 = arith.constant 272 : index
    %swap3A_76 = tpu.vector_load %arg11[%swap3A_75] {strides = array<i32>} : memref<320xi32, #tpu.memory_space<vmem>>, vector<16xi32>,
    tpu.vector_store %arg11[%swap3A_75], %broadcast_in_dim3A_5 {strides = array<i32>} : memref<320xi32, #tpu.memory_space<vmem>>, vector<16xi32>,
    %swap3A_77 = arith.constant 272 : index
    %swap3A_78 = tpu.vector_load %arg12[%swap3A_77] {strides = array<i32>} : memref<320xi32, #tpu.memory_space<vmem>>, vector<16xi32>,
    tpu.vector_store %arg12[%swap3A_77], %broadcast_in_dim3A_7 {strides = array<i32>} : memref<320xi32, #tpu.memory_space<vmem>>, vector<16xi32>,
    %swap3A_79 = arith.constant 288 : index
    %swap3A_80 = tpu.vector_load %arg11[%swap3A_79] {strides = array<i32>} : memref<320xi32, #tpu.memory_space<vmem>>, vector<16xi32>,
    tpu.vector_store %arg11[%swap3A_79], %broadcast_in_dim3A_5 {strides = array<i32>} : memref<320xi32, #tpu.memory_space<vmem>>, vector<16xi32>,
    %swap3A_81 = arith.constant 288 : index
    %swap3A_82 = tpu.vector_load %arg12[%swap3A_81] {strides = array<i32>} : memref<320xi32, #tpu.memory_space<vmem>>, vector<16xi32>,
    tpu.vector_store %arg12[%swap3A_81], %broadcast_in_dim3A_7 {strides = array<i32>} : memref<320xi32, #tpu.memory_space<vmem>>, vector<16xi32>,
    %swap3A_83 = arith.constant 304 : index
    %swap3A_84 = tpu.vector_load %arg11[%swap3A_83] {strides = array<i32>} : memref<320xi32, #tpu.memory_space<vmem>>, vector<16xi32>,
    tpu.vector_store %arg11[%swap3A_83], %broadcast_in_dim3A_5 {strides = array<i32>} : memref<320xi32, #tpu.memory_space<vmem>>, vector<16xi32>,
    %swap3A_85 = arith.constant 304 : index
    %swap3A_86 = tpu.vector_load %arg12[%swap3A_85] {strides = array<i32>} : memref<320xi32, #tpu.memory_space<vmem>>, vector<16xi32>,
    tpu.vector_store %arg12[%swap3A_85], %broadcast_in_dim3A_7 {strides = array<i32>} : memref<320xi32, #tpu.memory_space<vmem>>, vector<16xi32>,
    %dma_start3A = arith.constant 0 : i32
    %dma_start3A_87 = arith.constant 0 : i32
    %dma_start3A_88 = tpu.memref_slice %arg15[%dma_start3A, %dma_start3A_87] : memref<2x128xf32, #tpu.memory_space<vmem_shared>> -> memref<2x128xf32, #tpu.memory_space<vmem_shared>>
    tpu.enqueue_indirect_dma source(%dma_start3A_88 : memref<2x128xf32, #tpu.memory_space<vmem_shared>>) target(%arg8 : memref<320x128xf32, #tpu.memory_space<vmem>>) offsets(%arg11 : memref<320xi32, #tpu.memory_space<vmem>>) semaphore(%arg16 : memref<!tpu.dma_semaphore, #tpu.memory_space<semaphore_mem>>)
    %dma_start3A_89 = arith.constant 0 : i32
    %dma_start3A_90 = arith.constant 0 : i32
    %dma_start3A_91 = tpu.memref_slice %arg15[%dma_start3A_89, %dma_start3A_90] : memref<2x128xf32, #tpu.memory_space<vmem_shared>> -> memref<2x128xf32, #tpu.memory_space<vmem_shared>>
    tpu.enqueue_indirect_dma source(%dma_start3A_91 : memref<2x128xf32, #tpu.memory_space<vmem_shared>>) target(%arg9 : memref<320x128xf32, #tpu.memory_space<vmem>>) offsets(%arg12 : memref<320xi32, #tpu.memory_space<vmem>>) semaphore(%arg16 : memref<!tpu.dma_semaphore, #tpu.memory_space<semaphore_mem>>)
    %iota3A = tpu.iota {dimensions = array<i32: 0>} : vector<16xi32>
    %broadcast_in_dim3A_92 = arith.constant 1048576 : i32
    %broadcast_in_dim3A_93 = vector.broadcast %broadcast_in_dim3A_92 : i32 to vector<16xi32>
    %broadcast_in_dim3A_94 = arith.constant 10320 : i32
    %broadcast_in_dim3A_95 = vector.broadcast %broadcast_in_dim3A_94 : i32 to vector<16xi32>
    %broadcast_in_dim3A_96 = arith.constant 0 : i32
    %broadcast_in_dim3A_97 = vector.broadcast %broadcast_in_dim3A_96 : i32 to vector<16xi32>
    %scan3A = arith.constant 0 : i32
    %scan3A_98 = arith.constant 0 : i32
    %scan3A_99 = arith.constant 125 : i32
    %scan3A_100 = arith.addi %scan3A_98, %scan3A_99 : i32
    %scan3A_101 = arith.constant 1 : i32
    scf.for %scan3A_677 = %scan3A_98 to %scan3A_100 step %scan3A_101  : i32 {
      %mul3A_678 = arith.constant 5 : i32
      %mul3A_679 = arith.muli %scan3A_677, %mul3A_678 : i32
      %add3A_680 = arith.constant 0 : i32
      %add3A_681 = arith.addi %mul3A_679, %add3A_680 : i32
      %mul3A_682 = arith.constant 16 : i32
      %mul3A_683 = arith.muli %add3A_681, %mul3A_682 : i32
      %get3A_684 = arith.index_cast %mul3A_683 : i32 to index
      %get3A_685 = tpu.vector_load %arg5[%get3A_684] {strides = array<i32>} : memref<10000xi32, #tpu.memory_space<vmem>>, vector<16xi32>,
      %broadcast_in_dim3A_686 = arith.constant true
      %broadcast_in_dim3A_687 = vector.broadcast %broadcast_in_dim3A_686 : i1 to vector<16xi1>
      %masked_cumsum3A = tpu.scan <sum>, %get3A_685 masked %broadcast_in_dim3A_687 : vector<16xi32>, vector<16xi1> -> vector<16xi32>
      %mul3A_688 = arith.constant 16 : i32
      %mul3A_689 = arith.muli %add3A_681, %mul3A_688 : i32
      %swap3A_690 = arith.index_cast %mul3A_689 : i32 to index
      %swap3A_691 = tpu.vector_load %arg10[%swap3A_690] {strides = array<i32>} : memref<10000xi32, #tpu.memory_space<vmem>>, vector<16xi32>,
      tpu.vector_store %arg10[%swap3A_690], %masked_cumsum3A {strides = array<i32>} : memref<10000xi32, #tpu.memory_space<vmem>>, vector<16xi32>,
      %reduce_max3A = arith.constant true
      %reduce_max3A_692 = vector.broadcast %reduce_max3A : i1 to vector<16xi1>
      %reduce_max3A_693 = arith.constant -2147483648 : i32
      %reduce_max3A_694 = vector.broadcast %reduce_max3A_693 : i32 to vector<16xi32>
      %reduce_max3A_695 = arith.xori %masked_cumsum3A, %reduce_max3A_694 : vector<16xi32>
      %reduce_max3A_696 = tpu.scan <max>, %reduce_max3A_695 masked %reduce_max3A_692 : vector<16xi32>, vector<16xi1> -> vector<16xi32>
      %reduce_max3A_697 = arith.xori %reduce_max3A_696, %reduce_max3A_694 : vector<16xi32>
      %reduce_max3A_698 = vector.extract %reduce_max3A_697[15] : i32 from vector<16xi32>
      %swap3A_699 = arith.index_cast %add3A_681 : i32 to index
      %swap3A_700 = memref.load %arg13[%swap3A_699] : memref<625xi32, #tpu.memory_space<smem>>
      memref.store %reduce_max3A_698, %arg13[%swap3A_699] : memref<625xi32, #tpu.memory_space<smem>>
      %mul3A_701 = arith.constant 5 : i32
      %mul3A_702 = arith.muli %scan3A_677, %mul3A_701 : i32
      %add3A_703 = arith.constant 1 : i32
      %add3A_704 = arith.addi %mul3A_702, %add3A_703 : i32
      %mul3A_705 = arith.constant 16 : i32
      %mul3A_706 = arith.muli %add3A_704, %mul3A_705 : i32
      %get3A_707 = arith.index_cast %mul3A_706 : i32 to index
      %get3A_708 = tpu.vector_load %arg5[%get3A_707] {strides = array<i32>} : memref<10000xi32, #tpu.memory_space<vmem>>, vector<16xi32>,
      %broadcast_in_dim3A_709 = arith.constant true
      %broadcast_in_dim3A_710 = vector.broadcast %broadcast_in_dim3A_709 : i1 to vector<16xi1>
      %masked_cumsum3A_711 = tpu.scan <sum>, %get3A_708 masked %broadcast_in_dim3A_710 : vector<16xi32>, vector<16xi1> -> vector<16xi32>
      %mul3A_712 = arith.constant 16 : i32
      %mul3A_713 = arith.muli %add3A_704, %mul3A_712 : i32
      %swap3A_714 = arith.index_cast %mul3A_713 : i32 to index
      %swap3A_715 = tpu.vector_load %arg10[%swap3A_714] {strides = array<i32>} : memref<10000xi32, #tpu.memory_space<vmem>>, vector<16xi32>,
      tpu.vector_store %arg10[%swap3A_714], %masked_cumsum3A_711 {strides = array<i32>} : memref<10000xi32, #tpu.memory_space<vmem>>, vector<16xi32>,
      %reduce_max3A_716 = arith.constant true
      %reduce_max3A_717 = vector.broadcast %reduce_max3A_716 : i1 to vector<16xi1>
      %reduce_max3A_718 = arith.constant -2147483648 : i32
      %reduce_max3A_719 = vector.broadcast %reduce_max3A_718 : i32 to vector<16xi32>
      %reduce_max3A_720 = arith.xori %masked_cumsum3A_711, %reduce_max3A_719 : vector<16xi32>
      %reduce_max3A_721 = tpu.scan <max>, %reduce_max3A_720 masked %reduce_max3A_717 : vector<16xi32>, vector<16xi1> -> vector<16xi32>
      %reduce_max3A_722 = arith.xori %reduce_max3A_721, %reduce_max3A_719 : vector<16xi32>
      %reduce_max3A_723 = vector.extract %reduce_max3A_722[15] : i32 from vector<16xi32>
      %swap3A_724 = arith.index_cast %add3A_704 : i32 to index
      %swap3A_725 = memref.load %arg13[%swap3A_724] : memref<625xi32, #tpu.memory_space<smem>>
      memref.store %reduce_max3A_723, %arg13[%swap3A_724] : memref<625xi32, #tpu.memory_space<smem>>
      %mul3A_726 = arith.constant 5 : i32
      %mul3A_727 = arith.muli %scan3A_677, %mul3A_726 : i32
      %add3A_728 = arith.constant 2 : i32
      %add3A_729 = arith.addi %mul3A_727, %add3A_728 : i32
      %mul3A_730 = arith.constant 16 : i32
      %mul3A_731 = arith.muli %add3A_729, %mul3A_730 : i32
      %get3A_732 = arith.index_cast %mul3A_731 : i32 to index
      %get3A_733 = tpu.vector_load %arg5[%get3A_732] {strides = array<i32>} : memref<10000xi32, #tpu.memory_space<vmem>>, vector<16xi32>,
      %broadcast_in_dim3A_734 = arith.constant true
      %broadcast_in_dim3A_735 = vector.broadcast %broadcast_in_dim3A_734 : i1 to vector<16xi1>
      %masked_cumsum3A_736 = tpu.scan <sum>, %get3A_733 masked %broadcast_in_dim3A_735 : vector<16xi32>, vector<16xi1> -> vector<16xi32>
      %mul3A_737 = arith.constant 16 : i32
      %mul3A_738 = arith.muli %add3A_729, %mul3A_737 : i32
      %swap3A_739 = arith.index_cast %mul3A_738 : i32 to index
      %swap3A_740 = tpu.vector_load %arg10[%swap3A_739] {strides = array<i32>} : memref<10000xi32, #tpu.memory_space<vmem>>, vector<16xi32>,
      tpu.vector_store %arg10[%swap3A_739], %masked_cumsum3A_736 {strides = array<i32>} : memref<10000xi32, #tpu.memory_space<vmem>>, vector<16xi32>,
      %reduce_max3A_741 = arith.constant true
      %reduce_max3A_742 = vector.broadcast %reduce_max3A_741 : i1 to vector<16xi1>
      %reduce_max3A_743 = arith.constant -2147483648 : i32
      %reduce_max3A_744 = vector.broadcast %reduce_max3A_743 : i32 to vector<16xi32>
      %reduce_max3A_745 = arith.xori %masked_cumsum3A_736, %reduce_max3A_744 : vector<16xi32>
      %reduce_max3A_746 = tpu.scan <max>, %reduce_max3A_745 masked %reduce_max3A_742 : vector<16xi32>, vector<16xi1> -> vector<16xi32>
      %reduce_max3A_747 = arith.xori %reduce_max3A_746, %reduce_max3A_744 : vector<16xi32>
      %reduce_max3A_748 = vector.extract %reduce_max3A_747[15] : i32 from vector<16xi32>
      %swap3A_749 = arith.index_cast %add3A_729 : i32 to index
      %swap3A_750 = memref.load %arg13[%swap3A_749] : memref<625xi32, #tpu.memory_space<smem>>
      memref.store %reduce_max3A_748, %arg13[%swap3A_749] : memref<625xi32, #tpu.memory_space<smem>>
      %mul3A_751 = arith.constant 5 : i32
      %mul3A_752 = arith.muli %scan3A_677, %mul3A_751 : i32
      %add3A_753 = arith.constant 3 : i32
      %add3A_754 = arith.addi %mul3A_752, %add3A_753 : i32
      %mul3A_755 = arith.constant 16 : i32
      %mul3A_756 = arith.muli %add3A_754, %mul3A_755 : i32
      %get3A_757 = arith.index_cast %mul3A_756 : i32 to index
      %get3A_758 = tpu.vector_load %arg5[%get3A_757] {strides = array<i32>} : memref<10000xi32, #tpu.memory_space<vmem>>, vector<16xi32>,
      %broadcast_in_dim3A_759 = arith.constant true
      %broadcast_in_dim3A_760 = vector.broadcast %broadcast_in_dim3A_759 : i1 to vector<16xi1>
      %masked_cumsum3A_761 = tpu.scan <sum>, %get3A_758 masked %broadcast_in_dim3A_760 : vector<16xi32>, vector<16xi1> -> vector<16xi32>
      %mul3A_762 = arith.constant 16 : i32
      %mul3A_763 = arith.muli %add3A_754, %mul3A_762 : i32
      %swap3A_764 = arith.index_cast %mul3A_763 : i32 to index
      %swap3A_765 = tpu.vector_load %arg10[%swap3A_764] {strides = array<i32>} : memref<10000xi32, #tpu.memory_space<vmem>>, vector<16xi32>,
      tpu.vector_store %arg10[%swap3A_764], %masked_cumsum3A_761 {strides = array<i32>} : memref<10000xi32, #tpu.memory_space<vmem>>, vector<16xi32>,
      %reduce_max3A_766 = arith.constant true
      %reduce_max3A_767 = vector.broadcast %reduce_max3A_766 : i1 to vector<16xi1>
      %reduce_max3A_768 = arith.constant -2147483648 : i32
      %reduce_max3A_769 = vector.broadcast %reduce_max3A_768 : i32 to vector<16xi32>
      %reduce_max3A_770 = arith.xori %masked_cumsum3A_761, %reduce_max3A_769 : vector<16xi32>
      %reduce_max3A_771 = tpu.scan <max>, %reduce_max3A_770 masked %reduce_max3A_767 : vector<16xi32>, vector<16xi1> -> vector<16xi32>
      %reduce_max3A_772 = arith.xori %reduce_max3A_771, %reduce_max3A_769 : vector<16xi32>
      %reduce_max3A_773 = vector.extract %reduce_max3A_772[15] : i32 from vector<16xi32>
      %swap3A_774 = arith.index_cast %add3A_754 : i32 to index
      %swap3A_775 = memref.load %arg13[%swap3A_774] : memref<625xi32, #tpu.memory_space<smem>>
      memref.store %reduce_max3A_773, %arg13[%swap3A_774] : memref<625xi32, #tpu.memory_space<smem>>
      %mul3A_776 = arith.constant 5 : i32
      %mul3A_777 = arith.muli %scan3A_677, %mul3A_776 : i32
      %add3A_778 = arith.constant 4 : i32
      %add3A_779 = arith.addi %mul3A_777, %add3A_778 : i32
      %mul3A_780 = arith.constant 16 : i32
      %mul3A_781 = arith.muli %add3A_779, %mul3A_780 : i32
      %get3A_782 = arith.index_cast %mul3A_781 : i32 to index
      %get3A_783 = tpu.vector_load %arg5[%get3A_782] {strides = array<i32>} : memref<10000xi32, #tpu.memory_space<vmem>>, vector<16xi32>,
      %broadcast_in_dim3A_784 = arith.constant true
      %broadcast_in_dim3A_785 = vector.broadcast %broadcast_in_dim3A_784 : i1 to vector<16xi1>
      %masked_cumsum3A_786 = tpu.scan <sum>, %get3A_783 masked %broadcast_in_dim3A_785 : vector<16xi32>, vector<16xi1> -> vector<16xi32>
      %mul3A_787 = arith.constant 16 : i32
      %mul3A_788 = arith.muli %add3A_779, %mul3A_787 : i32
      %swap3A_789 = arith.index_cast %mul3A_788 : i32 to index
      %swap3A_790 = tpu.vector_load %arg10[%swap3A_789] {strides = array<i32>} : memref<10000xi32, #tpu.memory_space<vmem>>, vector<16xi32>,
      tpu.vector_store %arg10[%swap3A_789], %masked_cumsum3A_786 {strides = array<i32>} : memref<10000xi32, #tpu.memory_space<vmem>>, vector<16xi32>,
      %reduce_max3A_791 = arith.constant true
      %reduce_max3A_792 = vector.broadcast %reduce_max3A_791 : i1 to vector<16xi1>
      %reduce_max3A_793 = arith.constant -2147483648 : i32
      %reduce_max3A_794 = vector.broadcast %reduce_max3A_793 : i32 to vector<16xi32>
      %reduce_max3A_795 = arith.xori %masked_cumsum3A_786, %reduce_max3A_794 : vector<16xi32>
      %reduce_max3A_796 = tpu.scan <max>, %reduce_max3A_795 masked %reduce_max3A_792 : vector<16xi32>, vector<16xi1> -> vector<16xi32>
      %reduce_max3A_797 = arith.xori %reduce_max3A_796, %reduce_max3A_794 : vector<16xi32>
      %reduce_max3A_798 = vector.extract %reduce_max3A_797[15] : i32 from vector<16xi32>
      %swap3A_799 = arith.index_cast %add3A_779 : i32 to index
      %swap3A_800 = memref.load %arg13[%swap3A_799] : memref<625xi32, #tpu.memory_space<smem>>
      memref.store %reduce_max3A_798, %arg13[%swap3A_799] : memref<625xi32, #tpu.memory_space<smem>>
    }
    %scan3A_102 = arith.constant 125 : i32
    %scan3A_103 = arith.constant 0 : i32
    %scan3A_104 = arith.constant 0 : i32
    %scan3A_105 = arith.constant 125 : i32
    %scan3A_106 = arith.addi %scan3A_104, %scan3A_105 : i32
    %scan3A_107 = arith.constant 1 : i32
    %scan3A_108 = scf.for %scan3A_677 = %scan3A_104 to %scan3A_106 step %scan3A_107 iter_args(%scan3A_678 = %scan3A_103) -> (i32)  : i32 {
      %mul3A_679 = arith.constant 5 : i32
      %mul3A_680 = arith.muli %scan3A_677, %mul3A_679 : i32
      %add3A_681 = arith.constant 0 : i32
      %add3A_682 = arith.addi %mul3A_680, %add3A_681 : i32
      %swap3A_683 = arith.index_cast %add3A_682 : i32 to index
      %swap3A_684 = memref.load %arg14[%swap3A_683] : memref<625xi32, #tpu.memory_space<smem>>
      memref.store %scan3A_678, %arg14[%swap3A_683] : memref<625xi32, #tpu.memory_space<smem>>
      %get3A_685 = arith.index_cast %add3A_682 : i32 to index
      %get3A_686 = memref.load %arg13[%get3A_685] : memref<625xi32, #tpu.memory_space<smem>>
      %add3A_687 = arith.addi %scan3A_678, %get3A_686 : i32
      %mul3A_688 = arith.constant 5 : i32
      %mul3A_689 = arith.muli %scan3A_677, %mul3A_688 : i32
      %add3A_690 = arith.constant 1 : i32
      %add3A_691 = arith.addi %mul3A_689, %add3A_690 : i32
      %swap3A_692 = arith.index_cast %add3A_691 : i32 to index
      %swap3A_693 = memref.load %arg14[%swap3A_692] : memref<625xi32, #tpu.memory_space<smem>>
      memref.store %add3A_687, %arg14[%swap3A_692] : memref<625xi32, #tpu.memory_space<smem>>
      %get3A_694 = arith.index_cast %add3A_691 : i32 to index
      %get3A_695 = memref.load %arg13[%get3A_694] : memref<625xi32, #tpu.memory_space<smem>>
      %add3A_696 = arith.addi %add3A_687, %get3A_695 : i32
      %mul3A_697 = arith.constant 5 : i32
      %mul3A_698 = arith.muli %scan3A_677, %mul3A_697 : i32
      %add3A_699 = arith.constant 2 : i32
      %add3A_700 = arith.addi %mul3A_698, %add3A_699 : i32
      %swap3A_701 = arith.index_cast %add3A_700 : i32 to index
      %swap3A_702 = memref.load %arg14[%swap3A_701] : memref<625xi32, #tpu.memory_space<smem>>
      memref.store %add3A_696, %arg14[%swap3A_701] : memref<625xi32, #tpu.memory_space<smem>>
      %get3A_703 = arith.index_cast %add3A_700 : i32 to index
      %get3A_704 = memref.load %arg13[%get3A_703] : memref<625xi32, #tpu.memory_space<smem>>
      %add3A_705 = arith.addi %add3A_696, %get3A_704 : i32
      %mul3A_706 = arith.constant 5 : i32
      %mul3A_707 = arith.muli %scan3A_677, %mul3A_706 : i32
      %add3A_708 = arith.constant 3 : i32
      %add3A_709 = arith.addi %mul3A_707, %add3A_708 : i32
      %swap3A_710 = arith.index_cast %add3A_709 : i32 to index
      %swap3A_711 = memref.load %arg14[%swap3A_710] : memref<625xi32, #tpu.memory_space<smem>>
      memref.store %add3A_705, %arg14[%swap3A_710] : memref<625xi32, #tpu.memory_space<smem>>
      %get3A_712 = arith.index_cast %add3A_709 : i32 to index
      %get3A_713 = memref.load %arg13[%get3A_712] : memref<625xi32, #tpu.memory_space<smem>>
      %add3A_714 = arith.addi %add3A_705, %get3A_713 : i32
      %mul3A_715 = arith.constant 5 : i32
      %mul3A_716 = arith.muli %scan3A_677, %mul3A_715 : i32
      %add3A_717 = arith.constant 4 : i32
      %add3A_718 = arith.addi %mul3A_716, %add3A_717 : i32
      %swap3A_719 = arith.index_cast %add3A_718 : i32 to index
      %swap3A_720 = memref.load %arg14[%swap3A_719] : memref<625xi32, #tpu.memory_space<smem>>
      memref.store %add3A_714, %arg14[%swap3A_719] : memref<625xi32, #tpu.memory_space<smem>>
      %get3A_721 = arith.index_cast %add3A_718 : i32 to index
      %get3A_722 = memref.load %arg13[%get3A_721] : memref<625xi32, #tpu.memory_space<smem>>
      %add3A_723 = arith.addi %add3A_714, %get3A_722 : i32
      scf.yield %add3A_723 : i32
    }
    %scan3A_109 = arith.constant 125 : i32
    %sub3A = arith.constant 10000 : i32
    %sub3A_110 = arith.subi %sub3A, %scan3A_108 : i32
    %dma_wait3A = arith.constant 0 : i32
    %dma_wait3A_111 = arith.constant 0 : i32
    %dma_wait3A_112 = tpu.memref_slice %arg15[%dma_wait3A, %dma_wait3A_111] : memref<2x128xf32, #tpu.memory_space<vmem_shared>> -> memref<2x128xf32, #tpu.memory_space<vmem_shared>>
    tpu.wait_indirect_dma semaphore(%arg16 : memref<!tpu.dma_semaphore, #tpu.memory_space<semaphore_mem>>) src(%dma_wait3A_112 : memref<2x128xf32, #tpu.memory_space<vmem_shared>>) dst(%arg8 : memref<320x128xf32, #tpu.memory_space<vmem>>)
    %dma_wait3A_113 = arith.constant 0 : i32
    %dma_wait3A_114 = arith.constant 0 : i32
    %dma_wait3A_115 = tpu.memref_slice %arg15[%dma_wait3A_113, %dma_wait3A_114] : memref<2x128xf32, #tpu.memory_space<vmem_shared>> -> memref<2x128xf32, #tpu.memory_space<vmem_shared>>
    tpu.wait_indirect_dma semaphore(%arg16 : memref<!tpu.dma_semaphore, #tpu.memory_space<semaphore_mem>>) src(%dma_wait3A_115 : memref<2x128xf32, #tpu.memory_space<vmem_shared>>) dst(%arg9 : memref<320x128xf32, #tpu.memory_space<vmem>>)
    %scan3A_116 = arith.constant 0 : i32
    %scan3A_117 = arith.constant 0 : i32
    %scan3A_118 = arith.constant 25 : i32
    %scan3A_119 = arith.addi %scan3A_117, %scan3A_118 : i32
    %scan3A_120 = arith.constant 1 : i32
    scf.for %scan3A_677 = %scan3A_117 to %scan3A_119 step %scan3A_120  : i32 {
      %mul3A_678 = arith.constant 5 : i32
      %mul3A_679 = arith.muli %scan3A_677, %mul3A_678 : i32
      %add3A_680 = arith.constant 0 : i32
      %add3A_681 = arith.addi %add3A_680, %mul3A_679 : i32
      %add3A_682 = arith.constant 0 : i32
      %add3A_683 = arith.addi %add3A_681, %add3A_682 : i32
      %get3A_684 = arith.index_cast %add3A_683 : i32 to index
      %get3A_685 = memref.load %arg14[%get3A_684] : memref<625xi32, #tpu.memory_space<smem>>
      %broadcast_in_dim3A_686 = vector.broadcast %get3A_685 : i32 to vector<16xi32>
      %mul3A_687 = arith.constant 16 : i32
      %mul3A_688 = arith.muli %add3A_683, %mul3A_687 : i32
      %sub3A_689 = arith.subi %mul3A_688, %get3A_685 : i32
      %broadcast_in_dim3A_690 = vector.broadcast %sub3A_689 : i32 to vector<16xi32>
      %mul3A_691 = arith.constant 16 : i32
      %mul3A_692 = arith.muli %add3A_683, %mul3A_691 : i32
      %get3A_693 = arith.index_cast %mul3A_692 : i32 to index
      %get3A_694 = tpu.vector_load %arg10[%get3A_693] {strides = array<i32>} : memref<10000xi32, #tpu.memory_space<vmem>>, vector<16xi32>,
      %mul3A_695 = arith.constant 16 : i32
      %mul3A_696 = arith.muli %add3A_683, %mul3A_695 : i32
      %get3A_697 = arith.index_cast %mul3A_696 : i32 to index
      %get3A_698 = tpu.vector_load %arg5[%get3A_697] {strides = array<i32>} : memref<10000xi32, #tpu.memory_space<vmem>>, vector<16xi32>,
      %eq3A_699 = arith.constant 0 : i32
      %eq3A_700 = vector.broadcast %eq3A_699 : i32 to vector<16xi32>
      %eq3A_701 = arith.cmpi eq, %get3A_698, %eq3A_700 : vector<16xi32>
      %mul3A_702 = arith.constant 16 : i32
      %mul3A_703 = arith.muli %add3A_683, %mul3A_702 : i32
      %add3A_704 = arith.addi %mul3A_2, %mul3A_703 : i32
      %add3A_705 = vector.broadcast %add3A_704 : i32 to vector<16xi32>
      %add3A_706 = arith.addi %add3A_705, %iota3A : vector<16xi32>
      %sub3A_707 = arith.subi %iota3A, %get3A_694 : vector<16xi32>
      %select_n3A_708 = arith.select %eq3A_701, %sub3A_707, %broadcast_in_dim3A_93 : vector<16xi1>, vector<16xi32>
      %add3A_709 = arith.addi %broadcast_in_dim3A_690, %select_n3A_708 : vector<16xi32>
      %min3A = arith.minsi %add3A_709, %broadcast_in_dim3A_95 : vector<16xi32>
      %sub3A_710 = arith.constant 1 : i32
      %sub3A_711 = vector.broadcast %sub3A_710 : i32 to vector<16xi32>
      %sub3A_712 = arith.subi %get3A_694, %sub3A_711 : vector<16xi32>
      %select_n3A_713 = arith.select %eq3A_701, %broadcast_in_dim3A_93, %sub3A_712 : vector<16xi1>, vector<16xi32>
      %add3A_714 = arith.addi %broadcast_in_dim3A_686, %select_n3A_713 : vector<16xi32>
      %min3A_715 = arith.minsi %add3A_714, %broadcast_in_dim3A_95 : vector<16xi32>
      tpu.vector_store_idx %arg6[%min3A], %add3A_706 : memref<10336xi32, #tpu.memory_space<vmem>>[vector<16xi32>], vector<16xi32>,
      tpu.vector_store_idx %arg7[%min3A_715], %add3A_706 : memref<10336xi32, #tpu.memory_space<vmem>>[vector<16xi32>], vector<16xi32>,
      %mul3A_716 = arith.constant 5 : i32
      %mul3A_717 = arith.muli %scan3A_677, %mul3A_716 : i32
      %add3A_718 = arith.constant 0 : i32
      %add3A_719 = arith.addi %add3A_718, %mul3A_717 : i32
      %add3A_720 = arith.constant 1 : i32
      %add3A_721 = arith.addi %add3A_719, %add3A_720 : i32
      %get3A_722 = arith.index_cast %add3A_721 : i32 to index
      %get3A_723 = memref.load %arg14[%get3A_722] : memref<625xi32, #tpu.memory_space<smem>>
      %broadcast_in_dim3A_724 = vector.broadcast %get3A_723 : i32 to vector<16xi32>
      %mul3A_725 = arith.constant 16 : i32
      %mul3A_726 = arith.muli %add3A_721, %mul3A_725 : i32
      %sub3A_727 = arith.subi %mul3A_726, %get3A_723 : i32
      %broadcast_in_dim3A_728 = vector.broadcast %sub3A_727 : i32 to vector<16xi32>
      %mul3A_729 = arith.constant 16 : i32
      %mul3A_730 = arith.muli %add3A_721, %mul3A_729 : i32
      %get3A_731 = arith.index_cast %mul3A_730 : i32 to index
      %get3A_732 = tpu.vector_load %arg10[%get3A_731] {strides = array<i32>} : memref<10000xi32, #tpu.memory_space<vmem>>, vector<16xi32>,
      %mul3A_733 = arith.constant 16 : i32
      %mul3A_734 = arith.muli %add3A_721, %mul3A_733 : i32
      %get3A_735 = arith.index_cast %mul3A_734 : i32 to index
      %get3A_736 = tpu.vector_load %arg5[%get3A_735] {strides = array<i32>} : memref<10000xi32, #tpu.memory_space<vmem>>, vector<16xi32>,
      %eq3A_737 = arith.constant 0 : i32
      %eq3A_738 = vector.broadcast %eq3A_737 : i32 to vector<16xi32>
      %eq3A_739 = arith.cmpi eq, %get3A_736, %eq3A_738 : vector<16xi32>
      %mul3A_740 = arith.constant 16 : i32
      %mul3A_741 = arith.muli %add3A_721, %mul3A_740 : i32
      %add3A_742 = arith.addi %mul3A_2, %mul3A_741 : i32
      %add3A_743 = vector.broadcast %add3A_742 : i32 to vector<16xi32>
      %add3A_744 = arith.addi %add3A_743, %iota3A : vector<16xi32>
      %sub3A_745 = arith.subi %iota3A, %get3A_732 : vector<16xi32>
      %select_n3A_746 = arith.select %eq3A_739, %sub3A_745, %broadcast_in_dim3A_93 : vector<16xi1>, vector<16xi32>
      %add3A_747 = arith.addi %broadcast_in_dim3A_728, %select_n3A_746 : vector<16xi32>
      %min3A_748 = arith.minsi %add3A_747, %broadcast_in_dim3A_95 : vector<16xi32>
      %sub3A_749 = arith.constant 1 : i32
      %sub3A_750 = vector.broadcast %sub3A_749 : i32 to vector<16xi32>
      %sub3A_751 = arith.subi %get3A_732, %sub3A_750 : vector<16xi32>
      %select_n3A_752 = arith.select %eq3A_739, %broadcast_in_dim3A_93, %sub3A_751 : vector<16xi1>, vector<16xi32>
      %add3A_753 = arith.addi %broadcast_in_dim3A_724, %select_n3A_752 : vector<16xi32>
      %min3A_754 = arith.minsi %add3A_753, %broadcast_in_dim3A_95 : vector<16xi32>
      tpu.vector_store_idx %arg6[%min3A_748], %add3A_744 : memref<10336xi32, #tpu.memory_space<vmem>>[vector<16xi32>], vector<16xi32>,
      tpu.vector_store_idx %arg7[%min3A_754], %add3A_744 : memref<10336xi32, #tpu.memory_space<vmem>>[vector<16xi32>], vector<16xi32>,
      %mul3A_755 = arith.constant 5 : i32
      %mul3A_756 = arith.muli %scan3A_677, %mul3A_755 : i32
      %add3A_757 = arith.constant 0 : i32
      %add3A_758 = arith.addi %add3A_757, %mul3A_756 : i32
      %add3A_759 = arith.constant 2 : i32
      %add3A_760 = arith.addi %add3A_758, %add3A_759 : i32
      %get3A_761 = arith.index_cast %add3A_760 : i32 to index
      %get3A_762 = memref.load %arg14[%get3A_761] : memref<625xi32, #tpu.memory_space<smem>>
      %broadcast_in_dim3A_763 = vector.broadcast %get3A_762 : i32 to vector<16xi32>
      %mul3A_764 = arith.constant 16 : i32
      %mul3A_765 = arith.muli %add3A_760, %mul3A_764 : i32
      %sub3A_766 = arith.subi %mul3A_765, %get3A_762 : i32
      %broadcast_in_dim3A_767 = vector.broadcast %sub3A_766 : i32 to vector<16xi32>
      %mul3A_768 = arith.constant 16 : i32
      %mul3A_769 = arith.muli %add3A_760, %mul3A_768 : i32
      %get3A_770 = arith.index_cast %mul3A_769 : i32 to index
      %get3A_771 = tpu.vector_load %arg10[%get3A_770] {strides = array<i32>} : memref<10000xi32, #tpu.memory_space<vmem>>, vector<16xi32>,
      %mul3A_772 = arith.constant 16 : i32
      %mul3A_773 = arith.muli %add3A_760, %mul3A_772 : i32
      %get3A_774 = arith.index_cast %mul3A_773 : i32 to index
      %get3A_775 = tpu.vector_load %arg5[%get3A_774] {strides = array<i32>} : memref<10000xi32, #tpu.memory_space<vmem>>, vector<16xi32>,
      %eq3A_776 = arith.constant 0 : i32
      %eq3A_777 = vector.broadcast %eq3A_776 : i32 to vector<16xi32>
      %eq3A_778 = arith.cmpi eq, %get3A_775, %eq3A_777 : vector<16xi32>
      %mul3A_779 = arith.constant 16 : i32
      %mul3A_780 = arith.muli %add3A_760, %mul3A_779 : i32
      %add3A_781 = arith.addi %mul3A_2, %mul3A_780 : i32
      %add3A_782 = vector.broadcast %add3A_781 : i32 to vector<16xi32>
      %add3A_783 = arith.addi %add3A_782, %iota3A : vector<16xi32>
      %sub3A_784 = arith.subi %iota3A, %get3A_771 : vector<16xi32>
      %select_n3A_785 = arith.select %eq3A_778, %sub3A_784, %broadcast_in_dim3A_93 : vector<16xi1>, vector<16xi32>
      %add3A_786 = arith.addi %broadcast_in_dim3A_767, %select_n3A_785 : vector<16xi32>
      %min3A_787 = arith.minsi %add3A_786, %broadcast_in_dim3A_95 : vector<16xi32>
      %sub3A_788 = arith.constant 1 : i32
      %sub3A_789 = vector.broadcast %sub3A_788 : i32 to vector<16xi32>
      %sub3A_790 = arith.subi %get3A_771, %sub3A_789 : vector<16xi32>
      %select_n3A_791 = arith.select %eq3A_778, %broadcast_in_dim3A_93, %sub3A_790 : vector<16xi1>, vector<16xi32>
      %add3A_792 = arith.addi %broadcast_in_dim3A_763, %select_n3A_791 : vector<16xi32>
      %min3A_793 = arith.minsi %add3A_792, %broadcast_in_dim3A_95 : vector<16xi32>
      tpu.vector_store_idx %arg6[%min3A_787], %add3A_783 : memref<10336xi32, #tpu.memory_space<vmem>>[vector<16xi32>], vector<16xi32>,
      tpu.vector_store_idx %arg7[%min3A_793], %add3A_783 : memref<10336xi32, #tpu.memory_space<vmem>>[vector<16xi32>], vector<16xi32>,
      %mul3A_794 = arith.constant 5 : i32
      %mul3A_795 = arith.muli %scan3A_677, %mul3A_794 : i32
      %add3A_796 = arith.constant 0 : i32
      %add3A_797 = arith.addi %add3A_796, %mul3A_795 : i32
      %add3A_798 = arith.constant 3 : i32
      %add3A_799 = arith.addi %add3A_797, %add3A_798 : i32
      %get3A_800 = arith.index_cast %add3A_799 : i32 to index
      %get3A_801 = memref.load %arg14[%get3A_800] : memref<625xi32, #tpu.memory_space<smem>>
      %broadcast_in_dim3A_802 = vector.broadcast %get3A_801 : i32 to vector<16xi32>
      %mul3A_803 = arith.constant 16 : i32
      %mul3A_804 = arith.muli %add3A_799, %mul3A_803 : i32
      %sub3A_805 = arith.subi %mul3A_804, %get3A_801 : i32
      %broadcast_in_dim3A_806 = vector.broadcast %sub3A_805 : i32 to vector<16xi32>
      %mul3A_807 = arith.constant 16 : i32
      %mul3A_808 = arith.muli %add3A_799, %mul3A_807 : i32
      %get3A_809 = arith.index_cast %mul3A_808 : i32 to index
      %get3A_810 = tpu.vector_load %arg10[%get3A_809] {strides = array<i32>} : memref<10000xi32, #tpu.memory_space<vmem>>, vector<16xi32>,
      %mul3A_811 = arith.constant 16 : i32
      %mul3A_812 = arith.muli %add3A_799, %mul3A_811 : i32
      %get3A_813 = arith.index_cast %mul3A_812 : i32 to index
      %get3A_814 = tpu.vector_load %arg5[%get3A_813] {strides = array<i32>} : memref<10000xi32, #tpu.memory_space<vmem>>, vector<16xi32>,
      %eq3A_815 = arith.constant 0 : i32
      %eq3A_816 = vector.broadcast %eq3A_815 : i32 to vector<16xi32>
      %eq3A_817 = arith.cmpi eq, %get3A_814, %eq3A_816 : vector<16xi32>
      %mul3A_818 = arith.constant 16 : i32
      %mul3A_819 = arith.muli %add3A_799, %mul3A_818 : i32
      %add3A_820 = arith.addi %mul3A_2, %mul3A_819 : i32
      %add3A_821 = vector.broadcast %add3A_820 : i32 to vector<16xi32>
      %add3A_822 = arith.addi %add3A_821, %iota3A : vector<16xi32>
      %sub3A_823 = arith.subi %iota3A, %get3A_810 : vector<16xi32>
      %select_n3A_824 = arith.select %eq3A_817, %sub3A_823, %broadcast_in_dim3A_93 : vector<16xi1>, vector<16xi32>
      %add3A_825 = arith.addi %broadcast_in_dim3A_806, %select_n3A_824 : vector<16xi32>
      %min3A_826 = arith.minsi %add3A_825, %broadcast_in_dim3A_95 : vector<16xi32>
      %sub3A_827 = arith.constant 1 : i32
      %sub3A_828 = vector.broadcast %sub3A_827 : i32 to vector<16xi32>
      %sub3A_829 = arith.subi %get3A_810, %sub3A_828 : vector<16xi32>
      %select_n3A_830 = arith.select %eq3A_817, %broadcast_in_dim3A_93, %sub3A_829 : vector<16xi1>, vector<16xi32>
      %add3A_831 = arith.addi %broadcast_in_dim3A_802, %select_n3A_830 : vector<16xi32>
      %min3A_832 = arith.minsi %add3A_831, %broadcast_in_dim3A_95 : vector<16xi32>
      tpu.vector_store_idx %arg6[%min3A_826], %add3A_822 : memref<10336xi32, #tpu.memory_space<vmem>>[vector<16xi32>], vector<16xi32>,
      tpu.vector_store_idx %arg7[%min3A_832], %add3A_822 : memref<10336xi32, #tpu.memory_space<vmem>>[vector<16xi32>], vector<16xi32>,
      %mul3A_833 = arith.constant 5 : i32
      %mul3A_834 = arith.muli %scan3A_677, %mul3A_833 : i32
      %add3A_835 = arith.constant 0 : i32
      %add3A_836 = arith.addi %add3A_835, %mul3A_834 : i32
      %add3A_837 = arith.constant 4 : i32
      %add3A_838 = arith.addi %add3A_836, %add3A_837 : i32
      %get3A_839 = arith.index_cast %add3A_838 : i32 to index
      %get3A_840 = memref.load %arg14[%get3A_839] : memref<625xi32, #tpu.memory_space<smem>>
      %broadcast_in_dim3A_841 = vector.broadcast %get3A_840 : i32 to vector<16xi32>
      %mul3A_842 = arith.constant 16 : i32
      %mul3A_843 = arith.muli %add3A_838, %mul3A_842 : i32
      %sub3A_844 = arith.subi %mul3A_843, %get3A_840 : i32
      %broadcast_in_dim3A_845 = vector.broadcast %sub3A_844 : i32 to vector<16xi32>
      %mul3A_846 = arith.constant 16 : i32
      %mul3A_847 = arith.muli %add3A_838, %mul3A_846 : i32
      %get3A_848 = arith.index_cast %mul3A_847 : i32 to index
      %get3A_849 = tpu.vector_load %arg10[%get3A_848] {strides = array<i32>} : memref<10000xi32, #tpu.memory_space<vmem>>, vector<16xi32>,
      %mul3A_850 = arith.constant 16 : i32
      %mul3A_851 = arith.muli %add3A_838, %mul3A_850 : i32
      %get3A_852 = arith.index_cast %mul3A_851 : i32 to index
      %get3A_853 = tpu.vector_load %arg5[%get3A_852] {strides = array<i32>} : memref<10000xi32, #tpu.memory_space<vmem>>, vector<16xi32>,
      %eq3A_854 = arith.constant 0 : i32
      %eq3A_855 = vector.broadcast %eq3A_854 : i32 to vector<16xi32>
      %eq3A_856 = arith.cmpi eq, %get3A_853, %eq3A_855 : vector<16xi32>
      %mul3A_857 = arith.constant 16 : i32
      %mul3A_858 = arith.muli %add3A_838, %mul3A_857 : i32
      %add3A_859 = arith.addi %mul3A_2, %mul3A_858 : i32
      %add3A_860 = vector.broadcast %add3A_859 : i32 to vector<16xi32>
      %add3A_861 = arith.addi %add3A_860, %iota3A : vector<16xi32>
      %sub3A_862 = arith.subi %iota3A, %get3A_849 : vector<16xi32>
      %select_n3A_863 = arith.select %eq3A_856, %sub3A_862, %broadcast_in_dim3A_93 : vector<16xi1>, vector<16xi32>
      %add3A_864 = arith.addi %broadcast_in_dim3A_845, %select_n3A_863 : vector<16xi32>
      %min3A_865 = arith.minsi %add3A_864, %broadcast_in_dim3A_95 : vector<16xi32>
      %sub3A_866 = arith.constant 1 : i32
      %sub3A_867 = vector.broadcast %sub3A_866 : i32 to vector<16xi32>
      %sub3A_868 = arith.subi %get3A_849, %sub3A_867 : vector<16xi32>
      %select_n3A_869 = arith.select %eq3A_856, %broadcast_in_dim3A_93, %sub3A_868 : vector<16xi1>, vector<16xi32>
      %add3A_870 = arith.addi %broadcast_in_dim3A_841, %select_n3A_869 : vector<16xi32>
      %min3A_871 = arith.minsi %add3A_870, %broadcast_in_dim3A_95 : vector<16xi32>
      tpu.vector_store_idx %arg6[%min3A_865], %add3A_861 : memref<10336xi32, #tpu.memory_space<vmem>>[vector<16xi32>], vector<16xi32>,
      tpu.vector_store_idx %arg7[%min3A_871], %add3A_861 : memref<10336xi32, #tpu.memory_space<vmem>>[vector<16xi32>], vector<16xi32>,
    }
    %scan3A_121 = arith.constant 25 : i32
    %get3A = arith.constant 125 : i32
    %get3A_122 = arith.index_cast %get3A : i32 to index
    %get3A_123 = memref.load %arg14[%get3A_122] : memref<625xi32, #tpu.memory_space<smem>>
    %sub3A_124 = arith.constant 2000 : i32
    %sub3A_125 = arith.subi %sub3A_124, %get3A_123 : i32
    %jit3A = arith.constant 320 : i32
    %div3A = arith.divsi %sub3A_125, %jit3A : i32
    %sign3A = arith.constant 0 : i32
    %sign3A_126 = arith.cmpi sgt, %sub3A_125, %sign3A : i32
    %sign3A_127 = arith.extui %sign3A_126 : i1 to i32
    %sign3A_128 = arith.constant 0 : i32
    %sign3A_129 = arith.cmpi slt, %sub3A_125, %sign3A_128 : i32
    %sign3A_130 = arith.extui %sign3A_129 : i1 to i32
    %sign3A_131 = arith.subi %sign3A_127, %sign3A_130 : i32
    %sign3A_132 = arith.constant 0 : i32
    %sign3A_133 = arith.cmpi sgt, %jit3A, %sign3A_132 : i32
    %sign3A_134 = arith.extui %sign3A_133 : i1 to i32
    %sign3A_135 = arith.constant 0 : i32
    %sign3A_136 = arith.cmpi slt, %jit3A, %sign3A_135 : i32
    %sign3A_137 = arith.extui %sign3A_136 : i1 to i32
    %sign3A_138 = arith.subi %sign3A_134, %sign3A_137 : i32
    %ne3A = arith.cmpi ne, %sign3A_131, %sign3A_138 : i32
    %rem3A = arith.remsi %sub3A_125, %jit3A : i32
    %ne3A_139 = arith.constant 0 : i32
    %ne3A_140 = arith.cmpi ne, %rem3A, %ne3A_139 : i32
    %and3A = arith.andi %ne3A, %ne3A_140 : i1
    %sub3A_141 = arith.constant 1 : i32
    %sub3A_142 = arith.subi %div3A, %sub3A_141 : i32
    %select_n3A = arith.select %and3A, %sub3A_142, %div3A : i32
    %jit3A_143 = arith.constant 320 : i32
    %div3A_144 = arith.divsi %get3A_123, %jit3A_143 : i32
    %sign3A_145 = arith.constant 0 : i32
    %sign3A_146 = arith.cmpi sgt, %get3A_123, %sign3A_145 : i32
    %sign3A_147 = arith.extui %sign3A_146 : i1 to i32
    %sign3A_148 = arith.constant 0 : i32
    %sign3A_149 = arith.cmpi slt, %get3A_123, %sign3A_148 : i32
    %sign3A_150 = arith.extui %sign3A_149 : i1 to i32
    %sign3A_151 = arith.subi %sign3A_147, %sign3A_150 : i32
    %sign3A_152 = arith.constant 0 : i32
    %sign3A_153 = arith.cmpi sgt, %jit3A_143, %sign3A_152 : i32
    %sign3A_154 = arith.extui %sign3A_153 : i1 to i32
    %sign3A_155 = arith.constant 0 : i32
    %sign3A_156 = arith.cmpi slt, %jit3A_143, %sign3A_155 : i32
    %sign3A_157 = arith.extui %sign3A_156 : i1 to i32
    %sign3A_158 = arith.subi %sign3A_154, %sign3A_157 : i32
    %ne3A_159 = arith.cmpi ne, %sign3A_151, %sign3A_158 : i32
    %rem3A_160 = arith.remsi %get3A_123, %jit3A_143 : i32
    %ne3A_161 = arith.constant 0 : i32
    %ne3A_162 = arith.cmpi ne, %rem3A_160, %ne3A_161 : i32
    %and3A_163 = arith.andi %ne3A_159, %ne3A_162 : i1
    %sub3A_164 = arith.constant 1 : i32
    %sub3A_165 = arith.subi %div3A_144, %sub3A_164 : i32
    %select_n3A_166 = arith.select %and3A_163, %sub3A_165, %div3A_144 : i32
    %while3A = arith.constant 0 : i32
    %while3A_167 = arith.constant 0 : i32
    %while3A_168 = arith.subi %select_n3A, %while3A_167 : i32
    %while3A_169 = arith.addi %while3A_167, %while3A_168 : i32
    %while3A_170 = arith.constant 1 : i32
    %while3A_171 = arith.divsi %while3A_168, %while3A_170 : i32
    %while3A_172 = arith.muli %while3A_171, %while3A_170 : i32
    %while3A_173 = arith.addi %while3A_167, %while3A_172 : i32
    %while3A_174 = arith.constant 1 : i32
    scf.for %while3A_677 = %while3A_167 to %while3A_173 step %while3A_174  : i32 {
      %mul3A_678 = arith.constant 320 : i32
      %mul3A_679 = arith.muli %while3A_677, %mul3A_678 : i32
      %dma_start3A_680 = tpu.memref_slice %arg6[%mul3A_679] : memref<10336xi32, #tpu.memory_space<vmem>> -> memref<320xi32, #tpu.memory_space<vmem>>
      %dma_start3A_681 = arith.constant 0 : i32
      %dma_start3A_682 = arith.constant 0 : i32
      %dma_start3A_683 = tpu.memref_slice %arg4[%dma_start3A_681, %dma_start3A_682] : memref<320000x128xf32, #tpu.memory_space<hbm>> -> memref<320000x128xf32, #tpu.memory_space<hbm>>
      tpu.enqueue_indirect_dma source(%arg8 : memref<320x128xf32, #tpu.memory_space<vmem>>) target(%dma_start3A_683 : memref<320000x128xf32, #tpu.memory_space<hbm>>) offsets(%dma_start3A_680 : memref<320xi32, #tpu.memory_space<vmem>>) semaphore(%arg17 : memref<!tpu.dma_semaphore, #tpu.memory_space<semaphore_mem>>)
    }
    %while3A_175 = arith.constant 1 : i32
    scf.for %while3A_677 = %while3A_173 to %while3A_169 step %while3A_175  : i32 {
      %mul3A_678 = arith.constant 320 : i32
      %mul3A_679 = arith.muli %while3A_677, %mul3A_678 : i32
      %dma_start3A_680 = tpu.memref_slice %arg6[%mul3A_679] : memref<10336xi32, #tpu.memory_space<vmem>> -> memref<320xi32, #tpu.memory_space<vmem>>
      %dma_start3A_681 = arith.constant 0 : i32
      %dma_start3A_682 = arith.constant 0 : i32
      %dma_start3A_683 = tpu.memref_slice %arg4[%dma_start3A_681, %dma_start3A_682] : memref<320000x128xf32, #tpu.memory_space<hbm>> -> memref<320000x128xf32, #tpu.memory_space<hbm>>
      tpu.enqueue_indirect_dma source(%arg8 : memref<320x128xf32, #tpu.memory_space<vmem>>) target(%dma_start3A_683 : memref<320000x128xf32, #tpu.memory_space<hbm>>) offsets(%dma_start3A_680 : memref<320xi32, #tpu.memory_space<vmem>>) semaphore(%arg17 : memref<!tpu.dma_semaphore, #tpu.memory_space<semaphore_mem>>)
    }
    %while3A_176 = arith.constant 0 : i32
    %while3A_177 = arith.constant 0 : i32
    %while3A_178 = arith.subi %select_n3A_166, %while3A_177 : i32
    %while3A_179 = arith.addi %while3A_177, %while3A_178 : i32
    %while3A_180 = arith.constant 1 : i32
    %while3A_181 = arith.divsi %while3A_178, %while3A_180 : i32
    %while3A_182 = arith.muli %while3A_181, %while3A_180 : i32
    %while3A_183 = arith.addi %while3A_177, %while3A_182 : i32
    %while3A_184 = arith.constant 1 : i32
    scf.for %while3A_677 = %while3A_177 to %while3A_183 step %while3A_184  : i32 {
      %mul3A_678 = arith.constant 320 : i32
      %mul3A_679 = arith.muli %while3A_677, %mul3A_678 : i32
      %dma_start3A_680 = tpu.memref_slice %arg7[%mul3A_679] : memref<10336xi32, #tpu.memory_space<vmem>> -> memref<320xi32, #tpu.memory_space<vmem>>
      %dma_start3A_681 = arith.constant 0 : i32
      %dma_start3A_682 = arith.constant 0 : i32
      %dma_start3A_683 = tpu.memref_slice %arg4[%dma_start3A_681, %dma_start3A_682] : memref<320000x128xf32, #tpu.memory_space<hbm>> -> memref<320000x128xf32, #tpu.memory_space<hbm>>
      tpu.enqueue_indirect_dma source(%arg9 : memref<320x128xf32, #tpu.memory_space<vmem>>) target(%dma_start3A_683 : memref<320000x128xf32, #tpu.memory_space<hbm>>) offsets(%dma_start3A_680 : memref<320xi32, #tpu.memory_space<vmem>>) semaphore(%arg17 : memref<!tpu.dma_semaphore, #tpu.memory_space<semaphore_mem>>)
    }
    %while3A_185 = arith.constant 1 : i32
    scf.for %while3A_677 = %while3A_183 to %while3A_179 step %while3A_185  : i32 {
      %mul3A_678 = arith.constant 320 : i32
      %mul3A_679 = arith.muli %while3A_677, %mul3A_678 : i32
      %dma_start3A_680 = tpu.memref_slice %arg7[%mul3A_679] : memref<10336xi32, #tpu.memory_space<vmem>> -> memref<320xi32, #tpu.memory_space<vmem>>
      %dma_start3A_681 = arith.constant 0 : i32
      %dma_start3A_682 = arith.constant 0 : i32
      %dma_start3A_683 = tpu.memref_slice %arg4[%dma_start3A_681, %dma_start3A_682] : memref<320000x128xf32, #tpu.memory_space<hbm>> -> memref<320000x128xf32, #tpu.memory_space<hbm>>
      tpu.enqueue_indirect_dma source(%arg9 : memref<320x128xf32, #tpu.memory_space<vmem>>) target(%dma_start3A_683 : memref<320000x128xf32, #tpu.memory_space<hbm>>) offsets(%dma_start3A_680 : memref<320xi32, #tpu.memory_space<vmem>>) semaphore(%arg17 : memref<!tpu.dma_semaphore, #tpu.memory_space<semaphore_mem>>)
    }
    %scan3A_186 = arith.constant 0 : i32
    %scan3A_187 = arith.constant 0 : i32
    %scan3A_188 = arith.constant 25 : i32
    %scan3A_189 = arith.addi %scan3A_187, %scan3A_188 : i32
    %scan3A_190 = arith.constant 1 : i32
    scf.for %scan3A_677 = %scan3A_187 to %scan3A_189 step %scan3A_190  : i32 {
      %mul3A_678 = arith.constant 5 : i32
      %mul3A_679 = arith.muli %scan3A_677, %mul3A_678 : i32
      %add3A_680 = arith.constant 125 : i32
      %add3A_681 = arith.addi %add3A_680, %mul3A_679 : i32
      %add3A_682 = arith.constant 0 : i32
      %add3A_683 = arith.addi %add3A_681, %add3A_682 : i32
      %get3A_684 = arith.index_cast %add3A_683 : i32 to index
      %get3A_685 = memref.load %arg14[%get3A_684] : memref<625xi32, #tpu.memory_space<smem>>
      %broadcast_in_dim3A_686 = vector.broadcast %get3A_685 : i32 to vector<16xi32>
      %mul3A_687 = arith.constant 16 : i32
      %mul3A_688 = arith.muli %add3A_683, %mul3A_687 : i32
      %sub3A_689 = arith.subi %mul3A_688, %get3A_685 : i32
      %broadcast_in_dim3A_690 = vector.broadcast %sub3A_689 : i32 to vector<16xi32>
      %mul3A_691 = arith.constant 16 : i32
      %mul3A_692 = arith.muli %add3A_683, %mul3A_691 : i32
      %get3A_693 = arith.index_cast %mul3A_692 : i32 to index
      %get3A_694 = tpu.vector_load %arg10[%get3A_693] {strides = array<i32>} : memref<10000xi32, #tpu.memory_space<vmem>>, vector<16xi32>,
      %mul3A_695 = arith.constant 16 : i32
      %mul3A_696 = arith.muli %add3A_683, %mul3A_695 : i32
      %get3A_697 = arith.index_cast %mul3A_696 : i32 to index
      %get3A_698 = tpu.vector_load %arg5[%get3A_697] {strides = array<i32>} : memref<10000xi32, #tpu.memory_space<vmem>>, vector<16xi32>,
      %eq3A_699 = arith.constant 0 : i32
      %eq3A_700 = vector.broadcast %eq3A_699 : i32 to vector<16xi32>
      %eq3A_701 = arith.cmpi eq, %get3A_698, %eq3A_700 : vector<16xi32>
      %mul3A_702 = arith.constant 16 : i32
      %mul3A_703 = arith.muli %add3A_683, %mul3A_702 : i32
      %add3A_704 = arith.addi %mul3A_2, %mul3A_703 : i32
      %add3A_705 = vector.broadcast %add3A_704 : i32 to vector<16xi32>
      %add3A_706 = arith.addi %add3A_705, %iota3A : vector<16xi32>
      %sub3A_707 = arith.subi %iota3A, %get3A_694 : vector<16xi32>
      %select_n3A_708 = arith.select %eq3A_701, %sub3A_707, %broadcast_in_dim3A_93 : vector<16xi1>, vector<16xi32>
      %add3A_709 = arith.addi %broadcast_in_dim3A_690, %select_n3A_708 : vector<16xi32>
      %min3A = arith.minsi %add3A_709, %broadcast_in_dim3A_95 : vector<16xi32>
      %sub3A_710 = arith.constant 1 : i32
      %sub3A_711 = vector.broadcast %sub3A_710 : i32 to vector<16xi32>
      %sub3A_712 = arith.subi %get3A_694, %sub3A_711 : vector<16xi32>
      %select_n3A_713 = arith.select %eq3A_701, %broadcast_in_dim3A_93, %sub3A_712 : vector<16xi1>, vector<16xi32>
      %add3A_714 = arith.addi %broadcast_in_dim3A_686, %select_n3A_713 : vector<16xi32>
      %min3A_715 = arith.minsi %add3A_714, %broadcast_in_dim3A_95 : vector<16xi32>
      tpu.vector_store_idx %arg6[%min3A], %add3A_706 : memref<10336xi32, #tpu.memory_space<vmem>>[vector<16xi32>], vector<16xi32>,
      tpu.vector_store_idx %arg7[%min3A_715], %add3A_706 : memref<10336xi32, #tpu.memory_space<vmem>>[vector<16xi32>], vector<16xi32>,
      %mul3A_716 = arith.constant 5 : i32
      %mul3A_717 = arith.muli %scan3A_677, %mul3A_716 : i32
      %add3A_718 = arith.constant 125 : i32
      %add3A_719 = arith.addi %add3A_718, %mul3A_717 : i32
      %add3A_720 = arith.constant 1 : i32
      %add3A_721 = arith.addi %add3A_719, %add3A_720 : i32
      %get3A_722 = arith.index_cast %add3A_721 : i32 to index
      %get3A_723 = memref.load %arg14[%get3A_722] : memref<625xi32, #tpu.memory_space<smem>>
      %broadcast_in_dim3A_724 = vector.broadcast %get3A_723 : i32 to vector<16xi32>
      %mul3A_725 = arith.constant 16 : i32
      %mul3A_726 = arith.muli %add3A_721, %mul3A_725 : i32
      %sub3A_727 = arith.subi %mul3A_726, %get3A_723 : i32
      %broadcast_in_dim3A_728 = vector.broadcast %sub3A_727 : i32 to vector<16xi32>
      %mul3A_729 = arith.constant 16 : i32
      %mul3A_730 = arith.muli %add3A_721, %mul3A_729 : i32
      %get3A_731 = arith.index_cast %mul3A_730 : i32 to index
      %get3A_732 = tpu.vector_load %arg10[%get3A_731] {strides = array<i32>} : memref<10000xi32, #tpu.memory_space<vmem>>, vector<16xi32>,
      %mul3A_733 = arith.constant 16 : i32
      %mul3A_734 = arith.muli %add3A_721, %mul3A_733 : i32
      %get3A_735 = arith.index_cast %mul3A_734 : i32 to index
      %get3A_736 = tpu.vector_load %arg5[%get3A_735] {strides = array<i32>} : memref<10000xi32, #tpu.memory_space<vmem>>, vector<16xi32>,
      %eq3A_737 = arith.constant 0 : i32
      %eq3A_738 = vector.broadcast %eq3A_737 : i32 to vector<16xi32>
      %eq3A_739 = arith.cmpi eq, %get3A_736, %eq3A_738 : vector<16xi32>
      %mul3A_740 = arith.constant 16 : i32
      %mul3A_741 = arith.muli %add3A_721, %mul3A_740 : i32
      %add3A_742 = arith.addi %mul3A_2, %mul3A_741 : i32
      %add3A_743 = vector.broadcast %add3A_742 : i32 to vector<16xi32>
      %add3A_744 = arith.addi %add3A_743, %iota3A : vector<16xi32>
      %sub3A_745 = arith.subi %iota3A, %get3A_732 : vector<16xi32>
      %select_n3A_746 = arith.select %eq3A_739, %sub3A_745, %broadcast_in_dim3A_93 : vector<16xi1>, vector<16xi32>
      %add3A_747 = arith.addi %broadcast_in_dim3A_728, %select_n3A_746 : vector<16xi32>
      %min3A_748 = arith.minsi %add3A_747, %broadcast_in_dim3A_95 : vector<16xi32>
      %sub3A_749 = arith.constant 1 : i32
      %sub3A_750 = vector.broadcast %sub3A_749 : i32 to vector<16xi32>
      %sub3A_751 = arith.subi %get3A_732, %sub3A_750 : vector<16xi32>
      %select_n3A_752 = arith.select %eq3A_739, %broadcast_in_dim3A_93, %sub3A_751 : vector<16xi1>, vector<16xi32>
      %add3A_753 = arith.addi %broadcast_in_dim3A_724, %select_n3A_752 : vector<16xi32>
      %min3A_754 = arith.minsi %add3A_753, %broadcast_in_dim3A_95 : vector<16xi32>
      tpu.vector_store_idx %arg6[%min3A_748], %add3A_744 : memref<10336xi32, #tpu.memory_space<vmem>>[vector<16xi32>], vector<16xi32>,
      tpu.vector_store_idx %arg7[%min3A_754], %add3A_744 : memref<10336xi32, #tpu.memory_space<vmem>>[vector<16xi32>], vector<16xi32>,
      %mul3A_755 = arith.constant 5 : i32
      %mul3A_756 = arith.muli %scan3A_677, %mul3A_755 : i32
      %add3A_757 = arith.constant 125 : i32
      %add3A_758 = arith.addi %add3A_757, %mul3A_756 : i32
      %add3A_759 = arith.constant 2 : i32
      %add3A_760 = arith.addi %add3A_758, %add3A_759 : i32
      %get3A_761 = arith.index_cast %add3A_760 : i32 to index
      %get3A_762 = memref.load %arg14[%get3A_761] : memref<625xi32, #tpu.memory_space<smem>>
      %broadcast_in_dim3A_763 = vector.broadcast %get3A_762 : i32 to vector<16xi32>
      %mul3A_764 = arith.constant 16 : i32
      %mul3A_765 = arith.muli %add3A_760, %mul3A_764 : i32
      %sub3A_766 = arith.subi %mul3A_765, %get3A_762 : i32
      %broadcast_in_dim3A_767 = vector.broadcast %sub3A_766 : i32 to vector<16xi32>
      %mul3A_768 = arith.constant 16 : i32
      %mul3A_769 = arith.muli %add3A_760, %mul3A_768 : i32
      %get3A_770 = arith.index_cast %mul3A_769 : i32 to index
      %get3A_771 = tpu.vector_load %arg10[%get3A_770] {strides = array<i32>} : memref<10000xi32, #tpu.memory_space<vmem>>, vector<16xi32>,
      %mul3A_772 = arith.constant 16 : i32
      %mul3A_773 = arith.muli %add3A_760, %mul3A_772 : i32
      %get3A_774 = arith.index_cast %mul3A_773 : i32 to index
      %get3A_775 = tpu.vector_load %arg5[%get3A_774] {strides = array<i32>} : memref<10000xi32, #tpu.memory_space<vmem>>, vector<16xi32>,
      %eq3A_776 = arith.constant 0 : i32
      %eq3A_777 = vector.broadcast %eq3A_776 : i32 to vector<16xi32>
      %eq3A_778 = arith.cmpi eq, %get3A_775, %eq3A_777 : vector<16xi32>
      %mul3A_779 = arith.constant 16 : i32
      %mul3A_780 = arith.muli %add3A_760, %mul3A_779 : i32
      %add3A_781 = arith.addi %mul3A_2, %mul3A_780 : i32
      %add3A_782 = vector.broadcast %add3A_781 : i32 to vector<16xi32>
      %add3A_783 = arith.addi %add3A_782, %iota3A : vector<16xi32>
      %sub3A_784 = arith.subi %iota3A, %get3A_771 : vector<16xi32>
      %select_n3A_785 = arith.select %eq3A_778, %sub3A_784, %broadcast_in_dim3A_93 : vector<16xi1>, vector<16xi32>
      %add3A_786 = arith.addi %broadcast_in_dim3A_767, %select_n3A_785 : vector<16xi32>
      %min3A_787 = arith.minsi %add3A_786, %broadcast_in_dim3A_95 : vector<16xi32>
      %sub3A_788 = arith.constant 1 : i32
      %sub3A_789 = vector.broadcast %sub3A_788 : i32 to vector<16xi32>
      %sub3A_790 = arith.subi %get3A_771, %sub3A_789 : vector<16xi32>
      %select_n3A_791 = arith.select %eq3A_778, %broadcast_in_dim3A_93, %sub3A_790 : vector<16xi1>, vector<16xi32>
      %add3A_792 = arith.addi %broadcast_in_dim3A_763, %select_n3A_791 : vector<16xi32>
      %min3A_793 = arith.minsi %add3A_792, %broadcast_in_dim3A_95 : vector<16xi32>
      tpu.vector_store_idx %arg6[%min3A_787], %add3A_783 : memref<10336xi32, #tpu.memory_space<vmem>>[vector<16xi32>], vector<16xi32>,
      tpu.vector_store_idx %arg7[%min3A_793], %add3A_783 : memref<10336xi32, #tpu.memory_space<vmem>>[vector<16xi32>], vector<16xi32>,
      %mul3A_794 = arith.constant 5 : i32
      %mul3A_795 = arith.muli %scan3A_677, %mul3A_794 : i32
      %add3A_796 = arith.constant 125 : i32
      %add3A_797 = arith.addi %add3A_796, %mul3A_795 : i32
      %add3A_798 = arith.constant 3 : i32
      %add3A_799 = arith.addi %add3A_797, %add3A_798 : i32
      %get3A_800 = arith.index_cast %add3A_799 : i32 to index
      %get3A_801 = memref.load %arg14[%get3A_800] : memref<625xi32, #tpu.memory_space<smem>>
      %broadcast_in_dim3A_802 = vector.broadcast %get3A_801 : i32 to vector<16xi32>
      %mul3A_803 = arith.constant 16 : i32
      %mul3A_804 = arith.muli %add3A_799, %mul3A_803 : i32
      %sub3A_805 = arith.subi %mul3A_804, %get3A_801 : i32
      %broadcast_in_dim3A_806 = vector.broadcast %sub3A_805 : i32 to vector<16xi32>
      %mul3A_807 = arith.constant 16 : i32
      %mul3A_808 = arith.muli %add3A_799, %mul3A_807 : i32
      %get3A_809 = arith.index_cast %mul3A_808 : i32 to index
      %get3A_810 = tpu.vector_load %arg10[%get3A_809] {strides = array<i32>} : memref<10000xi32, #tpu.memory_space<vmem>>, vector<16xi32>,
      %mul3A_811 = arith.constant 16 : i32
      %mul3A_812 = arith.muli %add3A_799, %mul3A_811 : i32
      %get3A_813 = arith.index_cast %mul3A_812 : i32 to index
      %get3A_814 = tpu.vector_load %arg5[%get3A_813] {strides = array<i32>} : memref<10000xi32, #tpu.memory_space<vmem>>, vector<16xi32>,
      %eq3A_815 = arith.constant 0 : i32
      %eq3A_816 = vector.broadcast %eq3A_815 : i32 to vector<16xi32>
      %eq3A_817 = arith.cmpi eq, %get3A_814, %eq3A_816 : vector<16xi32>
      %mul3A_818 = arith.constant 16 : i32
      %mul3A_819 = arith.muli %add3A_799, %mul3A_818 : i32
      %add3A_820 = arith.addi %mul3A_2, %mul3A_819 : i32
      %add3A_821 = vector.broadcast %add3A_820 : i32 to vector<16xi32>
      %add3A_822 = arith.addi %add3A_821, %iota3A : vector<16xi32>
      %sub3A_823 = arith.subi %iota3A, %get3A_810 : vector<16xi32>
      %select_n3A_824 = arith.select %eq3A_817, %sub3A_823, %broadcast_in_dim3A_93 : vector<16xi1>, vector<16xi32>
      %add3A_825 = arith.addi %broadcast_in_dim3A_806, %select_n3A_824 : vector<16xi32>
      %min3A_826 = arith.minsi %add3A_825, %broadcast_in_dim3A_95 : vector<16xi32>
      %sub3A_827 = arith.constant 1 : i32
      %sub3A_828 = vector.broadcast %sub3A_827 : i32 to vector<16xi32>
      %sub3A_829 = arith.subi %get3A_810, %sub3A_828 : vector<16xi32>
      %select_n3A_830 = arith.select %eq3A_817, %broadcast_in_dim3A_93, %sub3A_829 : vector<16xi1>, vector<16xi32>
      %add3A_831 = arith.addi %broadcast_in_dim3A_802, %select_n3A_830 : vector<16xi32>
      %min3A_832 = arith.minsi %add3A_831, %broadcast_in_dim3A_95 : vector<16xi32>
      tpu.vector_store_idx %arg6[%min3A_826], %add3A_822 : memref<10336xi32, #tpu.memory_space<vmem>>[vector<16xi32>], vector<16xi32>,
      tpu.vector_store_idx %arg7[%min3A_832], %add3A_822 : memref<10336xi32, #tpu.memory_space<vmem>>[vector<16xi32>], vector<16xi32>,
      %mul3A_833 = arith.constant 5 : i32
      %mul3A_834 = arith.muli %scan3A_677, %mul3A_833 : i32
      %add3A_835 = arith.constant 125 : i32
      %add3A_836 = arith.addi %add3A_835, %mul3A_834 : i32
      %add3A_837 = arith.constant 4 : i32
      %add3A_838 = arith.addi %add3A_836, %add3A_837 : i32
      %get3A_839 = arith.index_cast %add3A_838 : i32 to index
      %get3A_840 = memref.load %arg14[%get3A_839] : memref<625xi32, #tpu.memory_space<smem>>
      %broadcast_in_dim3A_841 = vector.broadcast %get3A_840 : i32 to vector<16xi32>
      %mul3A_842 = arith.constant 16 : i32
      %mul3A_843 = arith.muli %add3A_838, %mul3A_842 : i32
      %sub3A_844 = arith.subi %mul3A_843, %get3A_840 : i32
      %broadcast_in_dim3A_845 = vector.broadcast %sub3A_844 : i32 to vector<16xi32>
      %mul3A_846 = arith.constant 16 : i32
      %mul3A_847 = arith.muli %add3A_838, %mul3A_846 : i32
      %get3A_848 = arith.index_cast %mul3A_847 : i32 to index
      %get3A_849 = tpu.vector_load %arg10[%get3A_848] {strides = array<i32>} : memref<10000xi32, #tpu.memory_space<vmem>>, vector<16xi32>,
      %mul3A_850 = arith.constant 16 : i32
      %mul3A_851 = arith.muli %add3A_838, %mul3A_850 : i32
      %get3A_852 = arith.index_cast %mul3A_851 : i32 to index
      %get3A_853 = tpu.vector_load %arg5[%get3A_852] {strides = array<i32>} : memref<10000xi32, #tpu.memory_space<vmem>>, vector<16xi32>,
      %eq3A_854 = arith.constant 0 : i32
      %eq3A_855 = vector.broadcast %eq3A_854 : i32 to vector<16xi32>
      %eq3A_856 = arith.cmpi eq, %get3A_853, %eq3A_855 : vector<16xi32>
      %mul3A_857 = arith.constant 16 : i32
      %mul3A_858 = arith.muli %add3A_838, %mul3A_857 : i32
      %add3A_859 = arith.addi %mul3A_2, %mul3A_858 : i32
      %add3A_860 = vector.broadcast %add3A_859 : i32 to vector<16xi32>
      %add3A_861 = arith.addi %add3A_860, %iota3A : vector<16xi32>
      %sub3A_862 = arith.subi %iota3A, %get3A_849 : vector<16xi32>
      %select_n3A_863 = arith.select %eq3A_856, %sub3A_862, %broadcast_in_dim3A_93 : vector<16xi1>, vector<16xi32>
      %add3A_864 = arith.addi %broadcast_in_dim3A_845, %select_n3A_863 : vector<16xi32>
      %min3A_865 = arith.minsi %add3A_864, %broadcast_in_dim3A_95 : vector<16xi32>
      %sub3A_866 = arith.constant 1 : i32
      %sub3A_867 = vector.broadcast %sub3A_866 : i32 to vector<16xi32>
      %sub3A_868 = arith.subi %get3A_849, %sub3A_867 : vector<16xi32>
      %select_n3A_869 = arith.select %eq3A_856, %broadcast_in_dim3A_93, %sub3A_868 : vector<16xi1>, vector<16xi32>
      %add3A_870 = arith.addi %broadcast_in_dim3A_841, %select_n3A_869 : vector<16xi32>
      %min3A_871 = arith.minsi %add3A_870, %broadcast_in_dim3A_95 : vector<16xi32>
      tpu.vector_store_idx %arg6[%min3A_865], %add3A_861 : memref<10336xi32, #tpu.memory_space<vmem>>[vector<16xi32>], vector<16xi32>,
      tpu.vector_store_idx %arg7[%min3A_871], %add3A_861 : memref<10336xi32, #tpu.memory_space<vmem>>[vector<16xi32>], vector<16xi32>,
    }
    %scan3A_191 = arith.constant 25 : i32
    %get3A_192 = arith.constant 250 : i32
    %get3A_193 = arith.index_cast %get3A_192 : i32 to index
    %get3A_194 = memref.load %arg14[%get3A_193] : memref<625xi32, #tpu.memory_space<smem>>
    %sub3A_195 = arith.constant 4000 : i32
    %sub3A_196 = arith.subi %sub3A_195, %get3A_194 : i32
    %jit3A_197 = arith.constant 320 : i32
    %div3A_198 = arith.divsi %sub3A_196, %jit3A_197 : i32
    %sign3A_199 = arith.constant 0 : i32
    %sign3A_200 = arith.cmpi sgt, %sub3A_196, %sign3A_199 : i32
    %sign3A_201 = arith.extui %sign3A_200 : i1 to i32
    %sign3A_202 = arith.constant 0 : i32
    %sign3A_203 = arith.cmpi slt, %sub3A_196, %sign3A_202 : i32
    %sign3A_204 = arith.extui %sign3A_203 : i1 to i32
    %sign3A_205 = arith.subi %sign3A_201, %sign3A_204 : i32
    %sign3A_206 = arith.constant 0 : i32
    %sign3A_207 = arith.cmpi sgt, %jit3A_197, %sign3A_206 : i32
    %sign3A_208 = arith.extui %sign3A_207 : i1 to i32
    %sign3A_209 = arith.constant 0 : i32
    %sign3A_210 = arith.cmpi slt, %jit3A_197, %sign3A_209 : i32
    %sign3A_211 = arith.extui %sign3A_210 : i1 to i32
    %sign3A_212 = arith.subi %sign3A_208, %sign3A_211 : i32
    %ne3A_213 = arith.cmpi ne, %sign3A_205, %sign3A_212 : i32
    %rem3A_214 = arith.remsi %sub3A_196, %jit3A_197 : i32
    %ne3A_215 = arith.constant 0 : i32
    %ne3A_216 = arith.cmpi ne, %rem3A_214, %ne3A_215 : i32
    %and3A_217 = arith.andi %ne3A_213, %ne3A_216 : i1
    %sub3A_218 = arith.constant 1 : i32
    %sub3A_219 = arith.subi %div3A_198, %sub3A_218 : i32
    %select_n3A_220 = arith.select %and3A_217, %sub3A_219, %div3A_198 : i32
    %jit3A_221 = arith.constant 320 : i32
    %div3A_222 = arith.divsi %get3A_194, %jit3A_221 : i32
    %sign3A_223 = arith.constant 0 : i32
    %sign3A_224 = arith.cmpi sgt, %get3A_194, %sign3A_223 : i32
    %sign3A_225 = arith.extui %sign3A_224 : i1 to i32
    %sign3A_226 = arith.constant 0 : i32
    %sign3A_227 = arith.cmpi slt, %get3A_194, %sign3A_226 : i32
    %sign3A_228 = arith.extui %sign3A_227 : i1 to i32
    %sign3A_229 = arith.subi %sign3A_225, %sign3A_228 : i32
    %sign3A_230 = arith.constant 0 : i32
    %sign3A_231 = arith.cmpi sgt, %jit3A_221, %sign3A_230 : i32
    %sign3A_232 = arith.extui %sign3A_231 : i1 to i32
    %sign3A_233 = arith.constant 0 : i32
    %sign3A_234 = arith.cmpi slt, %jit3A_221, %sign3A_233 : i32
    %sign3A_235 = arith.extui %sign3A_234 : i1 to i32
    %sign3A_236 = arith.subi %sign3A_232, %sign3A_235 : i32
    %ne3A_237 = arith.cmpi ne, %sign3A_229, %sign3A_236 : i32
    %rem3A_238 = arith.remsi %get3A_194, %jit3A_221 : i32
    %ne3A_239 = arith.constant 0 : i32
    %ne3A_240 = arith.cmpi ne, %rem3A_238, %ne3A_239 : i32
    %and3A_241 = arith.andi %ne3A_237, %ne3A_240 : i1
    %sub3A_242 = arith.constant 1 : i32
    %sub3A_243 = arith.subi %div3A_222, %sub3A_242 : i32
    %select_n3A_244 = arith.select %and3A_241, %sub3A_243, %div3A_222 : i32
    %while3A_245 = arith.constant 0 : i32
    %while3A_246 = arith.subi %select_n3A_220, %select_n3A : i32
    %while3A_247 = arith.addi %select_n3A, %while3A_246 : i32
    %while3A_248 = arith.constant 1 : i32
    %while3A_249 = arith.divsi %while3A_246, %while3A_248 : i32
    %while3A_250 = arith.muli %while3A_249, %while3A_248 : i32
    %while3A_251 = arith.addi %select_n3A, %while3A_250 : i32
    %while3A_252 = arith.constant 1 : i32
    scf.for %while3A_677 = %select_n3A to %while3A_251 step %while3A_252  : i32 {
      %mul3A_678 = arith.constant 320 : i32
      %mul3A_679 = arith.muli %while3A_677, %mul3A_678 : i32
      %dma_start3A_680 = tpu.memref_slice %arg6[%mul3A_679] : memref<10336xi32, #tpu.memory_space<vmem>> -> memref<320xi32, #tpu.memory_space<vmem>>
      %dma_start3A_681 = arith.constant 0 : i32
      %dma_start3A_682 = arith.constant 0 : i32
      %dma_start3A_683 = tpu.memref_slice %arg4[%dma_start3A_681, %dma_start3A_682] : memref<320000x128xf32, #tpu.memory_space<hbm>> -> memref<320000x128xf32, #tpu.memory_space<hbm>>
      tpu.enqueue_indirect_dma source(%arg8 : memref<320x128xf32, #tpu.memory_space<vmem>>) target(%dma_start3A_683 : memref<320000x128xf32, #tpu.memory_space<hbm>>) offsets(%dma_start3A_680 : memref<320xi32, #tpu.memory_space<vmem>>) semaphore(%arg17 : memref<!tpu.dma_semaphore, #tpu.memory_space<semaphore_mem>>)
    }
    %while3A_253 = arith.constant 1 : i32
    scf.for %while3A_677 = %while3A_251 to %while3A_247 step %while3A_253  : i32 {
      %mul3A_678 = arith.constant 320 : i32
      %mul3A_679 = arith.muli %while3A_677, %mul3A_678 : i32
      %dma_start3A_680 = tpu.memref_slice %arg6[%mul3A_679] : memref<10336xi32, #tpu.memory_space<vmem>> -> memref<320xi32, #tpu.memory_space<vmem>>
      %dma_start3A_681 = arith.constant 0 : i32
      %dma_start3A_682 = arith.constant 0 : i32
      %dma_start3A_683 = tpu.memref_slice %arg4[%dma_start3A_681, %dma_start3A_682] : memref<320000x128xf32, #tpu.memory_space<hbm>> -> memref<320000x128xf32, #tpu.memory_space<hbm>>
      tpu.enqueue_indirect_dma source(%arg8 : memref<320x128xf32, #tpu.memory_space<vmem>>) target(%dma_start3A_683 : memref<320000x128xf32, #tpu.memory_space<hbm>>) offsets(%dma_start3A_680 : memref<320xi32, #tpu.memory_space<vmem>>) semaphore(%arg17 : memref<!tpu.dma_semaphore, #tpu.memory_space<semaphore_mem>>)
    }
    %while3A_254 = arith.constant 0 : i32
    %while3A_255 = arith.subi %select_n3A_244, %select_n3A_166 : i32
    %while3A_256 = arith.addi %select_n3A_166, %while3A_255 : i32
    %while3A_257 = arith.constant 1 : i32
    %while3A_258 = arith.divsi %while3A_255, %while3A_257 : i32
    %while3A_259 = arith.muli %while3A_258, %while3A_257 : i32
    %while3A_260 = arith.addi %select_n3A_166, %while3A_259 : i32
    %while3A_261 = arith.constant 1 : i32
    scf.for %while3A_677 = %select_n3A_166 to %while3A_260 step %while3A_261  : i32 {
      %mul3A_678 = arith.constant 320 : i32
      %mul3A_679 = arith.muli %while3A_677, %mul3A_678 : i32
      %dma_start3A_680 = tpu.memref_slice %arg7[%mul3A_679] : memref<10336xi32, #tpu.memory_space<vmem>> -> memref<320xi32, #tpu.memory_space<vmem>>
      %dma_start3A_681 = arith.constant 0 : i32
      %dma_start3A_682 = arith.constant 0 : i32
      %dma_start3A_683 = tpu.memref_slice %arg4[%dma_start3A_681, %dma_start3A_682] : memref<320000x128xf32, #tpu.memory_space<hbm>> -> memref<320000x128xf32, #tpu.memory_space<hbm>>
      tpu.enqueue_indirect_dma source(%arg9 : memref<320x128xf32, #tpu.memory_space<vmem>>) target(%dma_start3A_683 : memref<320000x128xf32, #tpu.memory_space<hbm>>) offsets(%dma_start3A_680 : memref<320xi32, #tpu.memory_space<vmem>>) semaphore(%arg17 : memref<!tpu.dma_semaphore, #tpu.memory_space<semaphore_mem>>)
    }
    %while3A_262 = arith.constant 1 : i32
    scf.for %while3A_677 = %while3A_260 to %while3A_256 step %while3A_262  : i32 {
      %mul3A_678 = arith.constant 320 : i32
      %mul3A_679 = arith.muli %while3A_677, %mul3A_678 : i32
      %dma_start3A_680 = tpu.memref_slice %arg7[%mul3A_679] : memref<10336xi32, #tpu.memory_space<vmem>> -> memref<320xi32, #tpu.memory_space<vmem>>
      %dma_start3A_681 = arith.constant 0 : i32
      %dma_start3A_682 = arith.constant 0 : i32
      %dma_start3A_683 = tpu.memref_slice %arg4[%dma_start3A_681, %dma_start3A_682] : memref<320000x128xf32, #tpu.memory_space<hbm>> -> memref<320000x128xf32, #tpu.memory_space<hbm>>
      tpu.enqueue_indirect_dma source(%arg9 : memref<320x128xf32, #tpu.memory_space<vmem>>) target(%dma_start3A_683 : memref<320000x128xf32, #tpu.memory_space<hbm>>) offsets(%dma_start3A_680 : memref<320xi32, #tpu.memory_space<vmem>>) semaphore(%arg17 : memref<!tpu.dma_semaphore, #tpu.memory_space<semaphore_mem>>)
    }
    %scan3A_263 = arith.constant 0 : i32
    %scan3A_264 = arith.constant 0 : i32
    %scan3A_265 = arith.constant 25 : i32
    %scan3A_266 = arith.addi %scan3A_264, %scan3A_265 : i32
    %scan3A_267 = arith.constant 1 : i32
    scf.for %scan3A_677 = %scan3A_264 to %scan3A_266 step %scan3A_267  : i32 {
      %mul3A_678 = arith.constant 5 : i32
      %mul3A_679 = arith.muli %scan3A_677, %mul3A_678 : i32
      %add3A_680 = arith.constant 250 : i32
      %add3A_681 = arith.addi %add3A_680, %mul3A_679 : i32
      %add3A_682 = arith.constant 0 : i32
      %add3A_683 = arith.addi %add3A_681, %add3A_682 : i32
      %get3A_684 = arith.index_cast %add3A_683 : i32 to index
      %get3A_685 = memref.load %arg14[%get3A_684] : memref<625xi32, #tpu.memory_space<smem>>
      %broadcast_in_dim3A_686 = vector.broadcast %get3A_685 : i32 to vector<16xi32>
      %mul3A_687 = arith.constant 16 : i32
      %mul3A_688 = arith.muli %add3A_683, %mul3A_687 : i32
      %sub3A_689 = arith.subi %mul3A_688, %get3A_685 : i32
      %broadcast_in_dim3A_690 = vector.broadcast %sub3A_689 : i32 to vector<16xi32>
      %mul3A_691 = arith.constant 16 : i32
      %mul3A_692 = arith.muli %add3A_683, %mul3A_691 : i32
      %get3A_693 = arith.index_cast %mul3A_692 : i32 to index
      %get3A_694 = tpu.vector_load %arg10[%get3A_693] {strides = array<i32>} : memref<10000xi32, #tpu.memory_space<vmem>>, vector<16xi32>,
      %mul3A_695 = arith.constant 16 : i32
      %mul3A_696 = arith.muli %add3A_683, %mul3A_695 : i32
      %get3A_697 = arith.index_cast %mul3A_696 : i32 to index
      %get3A_698 = tpu.vector_load %arg5[%get3A_697] {strides = array<i32>} : memref<10000xi32, #tpu.memory_space<vmem>>, vector<16xi32>,
      %eq3A_699 = arith.constant 0 : i32
      %eq3A_700 = vector.broadcast %eq3A_699 : i32 to vector<16xi32>
      %eq3A_701 = arith.cmpi eq, %get3A_698, %eq3A_700 : vector<16xi32>
      %mul3A_702 = arith.constant 16 : i32
      %mul3A_703 = arith.muli %add3A_683, %mul3A_702 : i32
      %add3A_704 = arith.addi %mul3A_2, %mul3A_703 : i32
      %add3A_705 = vector.broadcast %add3A_704 : i32 to vector<16xi32>
      %add3A_706 = arith.addi %add3A_705, %iota3A : vector<16xi32>
      %sub3A_707 = arith.subi %iota3A, %get3A_694 : vector<16xi32>
      %select_n3A_708 = arith.select %eq3A_701, %sub3A_707, %broadcast_in_dim3A_93 : vector<16xi1>, vector<16xi32>
      %add3A_709 = arith.addi %broadcast_in_dim3A_690, %select_n3A_708 : vector<16xi32>
      %min3A = arith.minsi %add3A_709, %broadcast_in_dim3A_95 : vector<16xi32>
      %sub3A_710 = arith.constant 1 : i32
      %sub3A_711 = vector.broadcast %sub3A_710 : i32 to vector<16xi32>
      %sub3A_712 = arith.subi %get3A_694, %sub3A_711 : vector<16xi32>
      %select_n3A_713 = arith.select %eq3A_701, %broadcast_in_dim3A_93, %sub3A_712 : vector<16xi1>, vector<16xi32>
      %add3A_714 = arith.addi %broadcast_in_dim3A_686, %select_n3A_713 : vector<16xi32>
      %min3A_715 = arith.minsi %add3A_714, %broadcast_in_dim3A_95 : vector<16xi32>
      tpu.vector_store_idx %arg6[%min3A], %add3A_706 : memref<10336xi32, #tpu.memory_space<vmem>>[vector<16xi32>], vector<16xi32>,
      tpu.vector_store_idx %arg7[%min3A_715], %add3A_706 : memref<10336xi32, #tpu.memory_space<vmem>>[vector<16xi32>], vector<16xi32>,
      %mul3A_716 = arith.constant 5 : i32
      %mul3A_717 = arith.muli %scan3A_677, %mul3A_716 : i32
      %add3A_718 = arith.constant 250 : i32
      %add3A_719 = arith.addi %add3A_718, %mul3A_717 : i32
      %add3A_720 = arith.constant 1 : i32
      %add3A_721 = arith.addi %add3A_719, %add3A_720 : i32
      %get3A_722 = arith.index_cast %add3A_721 : i32 to index
      %get3A_723 = memref.load %arg14[%get3A_722] : memref<625xi32, #tpu.memory_space<smem>>
      %broadcast_in_dim3A_724 = vector.broadcast %get3A_723 : i32 to vector<16xi32>
      %mul3A_725 = arith.constant 16 : i32
      %mul3A_726 = arith.muli %add3A_721, %mul3A_725 : i32
      %sub3A_727 = arith.subi %mul3A_726, %get3A_723 : i32
      %broadcast_in_dim3A_728 = vector.broadcast %sub3A_727 : i32 to vector<16xi32>
      %mul3A_729 = arith.constant 16 : i32
      %mul3A_730 = arith.muli %add3A_721, %mul3A_729 : i32
      %get3A_731 = arith.index_cast %mul3A_730 : i32 to index
      %get3A_732 = tpu.vector_load %arg10[%get3A_731] {strides = array<i32>} : memref<10000xi32, #tpu.memory_space<vmem>>, vector<16xi32>,
      %mul3A_733 = arith.constant 16 : i32
      %mul3A_734 = arith.muli %add3A_721, %mul3A_733 : i32
      %get3A_735 = arith.index_cast %mul3A_734 : i32 to index
      %get3A_736 = tpu.vector_load %arg5[%get3A_735] {strides = array<i32>} : memref<10000xi32, #tpu.memory_space<vmem>>, vector<16xi32>,
      %eq3A_737 = arith.constant 0 : i32
      %eq3A_738 = vector.broadcast %eq3A_737 : i32 to vector<16xi32>
      %eq3A_739 = arith.cmpi eq, %get3A_736, %eq3A_738 : vector<16xi32>
      %mul3A_740 = arith.constant 16 : i32
      %mul3A_741 = arith.muli %add3A_721, %mul3A_740 : i32
      %add3A_742 = arith.addi %mul3A_2, %mul3A_741 : i32
      %add3A_743 = vector.broadcast %add3A_742 : i32 to vector<16xi32>
      %add3A_744 = arith.addi %add3A_743, %iota3A : vector<16xi32>
      %sub3A_745 = arith.subi %iota3A, %get3A_732 : vector<16xi32>
      %select_n3A_746 = arith.select %eq3A_739, %sub3A_745, %broadcast_in_dim3A_93 : vector<16xi1>, vector<16xi32>
      %add3A_747 = arith.addi %broadcast_in_dim3A_728, %select_n3A_746 : vector<16xi32>
      %min3A_748 = arith.minsi %add3A_747, %broadcast_in_dim3A_95 : vector<16xi32>
      %sub3A_749 = arith.constant 1 : i32
      %sub3A_750 = vector.broadcast %sub3A_749 : i32 to vector<16xi32>
      %sub3A_751 = arith.subi %get3A_732, %sub3A_750 : vector<16xi32>
      %select_n3A_752 = arith.select %eq3A_739, %broadcast_in_dim3A_93, %sub3A_751 : vector<16xi1>, vector<16xi32>
      %add3A_753 = arith.addi %broadcast_in_dim3A_724, %select_n3A_752 : vector<16xi32>
      %min3A_754 = arith.minsi %add3A_753, %broadcast_in_dim3A_95 : vector<16xi32>
      tpu.vector_store_idx %arg6[%min3A_748], %add3A_744 : memref<10336xi32, #tpu.memory_space<vmem>>[vector<16xi32>], vector<16xi32>,
      tpu.vector_store_idx %arg7[%min3A_754], %add3A_744 : memref<10336xi32, #tpu.memory_space<vmem>>[vector<16xi32>], vector<16xi32>,
      %mul3A_755 = arith.constant 5 : i32
      %mul3A_756 = arith.muli %scan3A_677, %mul3A_755 : i32
      %add3A_757 = arith.constant 250 : i32
      %add3A_758 = arith.addi %add3A_757, %mul3A_756 : i32
      %add3A_759 = arith.constant 2 : i32
      %add3A_760 = arith.addi %add3A_758, %add3A_759 : i32
      %get3A_761 = arith.index_cast %add3A_760 : i32 to index
      %get3A_762 = memref.load %arg14[%get3A_761] : memref<625xi32, #tpu.memory_space<smem>>
      %broadcast_in_dim3A_763 = vector.broadcast %get3A_762 : i32 to vector<16xi32>
      %mul3A_764 = arith.constant 16 : i32
      %mul3A_765 = arith.muli %add3A_760, %mul3A_764 : i32
      %sub3A_766 = arith.subi %mul3A_765, %get3A_762 : i32
      %broadcast_in_dim3A_767 = vector.broadcast %sub3A_766 : i32 to vector<16xi32>
      %mul3A_768 = arith.constant 16 : i32
      %mul3A_769 = arith.muli %add3A_760, %mul3A_768 : i32
      %get3A_770 = arith.index_cast %mul3A_769 : i32 to index
      %get3A_771 = tpu.vector_load %arg10[%get3A_770] {strides = array<i32>} : memref<10000xi32, #tpu.memory_space<vmem>>, vector<16xi32>,
      %mul3A_772 = arith.constant 16 : i32
      %mul3A_773 = arith.muli %add3A_760, %mul3A_772 : i32
      %get3A_774 = arith.index_cast %mul3A_773 : i32 to index
      %get3A_775 = tpu.vector_load %arg5[%get3A_774] {strides = array<i32>} : memref<10000xi32, #tpu.memory_space<vmem>>, vector<16xi32>,
      %eq3A_776 = arith.constant 0 : i32
      %eq3A_777 = vector.broadcast %eq3A_776 : i32 to vector<16xi32>
      %eq3A_778 = arith.cmpi eq, %get3A_775, %eq3A_777 : vector<16xi32>
      %mul3A_779 = arith.constant 16 : i32
      %mul3A_780 = arith.muli %add3A_760, %mul3A_779 : i32
      %add3A_781 = arith.addi %mul3A_2, %mul3A_780 : i32
      %add3A_782 = vector.broadcast %add3A_781 : i32 to vector<16xi32>
      %add3A_783 = arith.addi %add3A_782, %iota3A : vector<16xi32>
      %sub3A_784 = arith.subi %iota3A, %get3A_771 : vector<16xi32>
      %select_n3A_785 = arith.select %eq3A_778, %sub3A_784, %broadcast_in_dim3A_93 : vector<16xi1>, vector<16xi32>
      %add3A_786 = arith.addi %broadcast_in_dim3A_767, %select_n3A_785 : vector<16xi32>
      %min3A_787 = arith.minsi %add3A_786, %broadcast_in_dim3A_95 : vector<16xi32>
      %sub3A_788 = arith.constant 1 : i32
      %sub3A_789 = vector.broadcast %sub3A_788 : i32 to vector<16xi32>
      %sub3A_790 = arith.subi %get3A_771, %sub3A_789 : vector<16xi32>
      %select_n3A_791 = arith.select %eq3A_778, %broadcast_in_dim3A_93, %sub3A_790 : vector<16xi1>, vector<16xi32>
      %add3A_792 = arith.addi %broadcast_in_dim3A_763, %select_n3A_791 : vector<16xi32>
      %min3A_793 = arith.minsi %add3A_792, %broadcast_in_dim3A_95 : vector<16xi32>
      tpu.vector_store_idx %arg6[%min3A_787], %add3A_783 : memref<10336xi32, #tpu.memory_space<vmem>>[vector<16xi32>], vector<16xi32>,
      tpu.vector_store_idx %arg7[%min3A_793], %add3A_783 : memref<10336xi32, #tpu.memory_space<vmem>>[vector<16xi32>], vector<16xi32>,
      %mul3A_794 = arith.constant 5 : i32
      %mul3A_795 = arith.muli %scan3A_677, %mul3A_794 : i32
      %add3A_796 = arith.constant 250 : i32
      %add3A_797 = arith.addi %add3A_796, %mul3A_795 : i32
      %add3A_798 = arith.constant 3 : i32
      %add3A_799 = arith.addi %add3A_797, %add3A_798 : i32
      %get3A_800 = arith.index_cast %add3A_799 : i32 to index
      %get3A_801 = memref.load %arg14[%get3A_800] : memref<625xi32, #tpu.memory_space<smem>>
      %broadcast_in_dim3A_802 = vector.broadcast %get3A_801 : i32 to vector<16xi32>
      %mul3A_803 = arith.constant 16 : i32
      %mul3A_804 = arith.muli %add3A_799, %mul3A_803 : i32
      %sub3A_805 = arith.subi %mul3A_804, %get3A_801 : i32
      %broadcast_in_dim3A_806 = vector.broadcast %sub3A_805 : i32 to vector<16xi32>
      %mul3A_807 = arith.constant 16 : i32
      %mul3A_808 = arith.muli %add3A_799, %mul3A_807 : i32
      %get3A_809 = arith.index_cast %mul3A_808 : i32 to index
      %get3A_810 = tpu.vector_load %arg10[%get3A_809] {strides = array<i32>} : memref<10000xi32, #tpu.memory_space<vmem>>, vector<16xi32>,
      %mul3A_811 = arith.constant 16 : i32
      %mul3A_812 = arith.muli %add3A_799, %mul3A_811 : i32
      %get3A_813 = arith.index_cast %mul3A_812 : i32 to index
      %get3A_814 = tpu.vector_load %arg5[%get3A_813] {strides = array<i32>} : memref<10000xi32, #tpu.memory_space<vmem>>, vector<16xi32>,
      %eq3A_815 = arith.constant 0 : i32
      %eq3A_816 = vector.broadcast %eq3A_815 : i32 to vector<16xi32>
      %eq3A_817 = arith.cmpi eq, %get3A_814, %eq3A_816 : vector<16xi32>
      %mul3A_818 = arith.constant 16 : i32
      %mul3A_819 = arith.muli %add3A_799, %mul3A_818 : i32
      %add3A_820 = arith.addi %mul3A_2, %mul3A_819 : i32
      %add3A_821 = vector.broadcast %add3A_820 : i32 to vector<16xi32>
      %add3A_822 = arith.addi %add3A_821, %iota3A : vector<16xi32>
      %sub3A_823 = arith.subi %iota3A, %get3A_810 : vector<16xi32>
      %select_n3A_824 = arith.select %eq3A_817, %sub3A_823, %broadcast_in_dim3A_93 : vector<16xi1>, vector<16xi32>
      %add3A_825 = arith.addi %broadcast_in_dim3A_806, %select_n3A_824 : vector<16xi32>
      %min3A_826 = arith.minsi %add3A_825, %broadcast_in_dim3A_95 : vector<16xi32>
      %sub3A_827 = arith.constant 1 : i32
      %sub3A_828 = vector.broadcast %sub3A_827 : i32 to vector<16xi32>
      %sub3A_829 = arith.subi %get3A_810, %sub3A_828 : vector<16xi32>
      %select_n3A_830 = arith.select %eq3A_817, %broadcast_in_dim3A_93, %sub3A_829 : vector<16xi1>, vector<16xi32>
      %add3A_831 = arith.addi %broadcast_in_dim3A_802, %select_n3A_830 : vector<16xi32>
      %min3A_832 = arith.minsi %add3A_831, %broadcast_in_dim3A_95 : vector<16xi32>
      tpu.vector_store_idx %arg6[%min3A_826], %add3A_822 : memref<10336xi32, #tpu.memory_space<vmem>>[vector<16xi32>], vector<16xi32>,
      tpu.vector_store_idx %arg7[%min3A_832], %add3A_822 : memref<10336xi32, #tpu.memory_space<vmem>>[vector<16xi32>], vector<16xi32>,
      %mul3A_833 = arith.constant 5 : i32
      %mul3A_834 = arith.muli %scan3A_677, %mul3A_833 : i32
      %add3A_835 = arith.constant 250 : i32
      %add3A_836 = arith.addi %add3A_835, %mul3A_834 : i32
      %add3A_837 = arith.constant 4 : i32
      %add3A_838 = arith.addi %add3A_836, %add3A_837 : i32
      %get3A_839 = arith.index_cast %add3A_838 : i32 to index
      %get3A_840 = memref.load %arg14[%get3A_839] : memref<625xi32, #tpu.memory_space<smem>>
      %broadcast_in_dim3A_841 = vector.broadcast %get3A_840 : i32 to vector<16xi32>
      %mul3A_842 = arith.constant 16 : i32
      %mul3A_843 = arith.muli %add3A_838, %mul3A_842 : i32
      %sub3A_844 = arith.subi %mul3A_843, %get3A_840 : i32
      %broadcast_in_dim3A_845 = vector.broadcast %sub3A_844 : i32 to vector<16xi32>
      %mul3A_846 = arith.constant 16 : i32
      %mul3A_847 = arith.muli %add3A_838, %mul3A_846 : i32
      %get3A_848 = arith.index_cast %mul3A_847 : i32 to index
      %get3A_849 = tpu.vector_load %arg10[%get3A_848] {strides = array<i32>} : memref<10000xi32, #tpu.memory_space<vmem>>, vector<16xi32>,
      %mul3A_850 = arith.constant 16 : i32
      %mul3A_851 = arith.muli %add3A_838, %mul3A_850 : i32
      %get3A_852 = arith.index_cast %mul3A_851 : i32 to index
      %get3A_853 = tpu.vector_load %arg5[%get3A_852] {strides = array<i32>} : memref<10000xi32, #tpu.memory_space<vmem>>, vector<16xi32>,
      %eq3A_854 = arith.constant 0 : i32
      %eq3A_855 = vector.broadcast %eq3A_854 : i32 to vector<16xi32>
      %eq3A_856 = arith.cmpi eq, %get3A_853, %eq3A_855 : vector<16xi32>
      %mul3A_857 = arith.constant 16 : i32
      %mul3A_858 = arith.muli %add3A_838, %mul3A_857 : i32
      %add3A_859 = arith.addi %mul3A_2, %mul3A_858 : i32
      %add3A_860 = vector.broadcast %add3A_859 : i32 to vector<16xi32>
      %add3A_861 = arith.addi %add3A_860, %iota3A : vector<16xi32>
      %sub3A_862 = arith.subi %iota3A, %get3A_849 : vector<16xi32>
      %select_n3A_863 = arith.select %eq3A_856, %sub3A_862, %broadcast_in_dim3A_93 : vector<16xi1>, vector<16xi32>
      %add3A_864 = arith.addi %broadcast_in_dim3A_845, %select_n3A_863 : vector<16xi32>
      %min3A_865 = arith.minsi %add3A_864, %broadcast_in_dim3A_95 : vector<16xi32>
      %sub3A_866 = arith.constant 1 : i32
      %sub3A_867 = vector.broadcast %sub3A_866 : i32 to vector<16xi32>
      %sub3A_868 = arith.subi %get3A_849, %sub3A_867 : vector<16xi32>
      %select_n3A_869 = arith.select %eq3A_856, %broadcast_in_dim3A_93, %sub3A_868 : vector<16xi1>, vector<16xi32>
      %add3A_870 = arith.addi %broadcast_in_dim3A_841, %select_n3A_869 : vector<16xi32>
      %min3A_871 = arith.minsi %add3A_870, %broadcast_in_dim3A_95 : vector<16xi32>
      tpu.vector_store_idx %arg6[%min3A_865], %add3A_861 : memref<10336xi32, #tpu.memory_space<vmem>>[vector<16xi32>], vector<16xi32>,
      tpu.vector_store_idx %arg7[%min3A_871], %add3A_861 : memref<10336xi32, #tpu.memory_space<vmem>>[vector<16xi32>], vector<16xi32>,
    }
    %scan3A_268 = arith.constant 25 : i32
    %get3A_269 = arith.constant 375 : i32
    %get3A_270 = arith.index_cast %get3A_269 : i32 to index
    %get3A_271 = memref.load %arg14[%get3A_270] : memref<625xi32, #tpu.memory_space<smem>>
    %sub3A_272 = arith.constant 6000 : i32
    %sub3A_273 = arith.subi %sub3A_272, %get3A_271 : i32
    %jit3A_274 = arith.constant 320 : i32
    %div3A_275 = arith.divsi %sub3A_273, %jit3A_274 : i32
    %sign3A_276 = arith.constant 0 : i32
    %sign3A_277 = arith.cmpi sgt, %sub3A_273, %sign3A_276 : i32
    %sign3A_278 = arith.extui %sign3A_277 : i1 to i32
    %sign3A_279 = arith.constant 0 : i32
    %sign3A_280 = arith.cmpi slt, %sub3A_273, %sign3A_279 : i32
    %sign3A_281 = arith.extui %sign3A_280 : i1 to i32
    %sign3A_282 = arith.subi %sign3A_278, %sign3A_281 : i32
    %sign3A_283 = arith.constant 0 : i32
    %sign3A_284 = arith.cmpi sgt, %jit3A_274, %sign3A_283 : i32
    %sign3A_285 = arith.extui %sign3A_284 : i1 to i32
    %sign3A_286 = arith.constant 0 : i32
    %sign3A_287 = arith.cmpi slt, %jit3A_274, %sign3A_286 : i32
    %sign3A_288 = arith.extui %sign3A_287 : i1 to i32
    %sign3A_289 = arith.subi %sign3A_285, %sign3A_288 : i32
    %ne3A_290 = arith.cmpi ne, %sign3A_282, %sign3A_289 : i32
    %rem3A_291 = arith.remsi %sub3A_273, %jit3A_274 : i32
    %ne3A_292 = arith.constant 0 : i32
    %ne3A_293 = arith.cmpi ne, %rem3A_291, %ne3A_292 : i32
    %and3A_294 = arith.andi %ne3A_290, %ne3A_293 : i1
    %sub3A_295 = arith.constant 1 : i32
    %sub3A_296 = arith.subi %div3A_275, %sub3A_295 : i32
    %select_n3A_297 = arith.select %and3A_294, %sub3A_296, %div3A_275 : i32
    %jit3A_298 = arith.constant 320 : i32
    %div3A_299 = arith.divsi %get3A_271, %jit3A_298 : i32
    %sign3A_300 = arith.constant 0 : i32
    %sign3A_301 = arith.cmpi sgt, %get3A_271, %sign3A_300 : i32
    %sign3A_302 = arith.extui %sign3A_301 : i1 to i32
    %sign3A_303 = arith.constant 0 : i32
    %sign3A_304 = arith.cmpi slt, %get3A_271, %sign3A_303 : i32
    %sign3A_305 = arith.extui %sign3A_304 : i1 to i32
    %sign3A_306 = arith.subi %sign3A_302, %sign3A_305 : i32
    %sign3A_307 = arith.constant 0 : i32
    %sign3A_308 = arith.cmpi sgt, %jit3A_298, %sign3A_307 : i32
    %sign3A_309 = arith.extui %sign3A_308 : i1 to i32
    %sign3A_310 = arith.constant 0 : i32
    %sign3A_311 = arith.cmpi slt, %jit3A_298, %sign3A_310 : i32
    %sign3A_312 = arith.extui %sign3A_311 : i1 to i32
    %sign3A_313 = arith.subi %sign3A_309, %sign3A_312 : i32
    %ne3A_314 = arith.cmpi ne, %sign3A_306, %sign3A_313 : i32
    %rem3A_315 = arith.remsi %get3A_271, %jit3A_298 : i32
    %ne3A_316 = arith.constant 0 : i32
    %ne3A_317 = arith.cmpi ne, %rem3A_315, %ne3A_316 : i32
    %and3A_318 = arith.andi %ne3A_314, %ne3A_317 : i1
    %sub3A_319 = arith.constant 1 : i32
    %sub3A_320 = arith.subi %div3A_299, %sub3A_319 : i32
    %select_n3A_321 = arith.select %and3A_318, %sub3A_320, %div3A_299 : i32
    %while3A_322 = arith.constant 0 : i32
    %while3A_323 = arith.subi %select_n3A_297, %select_n3A_220 : i32
    %while3A_324 = arith.addi %select_n3A_220, %while3A_323 : i32
    %while3A_325 = arith.constant 1 : i32
    %while3A_326 = arith.divsi %while3A_323, %while3A_325 : i32
    %while3A_327 = arith.muli %while3A_326, %while3A_325 : i32
    %while3A_328 = arith.addi %select_n3A_220, %while3A_327 : i32
    %while3A_329 = arith.constant 1 : i32
    scf.for %while3A_677 = %select_n3A_220 to %while3A_328 step %while3A_329  : i32 {
      %mul3A_678 = arith.constant 320 : i32
      %mul3A_679 = arith.muli %while3A_677, %mul3A_678 : i32
      %dma_start3A_680 = tpu.memref_slice %arg6[%mul3A_679] : memref<10336xi32, #tpu.memory_space<vmem>> -> memref<320xi32, #tpu.memory_space<vmem>>
      %dma_start3A_681 = arith.constant 0 : i32
      %dma_start3A_682 = arith.constant 0 : i32
      %dma_start3A_683 = tpu.memref_slice %arg4[%dma_start3A_681, %dma_start3A_682] : memref<320000x128xf32, #tpu.memory_space<hbm>> -> memref<320000x128xf32, #tpu.memory_space<hbm>>
      tpu.enqueue_indirect_dma source(%arg8 : memref<320x128xf32, #tpu.memory_space<vmem>>) target(%dma_start3A_683 : memref<320000x128xf32, #tpu.memory_space<hbm>>) offsets(%dma_start3A_680 : memref<320xi32, #tpu.memory_space<vmem>>) semaphore(%arg17 : memref<!tpu.dma_semaphore, #tpu.memory_space<semaphore_mem>>)
    }
    %while3A_330 = arith.constant 1 : i32
    scf.for %while3A_677 = %while3A_328 to %while3A_324 step %while3A_330  : i32 {
      %mul3A_678 = arith.constant 320 : i32
      %mul3A_679 = arith.muli %while3A_677, %mul3A_678 : i32
      %dma_start3A_680 = tpu.memref_slice %arg6[%mul3A_679] : memref<10336xi32, #tpu.memory_space<vmem>> -> memref<320xi32, #tpu.memory_space<vmem>>
      %dma_start3A_681 = arith.constant 0 : i32
      %dma_start3A_682 = arith.constant 0 : i32
      %dma_start3A_683 = tpu.memref_slice %arg4[%dma_start3A_681, %dma_start3A_682] : memref<320000x128xf32, #tpu.memory_space<hbm>> -> memref<320000x128xf32, #tpu.memory_space<hbm>>
      tpu.enqueue_indirect_dma source(%arg8 : memref<320x128xf32, #tpu.memory_space<vmem>>) target(%dma_start3A_683 : memref<320000x128xf32, #tpu.memory_space<hbm>>) offsets(%dma_start3A_680 : memref<320xi32, #tpu.memory_space<vmem>>) semaphore(%arg17 : memref<!tpu.dma_semaphore, #tpu.memory_space<semaphore_mem>>)
    }
    %while3A_331 = arith.constant 0 : i32
    %while3A_332 = arith.subi %select_n3A_321, %select_n3A_244 : i32
    %while3A_333 = arith.addi %select_n3A_244, %while3A_332 : i32
    %while3A_334 = arith.constant 1 : i32
    %while3A_335 = arith.divsi %while3A_332, %while3A_334 : i32
    %while3A_336 = arith.muli %while3A_335, %while3A_334 : i32
    %while3A_337 = arith.addi %select_n3A_244, %while3A_336 : i32
    %while3A_338 = arith.constant 1 : i32
    scf.for %while3A_677 = %select_n3A_244 to %while3A_337 step %while3A_338  : i32 {
      %mul3A_678 = arith.constant 320 : i32
      %mul3A_679 = arith.muli %while3A_677, %mul3A_678 : i32
      %dma_start3A_680 = tpu.memref_slice %arg7[%mul3A_679] : memref<10336xi32, #tpu.memory_space<vmem>> -> memref<320xi32, #tpu.memory_space<vmem>>
      %dma_start3A_681 = arith.constant 0 : i32
      %dma_start3A_682 = arith.constant 0 : i32
      %dma_start3A_683 = tpu.memref_slice %arg4[%dma_start3A_681, %dma_start3A_682] : memref<320000x128xf32, #tpu.memory_space<hbm>> -> memref<320000x128xf32, #tpu.memory_space<hbm>>
      tpu.enqueue_indirect_dma source(%arg9 : memref<320x128xf32, #tpu.memory_space<vmem>>) target(%dma_start3A_683 : memref<320000x128xf32, #tpu.memory_space<hbm>>) offsets(%dma_start3A_680 : memref<320xi32, #tpu.memory_space<vmem>>) semaphore(%arg17 : memref<!tpu.dma_semaphore, #tpu.memory_space<semaphore_mem>>)
    }
    %while3A_339 = arith.constant 1 : i32
    scf.for %while3A_677 = %while3A_337 to %while3A_333 step %while3A_339  : i32 {
      %mul3A_678 = arith.constant 320 : i32
      %mul3A_679 = arith.muli %while3A_677, %mul3A_678 : i32
      %dma_start3A_680 = tpu.memref_slice %arg7[%mul3A_679] : memref<10336xi32, #tpu.memory_space<vmem>> -> memref<320xi32, #tpu.memory_space<vmem>>
      %dma_start3A_681 = arith.constant 0 : i32
      %dma_start3A_682 = arith.constant 0 : i32
      %dma_start3A_683 = tpu.memref_slice %arg4[%dma_start3A_681, %dma_start3A_682] : memref<320000x128xf32, #tpu.memory_space<hbm>> -> memref<320000x128xf32, #tpu.memory_space<hbm>>
      tpu.enqueue_indirect_dma source(%arg9 : memref<320x128xf32, #tpu.memory_space<vmem>>) target(%dma_start3A_683 : memref<320000x128xf32, #tpu.memory_space<hbm>>) offsets(%dma_start3A_680 : memref<320xi32, #tpu.memory_space<vmem>>) semaphore(%arg17 : memref<!tpu.dma_semaphore, #tpu.memory_space<semaphore_mem>>)
    }
    %scan3A_340 = arith.constant 0 : i32
    %scan3A_341 = arith.constant 0 : i32
    %scan3A_342 = arith.constant 25 : i32
    %scan3A_343 = arith.addi %scan3A_341, %scan3A_342 : i32
    %scan3A_344 = arith.constant 1 : i32
    scf.for %scan3A_677 = %scan3A_341 to %scan3A_343 step %scan3A_344  : i32 {
      %mul3A_678 = arith.constant 5 : i32
      %mul3A_679 = arith.muli %scan3A_677, %mul3A_678 : i32
      %add3A_680 = arith.constant 375 : i32
      %add3A_681 = arith.addi %add3A_680, %mul3A_679 : i32
      %add3A_682 = arith.constant 0 : i32
      %add3A_683 = arith.addi %add3A_681, %add3A_682 : i32
      %get3A_684 = arith.index_cast %add3A_683 : i32 to index
      %get3A_685 = memref.load %arg14[%get3A_684] : memref<625xi32, #tpu.memory_space<smem>>
      %broadcast_in_dim3A_686 = vector.broadcast %get3A_685 : i32 to vector<16xi32>
      %mul3A_687 = arith.constant 16 : i32
      %mul3A_688 = arith.muli %add3A_683, %mul3A_687 : i32
      %sub3A_689 = arith.subi %mul3A_688, %get3A_685 : i32
      %broadcast_in_dim3A_690 = vector.broadcast %sub3A_689 : i32 to vector<16xi32>
      %mul3A_691 = arith.constant 16 : i32
      %mul3A_692 = arith.muli %add3A_683, %mul3A_691 : i32
      %get3A_693 = arith.index_cast %mul3A_692 : i32 to index
      %get3A_694 = tpu.vector_load %arg10[%get3A_693] {strides = array<i32>} : memref<10000xi32, #tpu.memory_space<vmem>>, vector<16xi32>,
      %mul3A_695 = arith.constant 16 : i32
      %mul3A_696 = arith.muli %add3A_683, %mul3A_695 : i32
      %get3A_697 = arith.index_cast %mul3A_696 : i32 to index
      %get3A_698 = tpu.vector_load %arg5[%get3A_697] {strides = array<i32>} : memref<10000xi32, #tpu.memory_space<vmem>>, vector<16xi32>,
      %eq3A_699 = arith.constant 0 : i32
      %eq3A_700 = vector.broadcast %eq3A_699 : i32 to vector<16xi32>
      %eq3A_701 = arith.cmpi eq, %get3A_698, %eq3A_700 : vector<16xi32>
      %mul3A_702 = arith.constant 16 : i32
      %mul3A_703 = arith.muli %add3A_683, %mul3A_702 : i32
      %add3A_704 = arith.addi %mul3A_2, %mul3A_703 : i32
      %add3A_705 = vector.broadcast %add3A_704 : i32 to vector<16xi32>
      %add3A_706 = arith.addi %add3A_705, %iota3A : vector<16xi32>
      %sub3A_707 = arith.subi %iota3A, %get3A_694 : vector<16xi32>
      %select_n3A_708 = arith.select %eq3A_701, %sub3A_707, %broadcast_in_dim3A_93 : vector<16xi1>, vector<16xi32>
      %add3A_709 = arith.addi %broadcast_in_dim3A_690, %select_n3A_708 : vector<16xi32>
      %min3A = arith.minsi %add3A_709, %broadcast_in_dim3A_95 : vector<16xi32>
      %sub3A_710 = arith.constant 1 : i32
      %sub3A_711 = vector.broadcast %sub3A_710 : i32 to vector<16xi32>
      %sub3A_712 = arith.subi %get3A_694, %sub3A_711 : vector<16xi32>
      %select_n3A_713 = arith.select %eq3A_701, %broadcast_in_dim3A_93, %sub3A_712 : vector<16xi1>, vector<16xi32>
      %add3A_714 = arith.addi %broadcast_in_dim3A_686, %select_n3A_713 : vector<16xi32>
      %min3A_715 = arith.minsi %add3A_714, %broadcast_in_dim3A_95 : vector<16xi32>
      tpu.vector_store_idx %arg6[%min3A], %add3A_706 : memref<10336xi32, #tpu.memory_space<vmem>>[vector<16xi32>], vector<16xi32>,
      tpu.vector_store_idx %arg7[%min3A_715], %add3A_706 : memref<10336xi32, #tpu.memory_space<vmem>>[vector<16xi32>], vector<16xi32>,
      %mul3A_716 = arith.constant 5 : i32
      %mul3A_717 = arith.muli %scan3A_677, %mul3A_716 : i32
      %add3A_718 = arith.constant 375 : i32
      %add3A_719 = arith.addi %add3A_718, %mul3A_717 : i32
      %add3A_720 = arith.constant 1 : i32
      %add3A_721 = arith.addi %add3A_719, %add3A_720 : i32
      %get3A_722 = arith.index_cast %add3A_721 : i32 to index
      %get3A_723 = memref.load %arg14[%get3A_722] : memref<625xi32, #tpu.memory_space<smem>>
      %broadcast_in_dim3A_724 = vector.broadcast %get3A_723 : i32 to vector<16xi32>
      %mul3A_725 = arith.constant 16 : i32
      %mul3A_726 = arith.muli %add3A_721, %mul3A_725 : i32
      %sub3A_727 = arith.subi %mul3A_726, %get3A_723 : i32
      %broadcast_in_dim3A_728 = vector.broadcast %sub3A_727 : i32 to vector<16xi32>
      %mul3A_729 = arith.constant 16 : i32
      %mul3A_730 = arith.muli %add3A_721, %mul3A_729 : i32
      %get3A_731 = arith.index_cast %mul3A_730 : i32 to index
      %get3A_732 = tpu.vector_load %arg10[%get3A_731] {strides = array<i32>} : memref<10000xi32, #tpu.memory_space<vmem>>, vector<16xi32>,
      %mul3A_733 = arith.constant 16 : i32
      %mul3A_734 = arith.muli %add3A_721, %mul3A_733 : i32
      %get3A_735 = arith.index_cast %mul3A_734 : i32 to index
      %get3A_736 = tpu.vector_load %arg5[%get3A_735] {strides = array<i32>} : memref<10000xi32, #tpu.memory_space<vmem>>, vector<16xi32>,
      %eq3A_737 = arith.constant 0 : i32
      %eq3A_738 = vector.broadcast %eq3A_737 : i32 to vector<16xi32>
      %eq3A_739 = arith.cmpi eq, %get3A_736, %eq3A_738 : vector<16xi32>
      %mul3A_740 = arith.constant 16 : i32
      %mul3A_741 = arith.muli %add3A_721, %mul3A_740 : i32
      %add3A_742 = arith.addi %mul3A_2, %mul3A_741 : i32
      %add3A_743 = vector.broadcast %add3A_742 : i32 to vector<16xi32>
      %add3A_744 = arith.addi %add3A_743, %iota3A : vector<16xi32>
      %sub3A_745 = arith.subi %iota3A, %get3A_732 : vector<16xi32>
      %select_n3A_746 = arith.select %eq3A_739, %sub3A_745, %broadcast_in_dim3A_93 : vector<16xi1>, vector<16xi32>
      %add3A_747 = arith.addi %broadcast_in_dim3A_728, %select_n3A_746 : vector<16xi32>
      %min3A_748 = arith.minsi %add3A_747, %broadcast_in_dim3A_95 : vector<16xi32>
      %sub3A_749 = arith.constant 1 : i32
      %sub3A_750 = vector.broadcast %sub3A_749 : i32 to vector<16xi32>
      %sub3A_751 = arith.subi %get3A_732, %sub3A_750 : vector<16xi32>
      %select_n3A_752 = arith.select %eq3A_739, %broadcast_in_dim3A_93, %sub3A_751 : vector<16xi1>, vector<16xi32>
      %add3A_753 = arith.addi %broadcast_in_dim3A_724, %select_n3A_752 : vector<16xi32>
      %min3A_754 = arith.minsi %add3A_753, %broadcast_in_dim3A_95 : vector<16xi32>
      tpu.vector_store_idx %arg6[%min3A_748], %add3A_744 : memref<10336xi32, #tpu.memory_space<vmem>>[vector<16xi32>], vector<16xi32>,
      tpu.vector_store_idx %arg7[%min3A_754], %add3A_744 : memref<10336xi32, #tpu.memory_space<vmem>>[vector<16xi32>], vector<16xi32>,
      %mul3A_755 = arith.constant 5 : i32
      %mul3A_756 = arith.muli %scan3A_677, %mul3A_755 : i32
      %add3A_757 = arith.constant 375 : i32
      %add3A_758 = arith.addi %add3A_757, %mul3A_756 : i32
      %add3A_759 = arith.constant 2 : i32
      %add3A_760 = arith.addi %add3A_758, %add3A_759 : i32
      %get3A_761 = arith.index_cast %add3A_760 : i32 to index
      %get3A_762 = memref.load %arg14[%get3A_761] : memref<625xi32, #tpu.memory_space<smem>>
      %broadcast_in_dim3A_763 = vector.broadcast %get3A_762 : i32 to vector<16xi32>
      %mul3A_764 = arith.constant 16 : i32
      %mul3A_765 = arith.muli %add3A_760, %mul3A_764 : i32
      %sub3A_766 = arith.subi %mul3A_765, %get3A_762 : i32
      %broadcast_in_dim3A_767 = vector.broadcast %sub3A_766 : i32 to vector<16xi32>
      %mul3A_768 = arith.constant 16 : i32
      %mul3A_769 = arith.muli %add3A_760, %mul3A_768 : i32
      %get3A_770 = arith.index_cast %mul3A_769 : i32 to index
      %get3A_771 = tpu.vector_load %arg10[%get3A_770] {strides = array<i32>} : memref<10000xi32, #tpu.memory_space<vmem>>, vector<16xi32>,
      %mul3A_772 = arith.constant 16 : i32
      %mul3A_773 = arith.muli %add3A_760, %mul3A_772 : i32
      %get3A_774 = arith.index_cast %mul3A_773 : i32 to index
      %get3A_775 = tpu.vector_load %arg5[%get3A_774] {strides = array<i32>} : memref<10000xi32, #tpu.memory_space<vmem>>, vector<16xi32>,
      %eq3A_776 = arith.constant 0 : i32
      %eq3A_777 = vector.broadcast %eq3A_776 : i32 to vector<16xi32>
      %eq3A_778 = arith.cmpi eq, %get3A_775, %eq3A_777 : vector<16xi32>
      %mul3A_779 = arith.constant 16 : i32
      %mul3A_780 = arith.muli %add3A_760, %mul3A_779 : i32
      %add3A_781 = arith.addi %mul3A_2, %mul3A_780 : i32
      %add3A_782 = vector.broadcast %add3A_781 : i32 to vector<16xi32>
      %add3A_783 = arith.addi %add3A_782, %iota3A : vector<16xi32>
      %sub3A_784 = arith.subi %iota3A, %get3A_771 : vector<16xi32>
      %select_n3A_785 = arith.select %eq3A_778, %sub3A_784, %broadcast_in_dim3A_93 : vector<16xi1>, vector<16xi32>
      %add3A_786 = arith.addi %broadcast_in_dim3A_767, %select_n3A_785 : vector<16xi32>
      %min3A_787 = arith.minsi %add3A_786, %broadcast_in_dim3A_95 : vector<16xi32>
      %sub3A_788 = arith.constant 1 : i32
      %sub3A_789 = vector.broadcast %sub3A_788 : i32 to vector<16xi32>
      %sub3A_790 = arith.subi %get3A_771, %sub3A_789 : vector<16xi32>
      %select_n3A_791 = arith.select %eq3A_778, %broadcast_in_dim3A_93, %sub3A_790 : vector<16xi1>, vector<16xi32>
      %add3A_792 = arith.addi %broadcast_in_dim3A_763, %select_n3A_791 : vector<16xi32>
      %min3A_793 = arith.minsi %add3A_792, %broadcast_in_dim3A_95 : vector<16xi32>
      tpu.vector_store_idx %arg6[%min3A_787], %add3A_783 : memref<10336xi32, #tpu.memory_space<vmem>>[vector<16xi32>], vector<16xi32>,
      tpu.vector_store_idx %arg7[%min3A_793], %add3A_783 : memref<10336xi32, #tpu.memory_space<vmem>>[vector<16xi32>], vector<16xi32>,
      %mul3A_794 = arith.constant 5 : i32
      %mul3A_795 = arith.muli %scan3A_677, %mul3A_794 : i32
      %add3A_796 = arith.constant 375 : i32
      %add3A_797 = arith.addi %add3A_796, %mul3A_795 : i32
      %add3A_798 = arith.constant 3 : i32
      %add3A_799 = arith.addi %add3A_797, %add3A_798 : i32
      %get3A_800 = arith.index_cast %add3A_799 : i32 to index
      %get3A_801 = memref.load %arg14[%get3A_800] : memref<625xi32, #tpu.memory_space<smem>>
      %broadcast_in_dim3A_802 = vector.broadcast %get3A_801 : i32 to vector<16xi32>
      %mul3A_803 = arith.constant 16 : i32
      %mul3A_804 = arith.muli %add3A_799, %mul3A_803 : i32
      %sub3A_805 = arith.subi %mul3A_804, %get3A_801 : i32
      %broadcast_in_dim3A_806 = vector.broadcast %sub3A_805 : i32 to vector<16xi32>
      %mul3A_807 = arith.constant 16 : i32
      %mul3A_808 = arith.muli %add3A_799, %mul3A_807 : i32
      %get3A_809 = arith.index_cast %mul3A_808 : i32 to index
      %get3A_810 = tpu.vector_load %arg10[%get3A_809] {strides = array<i32>} : memref<10000xi32, #tpu.memory_space<vmem>>, vector<16xi32>,
      %mul3A_811 = arith.constant 16 : i32
      %mul3A_812 = arith.muli %add3A_799, %mul3A_811 : i32
      %get3A_813 = arith.index_cast %mul3A_812 : i32 to index
      %get3A_814 = tpu.vector_load %arg5[%get3A_813] {strides = array<i32>} : memref<10000xi32, #tpu.memory_space<vmem>>, vector<16xi32>,
      %eq3A_815 = arith.constant 0 : i32
      %eq3A_816 = vector.broadcast %eq3A_815 : i32 to vector<16xi32>
      %eq3A_817 = arith.cmpi eq, %get3A_814, %eq3A_816 : vector<16xi32>
      %mul3A_818 = arith.constant 16 : i32
      %mul3A_819 = arith.muli %add3A_799, %mul3A_818 : i32
      %add3A_820 = arith.addi %mul3A_2, %mul3A_819 : i32
      %add3A_821 = vector.broadcast %add3A_820 : i32 to vector<16xi32>
      %add3A_822 = arith.addi %add3A_821, %iota3A : vector<16xi32>
      %sub3A_823 = arith.subi %iota3A, %get3A_810 : vector<16xi32>
      %select_n3A_824 = arith.select %eq3A_817, %sub3A_823, %broadcast_in_dim3A_93 : vector<16xi1>, vector<16xi32>
      %add3A_825 = arith.addi %broadcast_in_dim3A_806, %select_n3A_824 : vector<16xi32>
      %min3A_826 = arith.minsi %add3A_825, %broadcast_in_dim3A_95 : vector<16xi32>
      %sub3A_827 = arith.constant 1 : i32
      %sub3A_828 = vector.broadcast %sub3A_827 : i32 to vector<16xi32>
      %sub3A_829 = arith.subi %get3A_810, %sub3A_828 : vector<16xi32>
      %select_n3A_830 = arith.select %eq3A_817, %broadcast_in_dim3A_93, %sub3A_829 : vector<16xi1>, vector<16xi32>
      %add3A_831 = arith.addi %broadcast_in_dim3A_802, %select_n3A_830 : vector<16xi32>
      %min3A_832 = arith.minsi %add3A_831, %broadcast_in_dim3A_95 : vector<16xi32>
      tpu.vector_store_idx %arg6[%min3A_826], %add3A_822 : memref<10336xi32, #tpu.memory_space<vmem>>[vector<16xi32>], vector<16xi32>,
      tpu.vector_store_idx %arg7[%min3A_832], %add3A_822 : memref<10336xi32, #tpu.memory_space<vmem>>[vector<16xi32>], vector<16xi32>,
      %mul3A_833 = arith.constant 5 : i32
      %mul3A_834 = arith.muli %scan3A_677, %mul3A_833 : i32
      %add3A_835 = arith.constant 375 : i32
      %add3A_836 = arith.addi %add3A_835, %mul3A_834 : i32
      %add3A_837 = arith.constant 4 : i32
      %add3A_838 = arith.addi %add3A_836, %add3A_837 : i32
      %get3A_839 = arith.index_cast %add3A_838 : i32 to index
      %get3A_840 = memref.load %arg14[%get3A_839] : memref<625xi32, #tpu.memory_space<smem>>
      %broadcast_in_dim3A_841 = vector.broadcast %get3A_840 : i32 to vector<16xi32>
      %mul3A_842 = arith.constant 16 : i32
      %mul3A_843 = arith.muli %add3A_838, %mul3A_842 : i32
      %sub3A_844 = arith.subi %mul3A_843, %get3A_840 : i32
      %broadcast_in_dim3A_845 = vector.broadcast %sub3A_844 : i32 to vector<16xi32>
      %mul3A_846 = arith.constant 16 : i32
      %mul3A_847 = arith.muli %add3A_838, %mul3A_846 : i32
      %get3A_848 = arith.index_cast %mul3A_847 : i32 to index
      %get3A_849 = tpu.vector_load %arg10[%get3A_848] {strides = array<i32>} : memref<10000xi32, #tpu.memory_space<vmem>>, vector<16xi32>,
      %mul3A_850 = arith.constant 16 : i32
      %mul3A_851 = arith.muli %add3A_838, %mul3A_850 : i32
      %get3A_852 = arith.index_cast %mul3A_851 : i32 to index
      %get3A_853 = tpu.vector_load %arg5[%get3A_852] {strides = array<i32>} : memref<10000xi32, #tpu.memory_space<vmem>>, vector<16xi32>,
      %eq3A_854 = arith.constant 0 : i32
      %eq3A_855 = vector.broadcast %eq3A_854 : i32 to vector<16xi32>
      %eq3A_856 = arith.cmpi eq, %get3A_853, %eq3A_855 : vector<16xi32>
      %mul3A_857 = arith.constant 16 : i32
      %mul3A_858 = arith.muli %add3A_838, %mul3A_857 : i32
      %add3A_859 = arith.addi %mul3A_2, %mul3A_858 : i32
      %add3A_860 = vector.broadcast %add3A_859 : i32 to vector<16xi32>
      %add3A_861 = arith.addi %add3A_860, %iota3A : vector<16xi32>
      %sub3A_862 = arith.subi %iota3A, %get3A_849 : vector<16xi32>
      %select_n3A_863 = arith.select %eq3A_856, %sub3A_862, %broadcast_in_dim3A_93 : vector<16xi1>, vector<16xi32>
      %add3A_864 = arith.addi %broadcast_in_dim3A_845, %select_n3A_863 : vector<16xi32>
      %min3A_865 = arith.minsi %add3A_864, %broadcast_in_dim3A_95 : vector<16xi32>
      %sub3A_866 = arith.constant 1 : i32
      %sub3A_867 = vector.broadcast %sub3A_866 : i32 to vector<16xi32>
      %sub3A_868 = arith.subi %get3A_849, %sub3A_867 : vector<16xi32>
      %select_n3A_869 = arith.select %eq3A_856, %broadcast_in_dim3A_93, %sub3A_868 : vector<16xi1>, vector<16xi32>
      %add3A_870 = arith.addi %broadcast_in_dim3A_841, %select_n3A_869 : vector<16xi32>
      %min3A_871 = arith.minsi %add3A_870, %broadcast_in_dim3A_95 : vector<16xi32>
      tpu.vector_store_idx %arg6[%min3A_865], %add3A_861 : memref<10336xi32, #tpu.memory_space<vmem>>[vector<16xi32>], vector<16xi32>,
      tpu.vector_store_idx %arg7[%min3A_871], %add3A_861 : memref<10336xi32, #tpu.memory_space<vmem>>[vector<16xi32>], vector<16xi32>,
    }
    %scan3A_345 = arith.constant 25 : i32
    %get3A_346 = arith.constant 500 : i32
    %get3A_347 = arith.index_cast %get3A_346 : i32 to index
    %get3A_348 = memref.load %arg14[%get3A_347] : memref<625xi32, #tpu.memory_space<smem>>
    %sub3A_349 = arith.constant 8000 : i32
    %sub3A_350 = arith.subi %sub3A_349, %get3A_348 : i32
    %jit3A_351 = arith.constant 320 : i32
    %div3A_352 = arith.divsi %sub3A_350, %jit3A_351 : i32
    %sign3A_353 = arith.constant 0 : i32
    %sign3A_354 = arith.cmpi sgt, %sub3A_350, %sign3A_353 : i32
    %sign3A_355 = arith.extui %sign3A_354 : i1 to i32
    %sign3A_356 = arith.constant 0 : i32
    %sign3A_357 = arith.cmpi slt, %sub3A_350, %sign3A_356 : i32
    %sign3A_358 = arith.extui %sign3A_357 : i1 to i32
    %sign3A_359 = arith.subi %sign3A_355, %sign3A_358 : i32
    %sign3A_360 = arith.constant 0 : i32
    %sign3A_361 = arith.cmpi sgt, %jit3A_351, %sign3A_360 : i32
    %sign3A_362 = arith.extui %sign3A_361 : i1 to i32
    %sign3A_363 = arith.constant 0 : i32
    %sign3A_364 = arith.cmpi slt, %jit3A_351, %sign3A_363 : i32
    %sign3A_365 = arith.extui %sign3A_364 : i1 to i32
    %sign3A_366 = arith.subi %sign3A_362, %sign3A_365 : i32
    %ne3A_367 = arith.cmpi ne, %sign3A_359, %sign3A_366 : i32
    %rem3A_368 = arith.remsi %sub3A_350, %jit3A_351 : i32
    %ne3A_369 = arith.constant 0 : i32
    %ne3A_370 = arith.cmpi ne, %rem3A_368, %ne3A_369 : i32
    %and3A_371 = arith.andi %ne3A_367, %ne3A_370 : i1
    %sub3A_372 = arith.constant 1 : i32
    %sub3A_373 = arith.subi %div3A_352, %sub3A_372 : i32
    %select_n3A_374 = arith.select %and3A_371, %sub3A_373, %div3A_352 : i32
    %jit3A_375 = arith.constant 320 : i32
    %div3A_376 = arith.divsi %get3A_348, %jit3A_375 : i32
    %sign3A_377 = arith.constant 0 : i32
    %sign3A_378 = arith.cmpi sgt, %get3A_348, %sign3A_377 : i32
    %sign3A_379 = arith.extui %sign3A_378 : i1 to i32
    %sign3A_380 = arith.constant 0 : i32
    %sign3A_381 = arith.cmpi slt, %get3A_348, %sign3A_380 : i32
    %sign3A_382 = arith.extui %sign3A_381 : i1 to i32
    %sign3A_383 = arith.subi %sign3A_379, %sign3A_382 : i32
    %sign3A_384 = arith.constant 0 : i32
    %sign3A_385 = arith.cmpi sgt, %jit3A_375, %sign3A_384 : i32
    %sign3A_386 = arith.extui %sign3A_385 : i1 to i32
    %sign3A_387 = arith.constant 0 : i32
    %sign3A_388 = arith.cmpi slt, %jit3A_375, %sign3A_387 : i32
    %sign3A_389 = arith.extui %sign3A_388 : i1 to i32
    %sign3A_390 = arith.subi %sign3A_386, %sign3A_389 : i32
    %ne3A_391 = arith.cmpi ne, %sign3A_383, %sign3A_390 : i32
    %rem3A_392 = arith.remsi %get3A_348, %jit3A_375 : i32
    %ne3A_393 = arith.constant 0 : i32
    %ne3A_394 = arith.cmpi ne, %rem3A_392, %ne3A_393 : i32
    %and3A_395 = arith.andi %ne3A_391, %ne3A_394 : i1
    %sub3A_396 = arith.constant 1 : i32
    %sub3A_397 = arith.subi %div3A_376, %sub3A_396 : i32
    %select_n3A_398 = arith.select %and3A_395, %sub3A_397, %div3A_376 : i32
    %while3A_399 = arith.constant 0 : i32
    %while3A_400 = arith.subi %select_n3A_374, %select_n3A_297 : i32
    %while3A_401 = arith.addi %select_n3A_297, %while3A_400 : i32
    %while3A_402 = arith.constant 1 : i32
    %while3A_403 = arith.divsi %while3A_400, %while3A_402 : i32
    %while3A_404 = arith.muli %while3A_403, %while3A_402 : i32
    %while3A_405 = arith.addi %select_n3A_297, %while3A_404 : i32
    %while3A_406 = arith.constant 1 : i32
    scf.for %while3A_677 = %select_n3A_297 to %while3A_405 step %while3A_406  : i32 {
      %mul3A_678 = arith.constant 320 : i32
      %mul3A_679 = arith.muli %while3A_677, %mul3A_678 : i32
      %dma_start3A_680 = tpu.memref_slice %arg6[%mul3A_679] : memref<10336xi32, #tpu.memory_space<vmem>> -> memref<320xi32, #tpu.memory_space<vmem>>
      %dma_start3A_681 = arith.constant 0 : i32
      %dma_start3A_682 = arith.constant 0 : i32
      %dma_start3A_683 = tpu.memref_slice %arg4[%dma_start3A_681, %dma_start3A_682] : memref<320000x128xf32, #tpu.memory_space<hbm>> -> memref<320000x128xf32, #tpu.memory_space<hbm>>
      tpu.enqueue_indirect_dma source(%arg8 : memref<320x128xf32, #tpu.memory_space<vmem>>) target(%dma_start3A_683 : memref<320000x128xf32, #tpu.memory_space<hbm>>) offsets(%dma_start3A_680 : memref<320xi32, #tpu.memory_space<vmem>>) semaphore(%arg17 : memref<!tpu.dma_semaphore, #tpu.memory_space<semaphore_mem>>)
    }
    %while3A_407 = arith.constant 1 : i32
    scf.for %while3A_677 = %while3A_405 to %while3A_401 step %while3A_407  : i32 {
      %mul3A_678 = arith.constant 320 : i32
      %mul3A_679 = arith.muli %while3A_677, %mul3A_678 : i32
      %dma_start3A_680 = tpu.memref_slice %arg6[%mul3A_679] : memref<10336xi32, #tpu.memory_space<vmem>> -> memref<320xi32, #tpu.memory_space<vmem>>
      %dma_start3A_681 = arith.constant 0 : i32
      %dma_start3A_682 = arith.constant 0 : i32
      %dma_start3A_683 = tpu.memref_slice %arg4[%dma_start3A_681, %dma_start3A_682] : memref<320000x128xf32, #tpu.memory_space<hbm>> -> memref<320000x128xf32, #tpu.memory_space<hbm>>
      tpu.enqueue_indirect_dma source(%arg8 : memref<320x128xf32, #tpu.memory_space<vmem>>) target(%dma_start3A_683 : memref<320000x128xf32, #tpu.memory_space<hbm>>) offsets(%dma_start3A_680 : memref<320xi32, #tpu.memory_space<vmem>>) semaphore(%arg17 : memref<!tpu.dma_semaphore, #tpu.memory_space<semaphore_mem>>)
    }
    %while3A_408 = arith.constant 0 : i32
    %while3A_409 = arith.subi %select_n3A_398, %select_n3A_321 : i32
    %while3A_410 = arith.addi %select_n3A_321, %while3A_409 : i32
    %while3A_411 = arith.constant 1 : i32
    %while3A_412 = arith.divsi %while3A_409, %while3A_411 : i32
    %while3A_413 = arith.muli %while3A_412, %while3A_411 : i32
    %while3A_414 = arith.addi %select_n3A_321, %while3A_413 : i32
    %while3A_415 = arith.constant 1 : i32
    scf.for %while3A_677 = %select_n3A_321 to %while3A_414 step %while3A_415  : i32 {
      %mul3A_678 = arith.constant 320 : i32
      %mul3A_679 = arith.muli %while3A_677, %mul3A_678 : i32
      %dma_start3A_680 = tpu.memref_slice %arg7[%mul3A_679] : memref<10336xi32, #tpu.memory_space<vmem>> -> memref<320xi32, #tpu.memory_space<vmem>>
      %dma_start3A_681 = arith.constant 0 : i32
      %dma_start3A_682 = arith.constant 0 : i32
      %dma_start3A_683 = tpu.memref_slice %arg4[%dma_start3A_681, %dma_start3A_682] : memref<320000x128xf32, #tpu.memory_space<hbm>> -> memref<320000x128xf32, #tpu.memory_space<hbm>>
      tpu.enqueue_indirect_dma source(%arg9 : memref<320x128xf32, #tpu.memory_space<vmem>>) target(%dma_start3A_683 : memref<320000x128xf32, #tpu.memory_space<hbm>>) offsets(%dma_start3A_680 : memref<320xi32, #tpu.memory_space<vmem>>) semaphore(%arg17 : memref<!tpu.dma_semaphore, #tpu.memory_space<semaphore_mem>>)
    }
    %while3A_416 = arith.constant 1 : i32
    scf.for %while3A_677 = %while3A_414 to %while3A_410 step %while3A_416  : i32 {
      %mul3A_678 = arith.constant 320 : i32
      %mul3A_679 = arith.muli %while3A_677, %mul3A_678 : i32
      %dma_start3A_680 = tpu.memref_slice %arg7[%mul3A_679] : memref<10336xi32, #tpu.memory_space<vmem>> -> memref<320xi32, #tpu.memory_space<vmem>>
      %dma_start3A_681 = arith.constant 0 : i32
      %dma_start3A_682 = arith.constant 0 : i32
      %dma_start3A_683 = tpu.memref_slice %arg4[%dma_start3A_681, %dma_start3A_682] : memref<320000x128xf32, #tpu.memory_space<hbm>> -> memref<320000x128xf32, #tpu.memory_space<hbm>>
      tpu.enqueue_indirect_dma source(%arg9 : memref<320x128xf32, #tpu.memory_space<vmem>>) target(%dma_start3A_683 : memref<320000x128xf32, #tpu.memory_space<hbm>>) offsets(%dma_start3A_680 : memref<320xi32, #tpu.memory_space<vmem>>) semaphore(%arg17 : memref<!tpu.dma_semaphore, #tpu.memory_space<semaphore_mem>>)
    }
    %scan3A_417 = arith.constant 0 : i32
    %scan3A_418 = arith.constant 0 : i32
    %scan3A_419 = arith.constant 25 : i32
    %scan3A_420 = arith.addi %scan3A_418, %scan3A_419 : i32
    %scan3A_421 = arith.constant 1 : i32
    scf.for %scan3A_677 = %scan3A_418 to %scan3A_420 step %scan3A_421  : i32 {
      %mul3A_678 = arith.constant 5 : i32
      %mul3A_679 = arith.muli %scan3A_677, %mul3A_678 : i32
      %add3A_680 = arith.constant 500 : i32
      %add3A_681 = arith.addi %add3A_680, %mul3A_679 : i32
      %add3A_682 = arith.constant 0 : i32
      %add3A_683 = arith.addi %add3A_681, %add3A_682 : i32
      %get3A_684 = arith.index_cast %add3A_683 : i32 to index
      %get3A_685 = memref.load %arg14[%get3A_684] : memref<625xi32, #tpu.memory_space<smem>>
      %broadcast_in_dim3A_686 = vector.broadcast %get3A_685 : i32 to vector<16xi32>
      %mul3A_687 = arith.constant 16 : i32
      %mul3A_688 = arith.muli %add3A_683, %mul3A_687 : i32
      %sub3A_689 = arith.subi %mul3A_688, %get3A_685 : i32
      %broadcast_in_dim3A_690 = vector.broadcast %sub3A_689 : i32 to vector<16xi32>
      %mul3A_691 = arith.constant 16 : i32
      %mul3A_692 = arith.muli %add3A_683, %mul3A_691 : i32
      %get3A_693 = arith.index_cast %mul3A_692 : i32 to index
      %get3A_694 = tpu.vector_load %arg10[%get3A_693] {strides = array<i32>} : memref<10000xi32, #tpu.memory_space<vmem>>, vector<16xi32>,
      %mul3A_695 = arith.constant 16 : i32
      %mul3A_696 = arith.muli %add3A_683, %mul3A_695 : i32
      %get3A_697 = arith.index_cast %mul3A_696 : i32 to index
      %get3A_698 = tpu.vector_load %arg5[%get3A_697] {strides = array<i32>} : memref<10000xi32, #tpu.memory_space<vmem>>, vector<16xi32>,
      %eq3A_699 = arith.constant 0 : i32
      %eq3A_700 = vector.broadcast %eq3A_699 : i32 to vector<16xi32>
      %eq3A_701 = arith.cmpi eq, %get3A_698, %eq3A_700 : vector<16xi32>
      %mul3A_702 = arith.constant 16 : i32
      %mul3A_703 = arith.muli %add3A_683, %mul3A_702 : i32
      %add3A_704 = arith.addi %mul3A_2, %mul3A_703 : i32
      %add3A_705 = vector.broadcast %add3A_704 : i32 to vector<16xi32>
      %add3A_706 = arith.addi %add3A_705, %iota3A : vector<16xi32>
      %sub3A_707 = arith.subi %iota3A, %get3A_694 : vector<16xi32>
      %select_n3A_708 = arith.select %eq3A_701, %sub3A_707, %broadcast_in_dim3A_93 : vector<16xi1>, vector<16xi32>
      %add3A_709 = arith.addi %broadcast_in_dim3A_690, %select_n3A_708 : vector<16xi32>
      %min3A = arith.minsi %add3A_709, %broadcast_in_dim3A_95 : vector<16xi32>
      %sub3A_710 = arith.constant 1 : i32
      %sub3A_711 = vector.broadcast %sub3A_710 : i32 to vector<16xi32>
      %sub3A_712 = arith.subi %get3A_694, %sub3A_711 : vector<16xi32>
      %select_n3A_713 = arith.select %eq3A_701, %broadcast_in_dim3A_93, %sub3A_712 : vector<16xi1>, vector<16xi32>
      %add3A_714 = arith.addi %broadcast_in_dim3A_686, %select_n3A_713 : vector<16xi32>
      %min3A_715 = arith.minsi %add3A_714, %broadcast_in_dim3A_95 : vector<16xi32>
      tpu.vector_store_idx %arg6[%min3A], %add3A_706 : memref<10336xi32, #tpu.memory_space<vmem>>[vector<16xi32>], vector<16xi32>,
      tpu.vector_store_idx %arg7[%min3A_715], %add3A_706 : memref<10336xi32, #tpu.memory_space<vmem>>[vector<16xi32>], vector<16xi32>,
      %mul3A_716 = arith.constant 5 : i32
      %mul3A_717 = arith.muli %scan3A_677, %mul3A_716 : i32
      %add3A_718 = arith.constant 500 : i32
      %add3A_719 = arith.addi %add3A_718, %mul3A_717 : i32
      %add3A_720 = arith.constant 1 : i32
      %add3A_721 = arith.addi %add3A_719, %add3A_720 : i32
      %get3A_722 = arith.index_cast %add3A_721 : i32 to index
      %get3A_723 = memref.load %arg14[%get3A_722] : memref<625xi32, #tpu.memory_space<smem>>
      %broadcast_in_dim3A_724 = vector.broadcast %get3A_723 : i32 to vector<16xi32>
      %mul3A_725 = arith.constant 16 : i32
      %mul3A_726 = arith.muli %add3A_721, %mul3A_725 : i32
      %sub3A_727 = arith.subi %mul3A_726, %get3A_723 : i32
      %broadcast_in_dim3A_728 = vector.broadcast %sub3A_727 : i32 to vector<16xi32>
      %mul3A_729 = arith.constant 16 : i32
      %mul3A_730 = arith.muli %add3A_721, %mul3A_729 : i32
      %get3A_731 = arith.index_cast %mul3A_730 : i32 to index
      %get3A_732 = tpu.vector_load %arg10[%get3A_731] {strides = array<i32>} : memref<10000xi32, #tpu.memory_space<vmem>>, vector<16xi32>,
      %mul3A_733 = arith.constant 16 : i32
      %mul3A_734 = arith.muli %add3A_721, %mul3A_733 : i32
      %get3A_735 = arith.index_cast %mul3A_734 : i32 to index
      %get3A_736 = tpu.vector_load %arg5[%get3A_735] {strides = array<i32>} : memref<10000xi32, #tpu.memory_space<vmem>>, vector<16xi32>,
      %eq3A_737 = arith.constant 0 : i32
      %eq3A_738 = vector.broadcast %eq3A_737 : i32 to vector<16xi32>
      %eq3A_739 = arith.cmpi eq, %get3A_736, %eq3A_738 : vector<16xi32>
      %mul3A_740 = arith.constant 16 : i32
      %mul3A_741 = arith.muli %add3A_721, %mul3A_740 : i32
      %add3A_742 = arith.addi %mul3A_2, %mul3A_741 : i32
      %add3A_743 = vector.broadcast %add3A_742 : i32 to vector<16xi32>
      %add3A_744 = arith.addi %add3A_743, %iota3A : vector<16xi32>
      %sub3A_745 = arith.subi %iota3A, %get3A_732 : vector<16xi32>
      %select_n3A_746 = arith.select %eq3A_739, %sub3A_745, %broadcast_in_dim3A_93 : vector<16xi1>, vector<16xi32>
      %add3A_747 = arith.addi %broadcast_in_dim3A_728, %select_n3A_746 : vector<16xi32>
      %min3A_748 = arith.minsi %add3A_747, %broadcast_in_dim3A_95 : vector<16xi32>
      %sub3A_749 = arith.constant 1 : i32
      %sub3A_750 = vector.broadcast %sub3A_749 : i32 to vector<16xi32>
      %sub3A_751 = arith.subi %get3A_732, %sub3A_750 : vector<16xi32>
      %select_n3A_752 = arith.select %eq3A_739, %broadcast_in_dim3A_93, %sub3A_751 : vector<16xi1>, vector<16xi32>
      %add3A_753 = arith.addi %broadcast_in_dim3A_724, %select_n3A_752 : vector<16xi32>
      %min3A_754 = arith.minsi %add3A_753, %broadcast_in_dim3A_95 : vector<16xi32>
      tpu.vector_store_idx %arg6[%min3A_748], %add3A_744 : memref<10336xi32, #tpu.memory_space<vmem>>[vector<16xi32>], vector<16xi32>,
      tpu.vector_store_idx %arg7[%min3A_754], %add3A_744 : memref<10336xi32, #tpu.memory_space<vmem>>[vector<16xi32>], vector<16xi32>,
      %mul3A_755 = arith.constant 5 : i32
      %mul3A_756 = arith.muli %scan3A_677, %mul3A_755 : i32
      %add3A_757 = arith.constant 500 : i32
      %add3A_758 = arith.addi %add3A_757, %mul3A_756 : i32
      %add3A_759 = arith.constant 2 : i32
      %add3A_760 = arith.addi %add3A_758, %add3A_759 : i32
      %get3A_761 = arith.index_cast %add3A_760 : i32 to index
      %get3A_762 = memref.load %arg14[%get3A_761] : memref<625xi32, #tpu.memory_space<smem>>
      %broadcast_in_dim3A_763 = vector.broadcast %get3A_762 : i32 to vector<16xi32>
      %mul3A_764 = arith.constant 16 : i32
      %mul3A_765 = arith.muli %add3A_760, %mul3A_764 : i32
      %sub3A_766 = arith.subi %mul3A_765, %get3A_762 : i32
      %broadcast_in_dim3A_767 = vector.broadcast %sub3A_766 : i32 to vector<16xi32>
      %mul3A_768 = arith.constant 16 : i32
      %mul3A_769 = arith.muli %add3A_760, %mul3A_768 : i32
      %get3A_770 = arith.index_cast %mul3A_769 : i32 to index
      %get3A_771 = tpu.vector_load %arg10[%get3A_770] {strides = array<i32>} : memref<10000xi32, #tpu.memory_space<vmem>>, vector<16xi32>,
      %mul3A_772 = arith.constant 16 : i32
      %mul3A_773 = arith.muli %add3A_760, %mul3A_772 : i32
      %get3A_774 = arith.index_cast %mul3A_773 : i32 to index
      %get3A_775 = tpu.vector_load %arg5[%get3A_774] {strides = array<i32>} : memref<10000xi32, #tpu.memory_space<vmem>>, vector<16xi32>,
      %eq3A_776 = arith.constant 0 : i32
      %eq3A_777 = vector.broadcast %eq3A_776 : i32 to vector<16xi32>
      %eq3A_778 = arith.cmpi eq, %get3A_775, %eq3A_777 : vector<16xi32>
      %mul3A_779 = arith.constant 16 : i32
      %mul3A_780 = arith.muli %add3A_760, %mul3A_779 : i32
      %add3A_781 = arith.addi %mul3A_2, %mul3A_780 : i32
      %add3A_782 = vector.broadcast %add3A_781 : i32 to vector<16xi32>
      %add3A_783 = arith.addi %add3A_782, %iota3A : vector<16xi32>
      %sub3A_784 = arith.subi %iota3A, %get3A_771 : vector<16xi32>
      %select_n3A_785 = arith.select %eq3A_778, %sub3A_784, %broadcast_in_dim3A_93 : vector<16xi1>, vector<16xi32>
      %add3A_786 = arith.addi %broadcast_in_dim3A_767, %select_n3A_785 : vector<16xi32>
      %min3A_787 = arith.minsi %add3A_786, %broadcast_in_dim3A_95 : vector<16xi32>
      %sub3A_788 = arith.constant 1 : i32
      %sub3A_789 = vector.broadcast %sub3A_788 : i32 to vector<16xi32>
      %sub3A_790 = arith.subi %get3A_771, %sub3A_789 : vector<16xi32>
      %select_n3A_791 = arith.select %eq3A_778, %broadcast_in_dim3A_93, %sub3A_790 : vector<16xi1>, vector<16xi32>
      %add3A_792 = arith.addi %broadcast_in_dim3A_763, %select_n3A_791 : vector<16xi32>
      %min3A_793 = arith.minsi %add3A_792, %broadcast_in_dim3A_95 : vector<16xi32>
      tpu.vector_store_idx %arg6[%min3A_787], %add3A_783 : memref<10336xi32, #tpu.memory_space<vmem>>[vector<16xi32>], vector<16xi32>,
      tpu.vector_store_idx %arg7[%min3A_793], %add3A_783 : memref<10336xi32, #tpu.memory_space<vmem>>[vector<16xi32>], vector<16xi32>,
      %mul3A_794 = arith.constant 5 : i32
      %mul3A_795 = arith.muli %scan3A_677, %mul3A_794 : i32
      %add3A_796 = arith.constant 500 : i32
      %add3A_797 = arith.addi %add3A_796, %mul3A_795 : i32
      %add3A_798 = arith.constant 3 : i32
      %add3A_799 = arith.addi %add3A_797, %add3A_798 : i32
      %get3A_800 = arith.index_cast %add3A_799 : i32 to index
      %get3A_801 = memref.load %arg14[%get3A_800] : memref<625xi32, #tpu.memory_space<smem>>
      %broadcast_in_dim3A_802 = vector.broadcast %get3A_801 : i32 to vector<16xi32>
      %mul3A_803 = arith.constant 16 : i32
      %mul3A_804 = arith.muli %add3A_799, %mul3A_803 : i32
      %sub3A_805 = arith.subi %mul3A_804, %get3A_801 : i32
      %broadcast_in_dim3A_806 = vector.broadcast %sub3A_805 : i32 to vector<16xi32>
      %mul3A_807 = arith.constant 16 : i32
      %mul3A_808 = arith.muli %add3A_799, %mul3A_807 : i32
      %get3A_809 = arith.index_cast %mul3A_808 : i32 to index
      %get3A_810 = tpu.vector_load %arg10[%get3A_809] {strides = array<i32>} : memref<10000xi32, #tpu.memory_space<vmem>>, vector<16xi32>,
      %mul3A_811 = arith.constant 16 : i32
      %mul3A_812 = arith.muli %add3A_799, %mul3A_811 : i32
      %get3A_813 = arith.index_cast %mul3A_812 : i32 to index
      %get3A_814 = tpu.vector_load %arg5[%get3A_813] {strides = array<i32>} : memref<10000xi32, #tpu.memory_space<vmem>>, vector<16xi32>,
      %eq3A_815 = arith.constant 0 : i32
      %eq3A_816 = vector.broadcast %eq3A_815 : i32 to vector<16xi32>
      %eq3A_817 = arith.cmpi eq, %get3A_814, %eq3A_816 : vector<16xi32>
      %mul3A_818 = arith.constant 16 : i32
      %mul3A_819 = arith.muli %add3A_799, %mul3A_818 : i32
      %add3A_820 = arith.addi %mul3A_2, %mul3A_819 : i32
      %add3A_821 = vector.broadcast %add3A_820 : i32 to vector<16xi32>
      %add3A_822 = arith.addi %add3A_821, %iota3A : vector<16xi32>
      %sub3A_823 = arith.subi %iota3A, %get3A_810 : vector<16xi32>
      %select_n3A_824 = arith.select %eq3A_817, %sub3A_823, %broadcast_in_dim3A_93 : vector<16xi1>, vector<16xi32>
      %add3A_825 = arith.addi %broadcast_in_dim3A_806, %select_n3A_824 : vector<16xi32>
      %min3A_826 = arith.minsi %add3A_825, %broadcast_in_dim3A_95 : vector<16xi32>
      %sub3A_827 = arith.constant 1 : i32
      %sub3A_828 = vector.broadcast %sub3A_827 : i32 to vector<16xi32>
      %sub3A_829 = arith.subi %get3A_810, %sub3A_828 : vector<16xi32>
      %select_n3A_830 = arith.select %eq3A_817, %broadcast_in_dim3A_93, %sub3A_829 : vector<16xi1>, vector<16xi32>
      %add3A_831 = arith.addi %broadcast_in_dim3A_802, %select_n3A_830 : vector<16xi32>
      %min3A_832 = arith.minsi %add3A_831, %broadcast_in_dim3A_95 : vector<16xi32>
      tpu.vector_store_idx %arg6[%min3A_826], %add3A_822 : memref<10336xi32, #tpu.memory_space<vmem>>[vector<16xi32>], vector<16xi32>,
      tpu.vector_store_idx %arg7[%min3A_832], %add3A_822 : memref<10336xi32, #tpu.memory_space<vmem>>[vector<16xi32>], vector<16xi32>,
      %mul3A_833 = arith.constant 5 : i32
      %mul3A_834 = arith.muli %scan3A_677, %mul3A_833 : i32
      %add3A_835 = arith.constant 500 : i32
      %add3A_836 = arith.addi %add3A_835, %mul3A_834 : i32
      %add3A_837 = arith.constant 4 : i32
      %add3A_838 = arith.addi %add3A_836, %add3A_837 : i32
      %get3A_839 = arith.index_cast %add3A_838 : i32 to index
      %get3A_840 = memref.load %arg14[%get3A_839] : memref<625xi32, #tpu.memory_space<smem>>
      %broadcast_in_dim3A_841 = vector.broadcast %get3A_840 : i32 to vector<16xi32>
      %mul3A_842 = arith.constant 16 : i32
      %mul3A_843 = arith.muli %add3A_838, %mul3A_842 : i32
      %sub3A_844 = arith.subi %mul3A_843, %get3A_840 : i32
      %broadcast_in_dim3A_845 = vector.broadcast %sub3A_844 : i32 to vector<16xi32>
      %mul3A_846 = arith.constant 16 : i32
      %mul3A_847 = arith.muli %add3A_838, %mul3A_846 : i32
      %get3A_848 = arith.index_cast %mul3A_847 : i32 to index
      %get3A_849 = tpu.vector_load %arg10[%get3A_848] {strides = array<i32>} : memref<10000xi32, #tpu.memory_space<vmem>>, vector<16xi32>,
      %mul3A_850 = arith.constant 16 : i32
      %mul3A_851 = arith.muli %add3A_838, %mul3A_850 : i32
      %get3A_852 = arith.index_cast %mul3A_851 : i32 to index
      %get3A_853 = tpu.vector_load %arg5[%get3A_852] {strides = array<i32>} : memref<10000xi32, #tpu.memory_space<vmem>>, vector<16xi32>,
      %eq3A_854 = arith.constant 0 : i32
      %eq3A_855 = vector.broadcast %eq3A_854 : i32 to vector<16xi32>
      %eq3A_856 = arith.cmpi eq, %get3A_853, %eq3A_855 : vector<16xi32>
      %mul3A_857 = arith.constant 16 : i32
      %mul3A_858 = arith.muli %add3A_838, %mul3A_857 : i32
      %add3A_859 = arith.addi %mul3A_2, %mul3A_858 : i32
      %add3A_860 = vector.broadcast %add3A_859 : i32 to vector<16xi32>
      %add3A_861 = arith.addi %add3A_860, %iota3A : vector<16xi32>
      %sub3A_862 = arith.subi %iota3A, %get3A_849 : vector<16xi32>
      %select_n3A_863 = arith.select %eq3A_856, %sub3A_862, %broadcast_in_dim3A_93 : vector<16xi1>, vector<16xi32>
      %add3A_864 = arith.addi %broadcast_in_dim3A_845, %select_n3A_863 : vector<16xi32>
      %min3A_865 = arith.minsi %add3A_864, %broadcast_in_dim3A_95 : vector<16xi32>
      %sub3A_866 = arith.constant 1 : i32
      %sub3A_867 = vector.broadcast %sub3A_866 : i32 to vector<16xi32>
      %sub3A_868 = arith.subi %get3A_849, %sub3A_867 : vector<16xi32>
      %select_n3A_869 = arith.select %eq3A_856, %broadcast_in_dim3A_93, %sub3A_868 : vector<16xi1>, vector<16xi32>
      %add3A_870 = arith.addi %broadcast_in_dim3A_841, %select_n3A_869 : vector<16xi32>
      %min3A_871 = arith.minsi %add3A_870, %broadcast_in_dim3A_95 : vector<16xi32>
      tpu.vector_store_idx %arg6[%min3A_865], %add3A_861 : memref<10336xi32, #tpu.memory_space<vmem>>[vector<16xi32>], vector<16xi32>,
      tpu.vector_store_idx %arg7[%min3A_871], %add3A_861 : memref<10336xi32, #tpu.memory_space<vmem>>[vector<16xi32>], vector<16xi32>,
    }
    %scan3A_422 = arith.constant 25 : i32
    %get3A_423 = arith.constant 0 : index
    %get3A_424 = tpu.vector_load %arg6[%get3A_423] {strides = array<i32>} : memref<10336xi32, #tpu.memory_space<vmem>>, vector<16xi32>,
    %broadcast_in_dim3A_425 = vector.shape_cast %broadcast_in_dim3A_97 : vector<16xi32> to vector<16x1xi32>
    %gather3A = vector.shape_cast %broadcast_in_dim3A_425 : vector<16x1xi32> to vector<16xi32>
    %gather3A_426 = tpu.dynamic_gather %get3A_424[%gather3A] in [0] : vector<16xi32>, vector<16xi32> -> vector<16xi32>
    %get3A_427 = arith.constant 0 : index
    %get3A_428 = tpu.vector_load %arg7[%get3A_427] {strides = array<i32>} : memref<10336xi32, #tpu.memory_space<vmem>>, vector<16xi32>,
    %broadcast_in_dim3A_429 = vector.shape_cast %broadcast_in_dim3A_97 : vector<16xi32> to vector<16x1xi32>
    %gather3A_430 = vector.shape_cast %broadcast_in_dim3A_429 : vector<16x1xi32> to vector<16xi32>
    %gather3A_431 = tpu.dynamic_gather %get3A_428[%gather3A_430] in [0] : vector<16xi32>, vector<16xi32> -> vector<16xi32>
    %add3A_432 = arith.constant 0 : i32
    %add3A_433 = arith.addi %sub3A_110, %add3A_432 : i32
    %add3A_434 = vector.broadcast %add3A_433 : i32 to vector<16xi32>
    %add3A_435 = arith.addi %add3A_434, %iota3A : vector<16xi32>
    tpu.vector_store_idx %arg6[%add3A_435], %gather3A_426 : memref<10336xi32, #tpu.memory_space<vmem>>[vector<16xi32>], vector<16xi32>,
    %add3A_436 = arith.constant 0 : i32
    %add3A_437 = arith.addi %scan3A_108, %add3A_436 : i32
    %add3A_438 = vector.broadcast %add3A_437 : i32 to vector<16xi32>
    %add3A_439 = arith.addi %add3A_438, %iota3A : vector<16xi32>
    tpu.vector_store_idx %arg7[%add3A_439], %gather3A_431 : memref<10336xi32, #tpu.memory_space<vmem>>[vector<16xi32>], vector<16xi32>,
    %add3A_440 = arith.constant 16 : i32
    %add3A_441 = arith.addi %sub3A_110, %add3A_440 : i32
    %add3A_442 = vector.broadcast %add3A_441 : i32 to vector<16xi32>
    %add3A_443 = arith.addi %add3A_442, %iota3A : vector<16xi32>
    tpu.vector_store_idx %arg6[%add3A_443], %gather3A_426 : memref<10336xi32, #tpu.memory_space<vmem>>[vector<16xi32>], vector<16xi32>,
    %add3A_444 = arith.constant 16 : i32
    %add3A_445 = arith.addi %scan3A_108, %add3A_444 : i32
    %add3A_446 = vector.broadcast %add3A_445 : i32 to vector<16xi32>
    %add3A_447 = arith.addi %add3A_446, %iota3A : vector<16xi32>
    tpu.vector_store_idx %arg7[%add3A_447], %gather3A_431 : memref<10336xi32, #tpu.memory_space<vmem>>[vector<16xi32>], vector<16xi32>,
    %add3A_448 = arith.constant 32 : i32
    %add3A_449 = arith.addi %sub3A_110, %add3A_448 : i32
    %add3A_450 = vector.broadcast %add3A_449 : i32 to vector<16xi32>
    %add3A_451 = arith.addi %add3A_450, %iota3A : vector<16xi32>
    tpu.vector_store_idx %arg6[%add3A_451], %gather3A_426 : memref<10336xi32, #tpu.memory_space<vmem>>[vector<16xi32>], vector<16xi32>,
    %add3A_452 = arith.constant 32 : i32
    %add3A_453 = arith.addi %scan3A_108, %add3A_452 : i32
    %add3A_454 = vector.broadcast %add3A_453 : i32 to vector<16xi32>
    %add3A_455 = arith.addi %add3A_454, %iota3A : vector<16xi32>
    tpu.vector_store_idx %arg7[%add3A_455], %gather3A_431 : memref<10336xi32, #tpu.memory_space<vmem>>[vector<16xi32>], vector<16xi32>,
    %add3A_456 = arith.constant 48 : i32
    %add3A_457 = arith.addi %sub3A_110, %add3A_456 : i32
    %add3A_458 = vector.broadcast %add3A_457 : i32 to vector<16xi32>
    %add3A_459 = arith.addi %add3A_458, %iota3A : vector<16xi32>
    tpu.vector_store_idx %arg6[%add3A_459], %gather3A_426 : memref<10336xi32, #tpu.memory_space<vmem>>[vector<16xi32>], vector<16xi32>,
    %add3A_460 = arith.constant 48 : i32
    %add3A_461 = arith.addi %scan3A_108, %add3A_460 : i32
    %add3A_462 = vector.broadcast %add3A_461 : i32 to vector<16xi32>
    %add3A_463 = arith.addi %add3A_462, %iota3A : vector<16xi32>
    tpu.vector_store_idx %arg7[%add3A_463], %gather3A_431 : memref<10336xi32, #tpu.memory_space<vmem>>[vector<16xi32>], vector<16xi32>,
    %add3A_464 = arith.constant 64 : i32
    %add3A_465 = arith.addi %sub3A_110, %add3A_464 : i32
    %add3A_466 = vector.broadcast %add3A_465 : i32 to vector<16xi32>
    %add3A_467 = arith.addi %add3A_466, %iota3A : vector<16xi32>
    tpu.vector_store_idx %arg6[%add3A_467], %gather3A_426 : memref<10336xi32, #tpu.memory_space<vmem>>[vector<16xi32>], vector<16xi32>,
    %add3A_468 = arith.constant 64 : i32
    %add3A_469 = arith.addi %scan3A_108, %add3A_468 : i32
    %add3A_470 = vector.broadcast %add3A_469 : i32 to vector<16xi32>
    %add3A_471 = arith.addi %add3A_470, %iota3A : vector<16xi32>
    tpu.vector_store_idx %arg7[%add3A_471], %gather3A_431 : memref<10336xi32, #tpu.memory_space<vmem>>[vector<16xi32>], vector<16xi32>,
    %add3A_472 = arith.constant 80 : i32
    %add3A_473 = arith.addi %sub3A_110, %add3A_472 : i32
    %add3A_474 = vector.broadcast %add3A_473 : i32 to vector<16xi32>
    %add3A_475 = arith.addi %add3A_474, %iota3A : vector<16xi32>
    tpu.vector_store_idx %arg6[%add3A_475], %gather3A_426 : memref<10336xi32, #tpu.memory_space<vmem>>[vector<16xi32>], vector<16xi32>,
    %add3A_476 = arith.constant 80 : i32
    %add3A_477 = arith.addi %scan3A_108, %add3A_476 : i32
    %add3A_478 = vector.broadcast %add3A_477 : i32 to vector<16xi32>
    %add3A_479 = arith.addi %add3A_478, %iota3A : vector<16xi32>
    tpu.vector_store_idx %arg7[%add3A_479], %gather3A_431 : memref<10336xi32, #tpu.memory_space<vmem>>[vector<16xi32>], vector<16xi32>,
    %add3A_480 = arith.constant 96 : i32
    %add3A_481 = arith.addi %sub3A_110, %add3A_480 : i32
    %add3A_482 = vector.broadcast %add3A_481 : i32 to vector<16xi32>
    %add3A_483 = arith.addi %add3A_482, %iota3A : vector<16xi32>
    tpu.vector_store_idx %arg6[%add3A_483], %gather3A_426 : memref<10336xi32, #tpu.memory_space<vmem>>[vector<16xi32>], vector<16xi32>,
    %add3A_484 = arith.constant 96 : i32
    %add3A_485 = arith.addi %scan3A_108, %add3A_484 : i32
    %add3A_486 = vector.broadcast %add3A_485 : i32 to vector<16xi32>
    %add3A_487 = arith.addi %add3A_486, %iota3A : vector<16xi32>
    tpu.vector_store_idx %arg7[%add3A_487], %gather3A_431 : memref<10336xi32, #tpu.memory_space<vmem>>[vector<16xi32>], vector<16xi32>,
    %add3A_488 = arith.constant 112 : i32
    %add3A_489 = arith.addi %sub3A_110, %add3A_488 : i32
    %add3A_490 = vector.broadcast %add3A_489 : i32 to vector<16xi32>
    %add3A_491 = arith.addi %add3A_490, %iota3A : vector<16xi32>
    tpu.vector_store_idx %arg6[%add3A_491], %gather3A_426 : memref<10336xi32, #tpu.memory_space<vmem>>[vector<16xi32>], vector<16xi32>,
    %add3A_492 = arith.constant 112 : i32
    %add3A_493 = arith.addi %scan3A_108, %add3A_492 : i32
    %add3A_494 = vector.broadcast %add3A_493 : i32 to vector<16xi32>
    %add3A_495 = arith.addi %add3A_494, %iota3A : vector<16xi32>
    tpu.vector_store_idx %arg7[%add3A_495], %gather3A_431 : memref<10336xi32, #tpu.memory_space<vmem>>[vector<16xi32>], vector<16xi32>,
    %add3A_496 = arith.constant 128 : i32
    %add3A_497 = arith.addi %sub3A_110, %add3A_496 : i32
    %add3A_498 = vector.broadcast %add3A_497 : i32 to vector<16xi32>
    %add3A_499 = arith.addi %add3A_498, %iota3A : vector<16xi32>
    tpu.vector_store_idx %arg6[%add3A_499], %gather3A_426 : memref<10336xi32, #tpu.memory_space<vmem>>[vector<16xi32>], vector<16xi32>,
    %add3A_500 = arith.constant 128 : i32
    %add3A_501 = arith.addi %scan3A_108, %add3A_500 : i32
    %add3A_502 = vector.broadcast %add3A_501 : i32 to vector<16xi32>
    %add3A_503 = arith.addi %add3A_502, %iota3A : vector<16xi32>
    tpu.vector_store_idx %arg7[%add3A_503], %gather3A_431 : memref<10336xi32, #tpu.memory_space<vmem>>[vector<16xi32>], vector<16xi32>,
    %add3A_504 = arith.constant 144 : i32
    %add3A_505 = arith.addi %sub3A_110, %add3A_504 : i32
    %add3A_506 = vector.broadcast %add3A_505 : i32 to vector<16xi32>
    %add3A_507 = arith.addi %add3A_506, %iota3A : vector<16xi32>
    tpu.vector_store_idx %arg6[%add3A_507], %gather3A_426 : memref<10336xi32, #tpu.memory_space<vmem>>[vector<16xi32>], vector<16xi32>,
    %add3A_508 = arith.constant 144 : i32
    %add3A_509 = arith.addi %scan3A_108, %add3A_508 : i32
    %add3A_510 = vector.broadcast %add3A_509 : i32 to vector<16xi32>
    %add3A_511 = arith.addi %add3A_510, %iota3A : vector<16xi32>
    tpu.vector_store_idx %arg7[%add3A_511], %gather3A_431 : memref<10336xi32, #tpu.memory_space<vmem>>[vector<16xi32>], vector<16xi32>,
    %add3A_512 = arith.constant 160 : i32
    %add3A_513 = arith.addi %sub3A_110, %add3A_512 : i32
    %add3A_514 = vector.broadcast %add3A_513 : i32 to vector<16xi32>
    %add3A_515 = arith.addi %add3A_514, %iota3A : vector<16xi32>
    tpu.vector_store_idx %arg6[%add3A_515], %gather3A_426 : memref<10336xi32, #tpu.memory_space<vmem>>[vector<16xi32>], vector<16xi32>,
    %add3A_516 = arith.constant 160 : i32
    %add3A_517 = arith.addi %scan3A_108, %add3A_516 : i32
    %add3A_518 = vector.broadcast %add3A_517 : i32 to vector<16xi32>
    %add3A_519 = arith.addi %add3A_518, %iota3A : vector<16xi32>
    tpu.vector_store_idx %arg7[%add3A_519], %gather3A_431 : memref<10336xi32, #tpu.memory_space<vmem>>[vector<16xi32>], vector<16xi32>,
    %add3A_520 = arith.constant 176 : i32
    %add3A_521 = arith.addi %sub3A_110, %add3A_520 : i32
    %add3A_522 = vector.broadcast %add3A_521 : i32 to vector<16xi32>
    %add3A_523 = arith.addi %add3A_522, %iota3A : vector<16xi32>
    tpu.vector_store_idx %arg6[%add3A_523], %gather3A_426 : memref<10336xi32, #tpu.memory_space<vmem>>[vector<16xi32>], vector<16xi32>,
    %add3A_524 = arith.constant 176 : i32
    %add3A_525 = arith.addi %scan3A_108, %add3A_524 : i32
    %add3A_526 = vector.broadcast %add3A_525 : i32 to vector<16xi32>
    %add3A_527 = arith.addi %add3A_526, %iota3A : vector<16xi32>
    tpu.vector_store_idx %arg7[%add3A_527], %gather3A_431 : memref<10336xi32, #tpu.memory_space<vmem>>[vector<16xi32>], vector<16xi32>,
    %add3A_528 = arith.constant 192 : i32
    %add3A_529 = arith.addi %sub3A_110, %add3A_528 : i32
    %add3A_530 = vector.broadcast %add3A_529 : i32 to vector<16xi32>
    %add3A_531 = arith.addi %add3A_530, %iota3A : vector<16xi32>
    tpu.vector_store_idx %arg6[%add3A_531], %gather3A_426 : memref<10336xi32, #tpu.memory_space<vmem>>[vector<16xi32>], vector<16xi32>,
    %add3A_532 = arith.constant 192 : i32
    %add3A_533 = arith.addi %scan3A_108, %add3A_532 : i32
    %add3A_534 = vector.broadcast %add3A_533 : i32 to vector<16xi32>
    %add3A_535 = arith.addi %add3A_534, %iota3A : vector<16xi32>
    tpu.vector_store_idx %arg7[%add3A_535], %gather3A_431 : memref<10336xi32, #tpu.memory_space<vmem>>[vector<16xi32>], vector<16xi32>,
    %add3A_536 = arith.constant 208 : i32
    %add3A_537 = arith.addi %sub3A_110, %add3A_536 : i32
    %add3A_538 = vector.broadcast %add3A_537 : i32 to vector<16xi32>
    %add3A_539 = arith.addi %add3A_538, %iota3A : vector<16xi32>
    tpu.vector_store_idx %arg6[%add3A_539], %gather3A_426 : memref<10336xi32, #tpu.memory_space<vmem>>[vector<16xi32>], vector<16xi32>,
    %add3A_540 = arith.constant 208 : i32
    %add3A_541 = arith.addi %scan3A_108, %add3A_540 : i32
    %add3A_542 = vector.broadcast %add3A_541 : i32 to vector<16xi32>
    %add3A_543 = arith.addi %add3A_542, %iota3A : vector<16xi32>
    tpu.vector_store_idx %arg7[%add3A_543], %gather3A_431 : memref<10336xi32, #tpu.memory_space<vmem>>[vector<16xi32>], vector<16xi32>,
    %add3A_544 = arith.constant 224 : i32
    %add3A_545 = arith.addi %sub3A_110, %add3A_544 : i32
    %add3A_546 = vector.broadcast %add3A_545 : i32 to vector<16xi32>
    %add3A_547 = arith.addi %add3A_546, %iota3A : vector<16xi32>
    tpu.vector_store_idx %arg6[%add3A_547], %gather3A_426 : memref<10336xi32, #tpu.memory_space<vmem>>[vector<16xi32>], vector<16xi32>,
    %add3A_548 = arith.constant 224 : i32
    %add3A_549 = arith.addi %scan3A_108, %add3A_548 : i32
    %add3A_550 = vector.broadcast %add3A_549 : i32 to vector<16xi32>
    %add3A_551 = arith.addi %add3A_550, %iota3A : vector<16xi32>
    tpu.vector_store_idx %arg7[%add3A_551], %gather3A_431 : memref<10336xi32, #tpu.memory_space<vmem>>[vector<16xi32>], vector<16xi32>,
    %add3A_552 = arith.constant 240 : i32
    %add3A_553 = arith.addi %sub3A_110, %add3A_552 : i32
    %add3A_554 = vector.broadcast %add3A_553 : i32 to vector<16xi32>
    %add3A_555 = arith.addi %add3A_554, %iota3A : vector<16xi32>
    tpu.vector_store_idx %arg6[%add3A_555], %gather3A_426 : memref<10336xi32, #tpu.memory_space<vmem>>[vector<16xi32>], vector<16xi32>,
    %add3A_556 = arith.constant 240 : i32
    %add3A_557 = arith.addi %scan3A_108, %add3A_556 : i32
    %add3A_558 = vector.broadcast %add3A_557 : i32 to vector<16xi32>
    %add3A_559 = arith.addi %add3A_558, %iota3A : vector<16xi32>
    tpu.vector_store_idx %arg7[%add3A_559], %gather3A_431 : memref<10336xi32, #tpu.memory_space<vmem>>[vector<16xi32>], vector<16xi32>,
    %add3A_560 = arith.constant 256 : i32
    %add3A_561 = arith.addi %sub3A_110, %add3A_560 : i32
    %add3A_562 = vector.broadcast %add3A_561 : i32 to vector<16xi32>
    %add3A_563 = arith.addi %add3A_562, %iota3A : vector<16xi32>
    tpu.vector_store_idx %arg6[%add3A_563], %gather3A_426 : memref<10336xi32, #tpu.memory_space<vmem>>[vector<16xi32>], vector<16xi32>,
    %add3A_564 = arith.constant 256 : i32
    %add3A_565 = arith.addi %scan3A_108, %add3A_564 : i32
    %add3A_566 = vector.broadcast %add3A_565 : i32 to vector<16xi32>
    %add3A_567 = arith.addi %add3A_566, %iota3A : vector<16xi32>
    tpu.vector_store_idx %arg7[%add3A_567], %gather3A_431 : memref<10336xi32, #tpu.memory_space<vmem>>[vector<16xi32>], vector<16xi32>,
    %add3A_568 = arith.constant 272 : i32
    %add3A_569 = arith.addi %sub3A_110, %add3A_568 : i32
    %add3A_570 = vector.broadcast %add3A_569 : i32 to vector<16xi32>
    %add3A_571 = arith.addi %add3A_570, %iota3A : vector<16xi32>
    tpu.vector_store_idx %arg6[%add3A_571], %gather3A_426 : memref<10336xi32, #tpu.memory_space<vmem>>[vector<16xi32>], vector<16xi32>,
    %add3A_572 = arith.constant 272 : i32
    %add3A_573 = arith.addi %scan3A_108, %add3A_572 : i32
    %add3A_574 = vector.broadcast %add3A_573 : i32 to vector<16xi32>
    %add3A_575 = arith.addi %add3A_574, %iota3A : vector<16xi32>
    tpu.vector_store_idx %arg7[%add3A_575], %gather3A_431 : memref<10336xi32, #tpu.memory_space<vmem>>[vector<16xi32>], vector<16xi32>,
    %add3A_576 = arith.constant 288 : i32
    %add3A_577 = arith.addi %sub3A_110, %add3A_576 : i32
    %add3A_578 = vector.broadcast %add3A_577 : i32 to vector<16xi32>
    %add3A_579 = arith.addi %add3A_578, %iota3A : vector<16xi32>
    tpu.vector_store_idx %arg6[%add3A_579], %gather3A_426 : memref<10336xi32, #tpu.memory_space<vmem>>[vector<16xi32>], vector<16xi32>,
    %add3A_580 = arith.constant 288 : i32
    %add3A_581 = arith.addi %scan3A_108, %add3A_580 : i32
    %add3A_582 = vector.broadcast %add3A_581 : i32 to vector<16xi32>
    %add3A_583 = arith.addi %add3A_582, %iota3A : vector<16xi32>
    tpu.vector_store_idx %arg7[%add3A_583], %gather3A_431 : memref<10336xi32, #tpu.memory_space<vmem>>[vector<16xi32>], vector<16xi32>,
    %add3A_584 = arith.constant 304 : i32
    %add3A_585 = arith.addi %sub3A_110, %add3A_584 : i32
    %add3A_586 = vector.broadcast %add3A_585 : i32 to vector<16xi32>
    %add3A_587 = arith.addi %add3A_586, %iota3A : vector<16xi32>
    tpu.vector_store_idx %arg6[%add3A_587], %gather3A_426 : memref<10336xi32, #tpu.memory_space<vmem>>[vector<16xi32>], vector<16xi32>,
    %add3A_588 = arith.constant 304 : i32
    %add3A_589 = arith.addi %scan3A_108, %add3A_588 : i32
    %add3A_590 = vector.broadcast %add3A_589 : i32 to vector<16xi32>
    %add3A_591 = arith.addi %add3A_590, %iota3A : vector<16xi32>
    tpu.vector_store_idx %arg7[%add3A_591], %gather3A_431 : memref<10336xi32, #tpu.memory_space<vmem>>[vector<16xi32>], vector<16xi32>,
    %add3A_592 = arith.constant 320 : i32
    %add3A_593 = arith.addi %sub3A_110, %add3A_592 : i32
    %sub3A_594 = arith.constant 1 : i32
    %sub3A_595 = arith.subi %add3A_593, %sub3A_594 : i32
    %jit3A_596 = arith.constant 320 : i32
    %div3A_597 = arith.divsi %sub3A_595, %jit3A_596 : i32
    %sign3A_598 = arith.constant 0 : i32
    %sign3A_599 = arith.cmpi sgt, %sub3A_595, %sign3A_598 : i32
    %sign3A_600 = arith.extui %sign3A_599 : i1 to i32
    %sign3A_601 = arith.constant 0 : i32
    %sign3A_602 = arith.cmpi slt, %sub3A_595, %sign3A_601 : i32
    %sign3A_603 = arith.extui %sign3A_602 : i1 to i32
    %sign3A_604 = arith.subi %sign3A_600, %sign3A_603 : i32
    %sign3A_605 = arith.constant 0 : i32
    %sign3A_606 = arith.cmpi sgt, %jit3A_596, %sign3A_605 : i32
    %sign3A_607 = arith.extui %sign3A_606 : i1 to i32
    %sign3A_608 = arith.constant 0 : i32
    %sign3A_609 = arith.cmpi slt, %jit3A_596, %sign3A_608 : i32
    %sign3A_610 = arith.extui %sign3A_609 : i1 to i32
    %sign3A_611 = arith.subi %sign3A_607, %sign3A_610 : i32
    %ne3A_612 = arith.cmpi ne, %sign3A_604, %sign3A_611 : i32
    %rem3A_613 = arith.remsi %sub3A_595, %jit3A_596 : i32
    %ne3A_614 = arith.constant 0 : i32
    %ne3A_615 = arith.cmpi ne, %rem3A_613, %ne3A_614 : i32
    %and3A_616 = arith.andi %ne3A_612, %ne3A_615 : i1
    %sub3A_617 = arith.constant 1 : i32
    %sub3A_618 = arith.subi %div3A_597, %sub3A_617 : i32
    %select_n3A_619 = arith.select %and3A_616, %sub3A_618, %div3A_597 : i32
    %add3A_620 = arith.constant 320 : i32
    %add3A_621 = arith.addi %scan3A_108, %add3A_620 : i32
    %sub3A_622 = arith.constant 1 : i32
    %sub3A_623 = arith.subi %add3A_621, %sub3A_622 : i32
    %jit3A_624 = arith.constant 320 : i32
    %div3A_625 = arith.divsi %sub3A_623, %jit3A_624 : i32
    %sign3A_626 = arith.constant 0 : i32
    %sign3A_627 = arith.cmpi sgt, %sub3A_623, %sign3A_626 : i32
    %sign3A_628 = arith.extui %sign3A_627 : i1 to i32
    %sign3A_629 = arith.constant 0 : i32
    %sign3A_630 = arith.cmpi slt, %sub3A_623, %sign3A_629 : i32
    %sign3A_631 = arith.extui %sign3A_630 : i1 to i32
    %sign3A_632 = arith.subi %sign3A_628, %sign3A_631 : i32
    %sign3A_633 = arith.constant 0 : i32
    %sign3A_634 = arith.cmpi sgt, %jit3A_624, %sign3A_633 : i32
    %sign3A_635 = arith.extui %sign3A_634 : i1 to i32
    %sign3A_636 = arith.constant 0 : i32
    %sign3A_637 = arith.cmpi slt, %jit3A_624, %sign3A_636 : i32
    %sign3A_638 = arith.extui %sign3A_637 : i1 to i32
    %sign3A_639 = arith.subi %sign3A_635, %sign3A_638 : i32
    %ne3A_640 = arith.cmpi ne, %sign3A_632, %sign3A_639 : i32
    %rem3A_641 = arith.remsi %sub3A_623, %jit3A_624 : i32
    %ne3A_642 = arith.constant 0 : i32
    %ne3A_643 = arith.cmpi ne, %rem3A_641, %ne3A_642 : i32
    %and3A_644 = arith.andi %ne3A_640, %ne3A_643 : i1
    %sub3A_645 = arith.constant 1 : i32
    %sub3A_646 = arith.subi %div3A_625, %sub3A_645 : i32
    %select_n3A_647 = arith.select %and3A_644, %sub3A_646, %div3A_625 : i32
    %while3A_648 = arith.constant 0 : i32
    %while3A_649 = arith.subi %select_n3A_619, %select_n3A_374 : i32
    %while3A_650 = arith.addi %select_n3A_374, %while3A_649 : i32
    %while3A_651 = arith.constant 1 : i32
    %while3A_652 = arith.divsi %while3A_649, %while3A_651 : i32
    %while3A_653 = arith.muli %while3A_652, %while3A_651 : i32
    %while3A_654 = arith.addi %select_n3A_374, %while3A_653 : i32
    %while3A_655 = arith.constant 1 : i32
    scf.for %while3A_677 = %select_n3A_374 to %while3A_654 step %while3A_655  : i32 {
      %mul3A_678 = arith.constant 320 : i32
      %mul3A_679 = arith.muli %while3A_677, %mul3A_678 : i32
      %dma_start3A_680 = tpu.memref_slice %arg6[%mul3A_679] : memref<10336xi32, #tpu.memory_space<vmem>> -> memref<320xi32, #tpu.memory_space<vmem>>
      %dma_start3A_681 = arith.constant 0 : i32
      %dma_start3A_682 = arith.constant 0 : i32
      %dma_start3A_683 = tpu.memref_slice %arg4[%dma_start3A_681, %dma_start3A_682] : memref<320000x128xf32, #tpu.memory_space<hbm>> -> memref<320000x128xf32, #tpu.memory_space<hbm>>
      tpu.enqueue_indirect_dma source(%arg8 : memref<320x128xf32, #tpu.memory_space<vmem>>) target(%dma_start3A_683 : memref<320000x128xf32, #tpu.memory_space<hbm>>) offsets(%dma_start3A_680 : memref<320xi32, #tpu.memory_space<vmem>>) semaphore(%arg17 : memref<!tpu.dma_semaphore, #tpu.memory_space<semaphore_mem>>)
    }
    %while3A_656 = arith.constant 1 : i32
    scf.for %while3A_677 = %while3A_654 to %while3A_650 step %while3A_656  : i32 {
      %mul3A_678 = arith.constant 320 : i32
      %mul3A_679 = arith.muli %while3A_677, %mul3A_678 : i32
      %dma_start3A_680 = tpu.memref_slice %arg6[%mul3A_679] : memref<10336xi32, #tpu.memory_space<vmem>> -> memref<320xi32, #tpu.memory_space<vmem>>
      %dma_start3A_681 = arith.constant 0 : i32
      %dma_start3A_682 = arith.constant 0 : i32
      %dma_start3A_683 = tpu.memref_slice %arg4[%dma_start3A_681, %dma_start3A_682] : memref<320000x128xf32, #tpu.memory_space<hbm>> -> memref<320000x128xf32, #tpu.memory_space<hbm>>
      tpu.enqueue_indirect_dma source(%arg8 : memref<320x128xf32, #tpu.memory_space<vmem>>) target(%dma_start3A_683 : memref<320000x128xf32, #tpu.memory_space<hbm>>) offsets(%dma_start3A_680 : memref<320xi32, #tpu.memory_space<vmem>>) semaphore(%arg17 : memref<!tpu.dma_semaphore, #tpu.memory_space<semaphore_mem>>)
    }
    %while3A_657 = arith.constant 0 : i32
    %while3A_658 = arith.subi %select_n3A_647, %select_n3A_398 : i32
    %while3A_659 = arith.addi %select_n3A_398, %while3A_658 : i32
    %while3A_660 = arith.constant 1 : i32
    %while3A_661 = arith.divsi %while3A_658, %while3A_660 : i32
    %while3A_662 = arith.muli %while3A_661, %while3A_660 : i32
    %while3A_663 = arith.addi %select_n3A_398, %while3A_662 : i32
    %while3A_664 = arith.constant 1 : i32
    scf.for %while3A_677 = %select_n3A_398 to %while3A_663 step %while3A_664  : i32 {
      %mul3A_678 = arith.constant 320 : i32
      %mul3A_679 = arith.muli %while3A_677, %mul3A_678 : i32
      %dma_start3A_680 = tpu.memref_slice %arg7[%mul3A_679] : memref<10336xi32, #tpu.memory_space<vmem>> -> memref<320xi32, #tpu.memory_space<vmem>>
      %dma_start3A_681 = arith.constant 0 : i32
      %dma_start3A_682 = arith.constant 0 : i32
      %dma_start3A_683 = tpu.memref_slice %arg4[%dma_start3A_681, %dma_start3A_682] : memref<320000x128xf32, #tpu.memory_space<hbm>> -> memref<320000x128xf32, #tpu.memory_space<hbm>>
      tpu.enqueue_indirect_dma source(%arg9 : memref<320x128xf32, #tpu.memory_space<vmem>>) target(%dma_start3A_683 : memref<320000x128xf32, #tpu.memory_space<hbm>>) offsets(%dma_start3A_680 : memref<320xi32, #tpu.memory_space<vmem>>) semaphore(%arg17 : memref<!tpu.dma_semaphore, #tpu.memory_space<semaphore_mem>>)
    }
    %while3A_665 = arith.constant 1 : i32
    scf.for %while3A_677 = %while3A_663 to %while3A_659 step %while3A_665  : i32 {
      %mul3A_678 = arith.constant 320 : i32
      %mul3A_679 = arith.muli %while3A_677, %mul3A_678 : i32
      %dma_start3A_680 = tpu.memref_slice %arg7[%mul3A_679] : memref<10336xi32, #tpu.memory_space<vmem>> -> memref<320xi32, #tpu.memory_space<vmem>>
      %dma_start3A_681 = arith.constant 0 : i32
      %dma_start3A_682 = arith.constant 0 : i32
      %dma_start3A_683 = tpu.memref_slice %arg4[%dma_start3A_681, %dma_start3A_682] : memref<320000x128xf32, #tpu.memory_space<hbm>> -> memref<320000x128xf32, #tpu.memory_space<hbm>>
      tpu.enqueue_indirect_dma source(%arg9 : memref<320x128xf32, #tpu.memory_space<vmem>>) target(%dma_start3A_683 : memref<320000x128xf32, #tpu.memory_space<hbm>>) offsets(%dma_start3A_680 : memref<320xi32, #tpu.memory_space<vmem>>) semaphore(%arg17 : memref<!tpu.dma_semaphore, #tpu.memory_space<semaphore_mem>>)
    }
    %add3A_666 = arith.addi %select_n3A_619, %select_n3A_647 : i32
    %while3A_667 = arith.constant 0 : i32
    %while3A_668 = arith.constant 0 : i32
    %while3A_669 = arith.subi %add3A_666, %while3A_668 : i32
    %while3A_670 = arith.addi %while3A_668, %while3A_669 : i32
    %while3A_671 = arith.constant 1 : i32
    %while3A_672 = arith.divsi %while3A_669, %while3A_671 : i32
    %while3A_673 = arith.muli %while3A_672, %while3A_671 : i32
    %while3A_674 = arith.addi %while3A_668, %while3A_673 : i32
    %while3A_675 = arith.constant 1 : i32
    scf.for %while3A_677 = %while3A_668 to %while3A_674 step %while3A_675  : i32 {
      %dma_wait3A_678 = arith.constant 0 : i32
      %dma_wait3A_679 = tpu.memref_slice %arg6[%dma_wait3A_678] : memref<10336xi32, #tpu.memory_space<vmem>> -> memref<320xi32, #tpu.memory_space<vmem>>
      %dma_wait3A_680 = arith.constant 0 : i32
      %dma_wait3A_681 = arith.constant 0 : i32
      %dma_wait3A_682 = tpu.memref_slice %arg4[%dma_wait3A_680, %dma_wait3A_681] : memref<320000x128xf32, #tpu.memory_space<hbm>> -> memref<320000x128xf32, #tpu.memory_space<hbm>>
      tpu.wait_indirect_dma semaphore(%arg17 : memref<!tpu.dma_semaphore, #tpu.memory_space<semaphore_mem>>) src(%arg8 : memref<320x128xf32, #tpu.memory_space<vmem>>) dst(%dma_wait3A_682 : memref<320000x128xf32, #tpu.memory_space<hbm>>)
    }
    %while3A_676 = arith.constant 1 : i32
    scf.for %while3A_677 = %while3A_674 to %while3A_670 step %while3A_676  : i32 {
      %dma_wait3A_678 = arith.constant 0 : i32
      %dma_wait3A_679 = tpu.memref_slice %arg6[%dma_wait3A_678] : memref<10336xi32, #tpu.memory_space<vmem>> -> memref<320xi32, #tpu.memory_space<vmem>>
      %dma_wait3A_680 = arith.constant 0 : i32
      %dma_wait3A_681 = arith.constant 0 : i32
      %dma_wait3A_682 = tpu.memref_slice %arg4[%dma_wait3A_680, %dma_wait3A_681] : memref<320000x128xf32, #tpu.memory_space<hbm>> -> memref<320000x128xf32, #tpu.memory_space<hbm>>
      tpu.wait_indirect_dma semaphore(%arg17 : memref<!tpu.dma_semaphore, #tpu.memory_space<semaphore_mem>>) src(%arg8 : memref<320x128xf32, #tpu.memory_space<vmem>>) dst(%dma_wait3A_682 : memref<320000x128xf32, #tpu.memory_space<hbm>>)
    }
    return
  }
}

</mosaic_0001>

<sc_bundles>
// kernel: kernel.3.cloned.1.call-start
scs
__scs_entry_jumppad:
0x0: {  	(pc) =	sbr.rel $0x88, $3  }
0x1: {  	(tag) =	ssettag $0x0;
	lr =	simm.s32 $0x1  }
0x2: {  	[smem:$0x3F9F] =	sst lr;
	_ =	strace $0xD0000000  }
0x3: {  	_ = 	snop  }
0x4: {  	_ = 	snop  }
0x5: {  	_ = 	snop  }
0x6: {  	_ = 	snop  }
0x7: {  	_ = 	snop  }
__scs_overlays_trampoline_lowered:
0x8: {  	[smem:$0x3FAE] =	sst s0  }
0x9: {  	[smem:$0x3FAF] =	sst s1  }
0xa: {  	[smem:$0x3FB0] =	sst s2  }
0xb: {  	[smem:$0x3FB1] =	sst s3  }
0xc: {  	[smem:$0x3FB2] =	sst s4  }
0xd: {  	[smem:$0x3FB3] =	sst s5  }
0xe: {  	[smem:$0x3FB4] =	sst s6  }
0xf: {  	[smem:$0x3FB5] =	sst s7  }
0x10: {  	[smem:$0x3FB6] =	sst s8  }
0x11: {  	[smem:$0x3FB7] =	sst s9;
	s0 =	simm.s32 @!p0 $0x0  }
0x12: {  	s1 =	sld [smem:$0x3F9D];
	s0 =	simm.s32 @p0 $0x1  }
0x13: {  	[smem:$0x3FB8] =	sst s0;
	s0 =	simm.s32 @!p1 $0x0  }
0x14: {  	s2 =	sld [smem:$0x3F9C];
	s0 =	simm.s32 @p1 $0x1  }
0x15: {  	[smem:$0x3FB9] =	sst s0;
	s0 =	simm.s32 @!p2 $0x0  }
0x16: {  	s3 =	sld [smem:$0x3FDB];
	s0 =	simm.s32 @p2 $0x1  }
0x17: {  	s4 =	simm.s32 $0x1BF5;
	[smem:$0x3FBB] =	sst s0  }
0x18: {  	s0 =	sld [smem:$0x3F9E];
	_ =	swait.ge [sflag:s4], $0x0  }
0x19: {  	s7 =	sld [smem:$0x3F9F]  }
0x1a: {  	s8 =	sadd.s32 $0xFFFFE003, lr  }
0x1b: {  	s9 =	sadd.s32 $0xFFFFFEF7, lr;
	s5 =	simm.s32 $0xFFFFFFFF;
	p2 =	slt.u32 s8, $0xFFFFF086  }
0x1c: {  	p1 =	slt.u32 s9, $0xF7A;
	s5 =	simm.s32 @!p2 $0x0  }
0x1d: {  	s5 =	simm.s32 @p1 $0x1;
	p0 =	seq.s32 s7, s2  }
0x1e: {  	s7 =	smul.u32 @!p0 $0xF7A, s2;
	p2 =	seq.s32 @!p0 s5, $0x0  }
0x1f: {  	s9 =	smul.u32 $0xF7A, s1;
	s8 =	simm.s32 @!p0 $0x1BF5;
	p2 =	por !p2, p0  }
0x20: {  	[sflag:s8] =	ssyncset.s32 @!p0 $0xFFFFF086;
	s6 =	sadd.s32 @!p0 s3, s7;
	s7 =	simm.s32 @!p0 $0x108  }
0x21: {  	s3 =	sadd.s32 s3, s9;
	s6 =	sadd.s32 @!p0 $0x88, s6;
	s7 =	simm.s32 @p2 $0x1082  }
0x22: {  	[simem:s7], [sflag:s8] =	dma.local @!p0 [hbm:s6], $0xF7A  }
0x23: {  	s9 =	sor.u32 $0xD0000000, s2;
	s6 =	simm.s32 $0x108;
	_ =	swait.ge @!p0 [sflag:s8], $0x0  }
0x24: {  	s3 =	sadd.s32 $0x88, s3;
	s6 =	simm.s32 @!p1 $0x1082;
	[sflag:s4] =	ssyncset.s32 $0xFFFFF086  }
0x25: {  	[simem:s6], [sflag:s4] =	dma.local [hbm:s3], $0xF7A  }
0x26: {  	[smem:$0x3F9F] =	sst s1;
	(tag) =	ssettag s2;
	_ =	strace s9  }
0x27: {  	s1 =	sld [smem:$0x3FAF]  }
0x28: {  	s2 =	sld [smem:$0x3FB0]  }
0x29: {  	s4 =	sld [smem:$0x3FB2]  }
0x2a: {  	p0 =	seq.s32 s5, $0x0;
	s5 =	sld [smem:$0x3FB3]  }
0x2b: {  	s6 =	sld [smem:$0x3FB4]  }
0x2c: {  	s7 =	sld [smem:$0x3FB5]  }
0x2d: {  	s3 =	simm.s32 $0x108;
	s8 =	sld [smem:$0x3FB6]  }
0x2e: {  	s3 =	simm.s32 @!p0 $0x1082;
	s9 =	sld [smem:$0x3FB7]  }
0x2f: {  	lr =	sadd.s32 s0, s3;
	s0 =	sld [smem:$0x3FAE]  }
0x30: {  	s3 =	sld [smem:$0x3FB1]  }
0x31: {  	[smem:$0x3FBA] =	sst s10  }
0x32: {  	s10 =	sld [smem:$0x3FB8];
	_ =	sdelay $0x3  }
0x33: {  	p0 =	seq.s32 s10, $0x1;
	s10 =	sld [smem:$0x3FBA];
	_ =	sdelay $0x3  }
0x34: {  	[smem:$0x3FBA] =	sst s10  }
0x35: {  	s10 =	sld [smem:$0x3FB9];
	_ =	sdelay $0x3  }
0x36: {  	p1 =	seq.s32 s10, $0x1;
	s10 =	sld [smem:$0x3FBA];
	_ =	sdelay $0x3  }
0x37: {  	[smem:$0x3FBA] =	sst s10  }
0x38: {  	s10 =	sld [smem:$0x3FBB]  }
0x39: {  	_ = 	snop;
	(pc) =	sbr.ind lr, $3  }
0x3a: {  	_ = 	snop  }
0x3b: {  	_ = 	snop  }
0x3c: {  	p2 =	seq.s32 s10, $0x1;
	s10 =	sld [smem:$0x3FBA]  }
0x3d: {  	_ =	shalt  }
0x3e: {  	_ =	shalt  }
0x3f: {  	_ =	shalt  }
0x40: {  	_ =	shalt  }
0x41: {  	_ =	shalt  }
0x42: {  	_ =	shalt  }
0x43: {  	_ =	shalt  }
0x44: {  	_ =	shalt  }
0x45: {  	_ =	shalt  }
0x46: {  	_ =	shalt  }
0x47: {  	_ =	shalt  }
0x48: {  	_ =	shalt  }
0x49: {  	_ =	shalt  }
0x4a: {  	_ =	shalt  }
0x4b: {  	_ =	shalt  }
0x4c: {  	_ =	shalt  }
0x4d: {  	_ =	shalt  }
0x4e: {  	_ =	shalt  }
0x4f: {  	_ =	shalt  }
0x50: {  	_ =	shalt  }
0x51: {  	_ =	shalt  }
0x52: {  	_ =	shalt  }
0x53: {  	_ =	shalt  }
0x54: {  	_ =	shalt  }
0x55: {  	_ =	shalt  }
0x56: {  	_ =	shalt  }
0x57: {  	_ =	shalt  }
0x58: {  	_ =	shalt  }
0x59: {  	_ =	shalt  }
0x5a: {  	_ =	shalt  }
0x5b: {  	_ =	shalt  }
0x5c: {  	_ =	shalt  }
0x5d: {  	_ =	shalt  }
0x5e: {  	_ =	shalt  }
0x5f: {  	_ =	shalt  }
0x60: {  	_ =	shalt  }
0x61: {  	_ =	shalt  }
0x62: {  	_ =	shalt  }
0x63: {  	_ =	shalt  }
0x64: {  	_ =	shalt  }
0x65: {  	_ =	shalt  }
0x66: {  	_ =	shalt  }
0x67: {  	_ =	shalt  }
0x68: {  	_ =	shalt  }
0x69: {  	_ =	shalt  }
0x6a: {  	_ =	shalt  }
0x6b: {  	_ =	shalt  }
0x6c: {  	_ =	shalt  }
0x6d: {  	_ =	shalt  }
0x6e: {  	_ =	shalt  }
0x6f: {  	_ =	shalt  }
0x70: {  	_ =	shalt  }
0x71: {  	_ =	shalt  }
0x72: {  	_ =	shalt  }
0x73: {  	_ =	shalt  }
0x74: {  	_ =	shalt  }
0x75: {  	_ =	shalt  }
0x76: {  	_ =	shalt  }
0x77: {  	_ =	shalt  }
0x78: {  	_ =	shalt  }
0x79: {  	_ =	shalt  }
0x7a: {  	_ =	shalt  }
0x7b: {  	_ =	shalt  }
0x7c: {  	_ =	shalt  }
0x7d: {  	_ =	shalt  }
0x7e: {  	_ =	shalt  }
0x7f: {  	_ =	shalt  }
0x80: {  	_ =	shalt  }
0x81: {  	_ =	shalt  }
0x82: {  	_ =	shalt  }
0x83: {  	_ =	shalt  }
0x84: {  	_ =	shalt  }
0x85: {  	_ =	shalt  }
0x86: {  	_ =	shalt  }
0x87: {  	_ =	shalt  }
.Lfunc_end0:
.L_simem_size_0:
called_computation_lowered:
.L_overlay_start_0:
0x88: {  	s2 =	sld [smem:$0x3FD9]  }
0x89: {  	s3 =	sld [smem:$0x3FFE];
	_ =	sdelay $0x1  }
0x8a: {  	s1 =	srdreg.scid  }
0x8b: {  	s0 =	sand.u32 $0x1, s1  }
0x8c: {  	s18 =	sshll.u32 s0, $0xA;
	s2 =	sadd.s32 s3, s2  }
0x8d: {  	s2 =	sadd.s32 s2, s18  }
0x8e: {  	[smem:$0x3FC6] =	sst s2  }
0x8f: {  	_ = 	snop  }
0x90: {  	s2 =	sld [smem:$0x3FC9]  }
0x91: {  	s19 =	sld [smem:$0x3FC8]  }
0x92: {  	s4 =	sld [smem:$0x3FD0];
	(tm) =	ssettm $0x1  }
0x93: {  	s5 =	sld [smem:$0x3FFB];
	_ =	sdelay $0x3  }
0x94: {  	_ =	strace s5  }
0x95: {  	s5 =	sld [smem:$0x3FFC];
	_ =	sdelay $0x3  }
0x96: {  	_ =	strace s5  }
0x97: {  	s5 =	sld [smem:$0x3FFD];
	_ =	sdelay $0x3  }
0x98: {  	_ =	strace s5  }
0x99: {  	_ =	strace $0x8FFFFFFF  }
0x9a: {  	s20 =	sld [smem:$0x3FDB];
	_ =	sdelay $0x1  }
0x9b: {  	s6 =	simm.s32 $_scs_section_size  }
0x9c: {  	s7 =	simm.s32 $_size__tile_overlayer_lowered;
	s8 =	simm.s32 $_tile_overlayer_lowered  }
0x9d: {  	s23 =	simm.s32 $0x1BFF;
	s22 =	sshll.u32 s8, $0x1;
	s5 =	sadd.s32 s6, s20  }
0x9e: {  	s9 =	simm.s32 $0x0;
	s21 =	sshll.u32 s7, $0x1;
	s7 =	sadd.s32 s22, s5  }
0x9f: {  	[timem:s9], [sflag:s23] =	dma.local [hbm:s7], s21  }
0xa0: {  	_ =	swait.ge [sflag:s23], s21  }
0xa1: {  	s6 =	ssub.s32 $0x0, s21;
	[sflag:s23] =	ssyncset.done $0x0  }
0xa2: {  	[sflag:s23] =	ssyncadd.s32 s6;
	_ =	sdelay $0x1  }
0xa3: {  	s24 =	simm.s32 $0x1B8B  }
0xa4: {  	_ =	swait.ge [sflag:s24], $0x1  }
0xa5: {  	[sflag:s24] =	ssyncset.done $0x0  }
0xa6: {  	s25 =	simm.s32 $0x1B8E;
	[sflag:s24] =	ssyncadd.s32 $0xFFFFFFFF  }
0xa7: {  	s26 =	simm.s32 $execute0_lowered;
	[smem:$0x3FD2] =	sst s25  }
0xa8: {  	s6 =	sshll.u32 s26, $0x1;
	_ =	strace $0x80000046;
	[dreg:$0x1] =	wrdreg $0xFFFFFFFF  }
0xa9: {  	s28 =	simm.s32 $_size_execute0_lowered;
	s5 =	sadd.s32 s5, s6;
	[dreg:$0x0] =	wrdreg $0x0  }
0xaa: {  	s6 =	sshll.u32 s28, $0x1;
	[dreg:$0x2] =	wrdreg s5  }
0xab: {  	[dreg:$0x3] =	wrdreg s6  }
0xac: {  	[dreg:$0x4] =	wrdreg $0xC0  }
0xad: {  	_ =	task [dreg:s9], $0x5FFFF  }
0xae: {  	[dreg:$0x1] =	wrdreg $0xFFFFFFFF  }
0xaf: {  	[dreg:$0x0] =	wrdreg $0x60  }
0xb0: {  	[dreg:$0x2] =	wrdreg s2  }
0xb1: {  	[dreg:$0x3] =	wrdreg s19  }
0xb2: {  	[dreg:$0x4] =	wrdreg s4  }
0xb3: {  	[dreg:$0x5] =	wrdreg $0x1E3000  }
0xb4: {  	[dreg:$0x6] =	wrdreg $0x9  }
0xb5: {  	_ =	task.clear_ibuf [dreg:s9], $0x7FFFF;
	_ =	strace $0x90000046  }
0xb6: {  	s29 =	simm.s32 $0x9;
	_ =	strace $0x80000048  }
0xb7: {  	_ =	swait.ge [sflag:s29], $0x1  }
0xb8: {  	[sflag:s29] =	ssyncadd.s32 $0xFFFFFFFF  }
0xb9: {  	_ =	strace $0x90000048  }
0xba: {  	_ =	sfence  }
0xbb: {  	s30 =	sld [smem:$0x0];
	_ =	sdelay $0x2  }
0xbc: {  	s31 =	sshll.u32 s1, $0xD;
	s1 =	sshrl.u32 s1, $0x2  }
0xbd: {  	s3 =	sand.u32 $0x4000, s31;
	s1 =	sadd.s32 s1, s30  }
0xbe: {  	s0 =	sor.u32 s3, s0;
	s1 =	sshll.u32 s1, $0x11  }
0xbf: {  	s0 =	sor.u32 s1, s0  }
0xc0: {  	s0 =	sadd.s32 $0x8F2B, s0  }
0xc1: {  	[sflag:s0] =	ssyncadd.remote.s32 $0x1  }
0xc2: {  	_ =	sfence.sel $0xFFFF  }
0xc3: {  	[dreg:$0x0] =	wrdreg $0xFFFFFFFF;
	(pc) =	sbr.abs _section_cstart, $3  }
0xc4: {  	[dreg:$0x1] =	wrdreg $0xFFFFFFFF  }
0xc5: {  	_ =	task.clear_ibuf [dreg:s9], $0x2FFFF;
	_ =	strace $0x9FFFFFFF  }
0xc6: {  	(tm) =	ssettm $0x7FFFFFFF  }
0xc7: {  	_ =	shalt  }
tec
execute0_lowered:
.L_overlay_start_1:
0x0: {  	(tag) =	ssettag $0x1  }
0x1: {  	s5 =	rddreg [dreg:$0x0]  }
0x2: {  	s0 =	rddreg [dreg:$0x1]  }
0x3: {  	s1 =	srdreg.scid;
	s2 =	rddreg [dreg:$0x2]  }
0x4: {  	s8 =	stileid.u32;
	s3 =	rddreg [dreg:$0x3];
	s4 =	simm.s32 $0x0  }
0x5: {  	s13 =	simm.s32 $0x1E180;
	s14 =	simm.s32 $0x11880;
	s15 =	simm.s32 $0x1  }
0x6: {  	s16 =	simm.s32 $0x2780;
	s17 =	simm.s32 $0x5000;
	s18 =	simm.s32 $0x2  }
0x7: {  	s6 =	sand.u32 $0x1, s1;
	s30 =	sshll.u32 s8, $0x1;
	s10 =	smul.u32 $0x4E20, s8  }
0x8: {  	s1 =	rddreg [dreg:$0x4];
	s7 =	sor.u32 s6, s30;
	s12 =	smul.u32 $0x2710, s6  }
0x9: {  	s19 =	simm.s32 $0x0;
	[smem:$0x7FF] =	sst s4;
	s7 =	smul.u32 $0x2710, s7  }
.Ltmp0:
0xa: {  	p0 =	sne.s32 s8, $0x0;
	s9 =	ssub.s32 $0x2, s6;
	(pc) =	sbr.rel .LBB2_1-.Ltmp0, $4  }
0xb: {  	_ =	strace $0x80000047;
	s8 =	sshrl.u32 @!p0 s3, $0x3;
	s11 =	sshrl.u32 s9, $0x1  }
0xc: {  	s31 =	ssub.s32 s9, s11;
	s9 =	simm.s32 $0x3;
	s7 =	sshrl.u32 s7, $0x3  }
0xd: {  	s11 =	simm.s32 $0x1E000;
	s6 =	smax.u32 s31, $0x1;
	s5 =	sadd.s32 s5, s7  }
0xe: {  	v0 =	vimm.s32 $0x0;
	v1 =	vimm.s32 $0x1;
	v2 =	vlaneseq.u32;
	s7 =	sadd.s32 s12, s10;
	s10 =	simm.s32 $0x140;
	s12 =	simm.s32 $0x7880  }
.LBB2_46:
0xf: {  	[sflag:s18] =	ssyncadd.s32 $0xFFFF6000  }
.LBB2_47:
0x10: {  	s19 =	sadd.s32 $0x1, s19  }
0x11: {  	p1 =	sne.s32 s19, s6  }
.Ltmp1:
0x12: {  	_ = 	snop;
	(pc) =	sbr.rel @!p1 .LBB2_48-.Ltmp1, $1  }
0x13: {  	_ =	sdelay $0x3  }
.LBB2_1:
0x14: {  	s20 =	simm.s32 @!p0 $0x1C03  }
0x15: {  	[spmem:s8], [sflag:s20] =	dma.local @!p0 [hbm:s0], $0x20  }
0x16: {  	s20 =	simm.s32 @!p0 $0x3  }
0x17: {  	_ =	swait.ge @!p0 [sflag:s20], $0x20  }
0x18: {  	[sflag:s20] =	ssyncset.done @!p0 $0x0  }
0x19: {  	[sflag:s20] =	ssyncadd.s32 @!p0 $0xFFFFFFE0  }
0x1a: {  	[tilespmem:s4], [sflag:$0x3] =	stream.linear.gather [hbm4b:s5+s4], $0x2710, $0x38;
	[tilespmem:$0x1E310] =	vst v63  }
0x1b: {  	_ =	swait.ge [sflag:s9], $0x2710  }
0x1c: {  	[sflag:s9] =	ssyncset.done $0x0  }
0x1d: {  	[sflag:s9] =	ssyncadd.s32 $0xFFFFD8F0  }
0x1e: {  	[bflag:$0x0] =	sbarrier.arrive $0xFFFF  }
0x1f: {  	[tilespmem:$0x1E000] =	vst v0  }
0x20: {  	[tilespmem:$0x1E180] =	vst v1  }
0x21: {  	[tilespmem:$0x1E010] =	vst v0  }
0x22: {  	[tilespmem:$0x1E190] =	vst v1  }
0x23: {  	[tilespmem:$0x1E020] =	vst v0  }
0x24: {  	[tilespmem:$0x1E1A0] =	vst v1  }
0x25: {  	[tilespmem:$0x1E030] =	vst v0  }
0x26: {  	[tilespmem:$0x1E1B0] =	vst v1  }
0x27: {  	[tilespmem:$0x1E040] =	vst v0  }
0x28: {  	[tilespmem:$0x1E1C0] =	vst v1  }
0x29: {  	[tilespmem:$0x1E050] =	vst v0  }
0x2a: {  	[tilespmem:$0x1E1D0] =	vst v1  }
0x2b: {  	[tilespmem:$0x1E060] =	vst v0  }
0x2c: {  	[tilespmem:$0x1E1E0] =	vst v1  }
0x2d: {  	[tilespmem:$0x1E070] =	vst v0  }
0x2e: {  	[tilespmem:$0x1E1F0] =	vst v1  }
0x2f: {  	[tilespmem:$0x1E080] =	vst v0  }
0x30: {  	[tilespmem:$0x1E200] =	vst v1  }
0x31: {  	[tilespmem:$0x1E090] =	vst v0  }
0x32: {  	[tilespmem:$0x1E210] =	vst v1  }
0x33: {  	[tilespmem:$0x1E0A0] =	vst v0  }
0x34: {  	[tilespmem:$0x1E220] =	vst v1  }
0x35: {  	[tilespmem:$0x1E0B0] =	vst v0  }
0x36: {  	[tilespmem:$0x1E230] =	vst v1  }
0x37: {  	[tilespmem:$0x1E0C0] =	vst v0  }
0x38: {  	[tilespmem:$0x1E240] =	vst v1  }
0x39: {  	[tilespmem:$0x1E0D0] =	vst v0  }
0x3a: {  	[tilespmem:$0x1E250] =	vst v1  }
0x3b: {  	[tilespmem:$0x1E0E0] =	vst v0  }
0x3c: {  	[tilespmem:$0x1E260] =	vst v1  }
0x3d: {  	[tilespmem:$0x1E0F0] =	vst v0  }
0x3e: {  	[tilespmem:$0x1E270] =	vst v1  }
0x3f: {  	[tilespmem:$0x1E100] =	vst v0  }
0x40: {  	[tilespmem:$0x1E280] =	vst v1  }
0x41: {  	[tilespmem:$0x1E110] =	vst v0  }
0x42: {  	[tilespmem:$0x1E290] =	vst v1  }
0x43: {  	[tilespmem:$0x1E120] =	vst v0  }
0x44: {  	[tilespmem:$0x1E2A0] =	vst v1  }
0x45: {  	[tilespmem:$0x1E130] =	vst v0  }
0x46: {  	[tilespmem:$0x1E2B0] =	vst v1  }
0x47: {  	[tilespmem:s12], [sflag:$0x1] =	stream.indirect.gather [spmem:s3], $0x80, s11, s10, $0xb8;
	[tilespmem:$0x1E310] =	vst v63  }
0x48: {  	s21 =	simm.s32 $0x0  }
0x49: {  	[tilespmem:s14], [sflag:$0x1] =	stream.indirect.gather [spmem:s3], $0x80, s13, s10, $0xb8;
	[tilespmem:$0x1E310] =	vst v63  }
0x4a: {  	v3 =	vld [tilespmem:s21+$0x0];
	_ =	sdelay $0x2  }
0x4b: {  	v4 =	vld [tilespmem:s21+$0x10];
	_ =	sdelay $0x1  }
0x4c: {  	v5 =	vld [tilespmem:s21+$0x20];
	(xrf0) =	vadd.scan.msk.s32 $0xffff, v3  }
0x4d: {  	v6 =	vld [tilespmem:s21+$0x30];
	_ =	sdelay $0x1  }
0x4e: {  	(xrf0) =	vadd.scan.msk.s32 $0xffff, v4  }
0x4f: {  	s22 =	simm.s32 $0x50;
	v3 =	vld [tilespmem:s21+$0x40]  }
0x50: {  	v4 =	vld [tilespmem:s22+$0x0];
	(xrf0) =	vadd.scan.msk.s32 $0xffff, v5  }
0x51: {  	(xrf0) =	vadd.scan.msk.s32 $0xffff, v6;
	v6, _, _ =	vpop (xrf0)  }
0x52: {  	v5 =	vld [tilespmem:s22+$0x10];
	v8 =	vxor.u32 $0x80000000, v6  }
0x53: {  	v7 =	vld [tilespmem:s22+$0x20];
	[tilespmem:s21+$0x1B880] =	vst v6;
	(xrf0) =	vmax.scan.msk.u32 $0xffff, v8  }
0x54: {  	v6, _, _ =	vpop (xrf0);
	v8 =	vld [tilespmem:s22+$0x30];
	(xrf0) =	vadd.scan.msk.s32 $0xffff, v3  }
0x55: {  	(xrf0) =	vadd.scan.msk.s32 $0xffff, v4  }
0x56: {  	[tilespmem:s21+$0x1B890] =	vst v6;
	v3, _, _ =	vpop (xrf0)  }
0x57: {  	[tilespmem:s21+$0x1B8A0] =	vst v3;
	v9, _, _ =	vpop (xrf0);
	(xrf0) =	vadd.scan.msk.s32 $0xffff, v5;
	v5 =	vxor.u32 $0x80000000, v6  }
0x58: {  	v3 =	vxor.u32 $0x80000000, v3;
	[tilespmem:s21+$0x1B8B0] =	vst v9;
	(xrf0) =	vadd.scan.msk.s32 $0xffff, v7  }
0x59: {  	s20 =	simm.s32 $0xA0;
	v4 =	vld [tilespmem:s22+$0x40];
	(xrf0) =	vadd.scan.msk.s32 $0xffff, v8;
	v6, _, _ =	vpop (xrf0)  }
0x5a: {  	v7 =	vld [tilespmem:s20+$0x0];
	(xrf0) =	vmax.scan.msk.u32 $0xffff, v5;
	v5, _, _ =	vpop (xrf0)  }
0x5b: {  	v8 =	vld [tilespmem:s20+$0x10];
	(xrf0) =	vmax.scan.msk.u32 $0xffff, v3;
	[tilespmem:s21+$0x1B8C0] =	vst v5;
	v3, _, _ =	vpop (xrf0)  }
0x5c: {  	v9 =	vxor.u32 $0x80000000, v9;
	(v2sf) =	vpush v6, $0xF;
	v6 =	vld [tilespmem:s20+$0x20];
	[tilespmem:s22+$0x1B880] =	vst v3;
	v3 =	vxor.u32 $0x80000000, v3  }
0x5d: {  	v5 =	vxor.u32 $0x80000000, v5;
	(xrf0) =	vmax.scan.msk.u32 $0xffff, v9  }
0x5e: {  	v61, _, _ =	vpop (xrf0);
	(xrf0) =	vmax.scan.msk.u32 $0xffff, v5  }
0x5f: {  	v5 =	vld [tilespmem:s20+$0x30];
	(xrf0) =	vmax.scan.msk.u32 $0xffff, v3;
	v3, _, _ =	vpop (xrf0)  }
0x60: {  	v10, _, _ =	vpop (xrf0);
	(xrf0) =	vadd.scan.msk.s32 $0xffff, v4  }
0x61: {  	(xrf0) =	vadd.scan.msk.s32 $0xffff, v7;
	v4, _, _ =	vpop (xrf0)  }
0x62: {  	[tilespmem:s22+$0x1B890] =	vst v61;
	(xrf0) =	vadd.scan.msk.s32 $0xffff, v8;
	v7, _, _ =	vpop (xrf0)  }
0x63: {  	[tilespmem:s22+$0x1B8A0] =	vst v3;
	v3 =	vxor.u32 $0x80000000, v3;
	(xrf0) =	vadd.scan.msk.s32 $0xffff, v6;
	v6, _, _ =	vpop (xrf0)  }
0x64: {  	[tilespmem:s22+$0x1B8B0] =	vst v10;
	(xrf0) =	vadd.scan.msk.s32 $0xffff, v5;
	v5 =	vxor.u32 $0x80000000, v61;
	v8, _, _ =	vpop (xrf0)  }
0x65: {  	s21 =	simm.s32 $0xF0;
	v62 =	vld [tilespmem:s20+$0x40];
	v11, _, _ =	vpop (xrf0);
	(xrf0) =	vmax.scan.msk.u32 $0xffff, v5  }
0x66: {  	v12 =	vld [tilespmem:s21+$0x10];
	(xrf0) =	vmax.scan.msk.u32 $0xffff, v3;
	v3, _, _ =	vpop (xrf0)  }
0x67: {  	v10 =	vxor.u32 $0x80000000, v10;
	(v2sf) =	vpush v4, $0xF;
	v5 =	vld [tilespmem:s21+$0x0];
	[tilespmem:s22+$0x1B8C0] =	vst v3;
	v3 =	vxor.u32 $0x80000000, v3  }
0x68: {  	(v2sf) =	vpush v7, $0xF;
	v4, _, _ =	vpop (xrf0);
	(xrf0) =	vmax.scan.msk.u32 $0xffff, v10  }
0x69: {  	(v2sf) =	vpush v6, $0xF;
	v7 =	vld [tilespmem:s21+$0x20];
	v63 =	vxor.u32 $0x80000000, v4;
	(xrf0) =	vmax.scan.msk.u32 $0xffff, v3;
	v13, _, _ =	vpop (xrf0)  }
0x6a: {  	(xrf0) =	vmax.scan.msk.u32 $0xffff, v63;
	v3, _, _ =	vpop (xrf0)  }
0x6b: {  	(v2sf) =	vpush v8, $0xF;
	[tilespmem:s20+$0x1B880] =	vst v4;
	(xrf0) =	vadd.scan.msk.s32 $0xffff, v62;
	v4, _, _ =	vpop (xrf0)  }
0x6c: {  	(v2sf) =	vpush v11, $0xF;
	v6 =	vld [tilespmem:s21+$0x30];
	[tilespmem:s20+$0x1B890] =	vst v13;
	s31 =	spop (v2sf);
	(xrf0) =	vadd.scan.msk.s32 $0xffff, v5;
	v5, _, _ =	vpop (xrf0)  }
0x6d: {  	s22 =	sxor.u32 $0x80000000, s31;
	[tilespmem:s20+$0x1B8A0] =	vst v3;
	(xrf0) =	vadd.scan.msk.s32 $0xffff, v12;
	(v2sf) =	vpush v5, $0xF;
	v5, _, _ =	vpop (xrf0)  }
0x6e: {  	[tilespmem:s20+$0x1B8B0] =	vst v4;
	(xrf0) =	vadd.scan.msk.s32 $0xffff, v7;
	(v2sf) =	vpush v5, $0xF;
	v5, _, _ =	vpop (xrf0);
	[smem:$0x0] =	sst s22  }
0x6f: {  	(v2sf) =	vpush v5, $0xF;
	_ =	sdelay $0x3  }
0x70: {  	s23 =	simm.s32 $0x500;
	s22 =	simm.s32 $0x2;
	(xrf0) =	vadd.scan.msk.s32 $0xffff, v6;
	v6 =	vxor.u32 $0x80000000, v13;
	v5, _, _ =	vpop (xrf0)  }
.LBB2_2:
0x71: {  	s24 =	sshra.s32 s23, $0x2;
	p1 =	sne.s32 s23, $0x9B00;
	v7 =	vld [tilespmem:s21+$0x40];
	v9 =	vxor.u32 $0x80000000, v3;
	v8, _, _ =	vpop (xrf0);
	(xrf0) =	vmax.scan.msk.u32 $0xffff, v6;
	(v2sf) =	vpush v5, $0xF  }
0x72: {  	v4 =	vxor.u32 $0x80000000, v4;
	v5 =	vld [tilespmem:s24+$0x0];
	(v2sf) =	vpush v8, $0xF;
	(xrf0) =	vmax.scan.msk.u32 $0xffff, v9;
	v3, _, _ =	vpop (xrf0)  }
0x73: {  	v6 =	vld [tilespmem:s24+$0x10];
	v8, _, _ =	vpop (xrf0);
	[tilespmem:s20+$0x1B8C0] =	vst v3;
	v11 =	vxor.u32 $0x80000000, v3;
	(xrf0) =	vmax.scan.msk.u32 $0xffff, v4;
	s25 =	spop (v2sf);
	s20 =	smov.u32 s21;
	s21 =	smov.u32 s24  }
0x74: {  	v9 =	vld [tilespmem:s21+$0x20];
	[tilespmem:s20+$0x1B880] =	vst v8;
	v12 =	vxor.u32 $0x80000000, v8;
	v8, _, _ =	vpop (xrf0);
	(xrf0) =	vmax.scan.msk.u32 $0xffff, v11;
	s24 =	sxor.u32 $0x80000000, s25;
	s25 =	spop (v2sf)  }
0x75: {  	v10 =	vld [tilespmem:s21+$0x30];
	[tilespmem:s20+$0x1B890] =	vst v8;
	(xrf0) =	vmax.scan.msk.u32 $0xffff, v12;
	v3, _, _ =	vpop (xrf0);
	[smem:s22+$0xFFFFFFFF] =	sst s24;
	s24 =	sxor.u32 $0x80000000, s25;
	s25 =	spop (v2sf)  }
0x76: {  	[smem:s22] =	sst s24  }
.Ltmp2:
0x77: {  	[tilespmem:s20+$0x1B8A0] =	vst v3;
	v4, _, _ =	vpop (xrf0);
	(xrf0) =	vadd.scan.msk.s32 $0xffff, v7;
	s24 =	sxor.u32 $0x80000000, s25;
	s25 =	spop (v2sf);
	(pc) =	sbr.rel @p1 .LBB2_2-.Ltmp2, $4  }
0x78: {  	(xrf0) =	vadd.scan.msk.s32 $0xffff, v5;
	[tilespmem:s20+$0x1B8B0] =	vst v4;
	v5, _, _ =	vpop (xrf0);
	s26 =	spop (v2sf);
	[smem:s22+$0x1] =	sst s24;
	s24 =	sxor.u32 $0x80000000, s25  }
0x79: {  	(xrf0) =	vadd.scan.msk.s32 $0xffff, v6;
	(v2sf) =	vpush v5, $0xF;
	v5, _, _ =	vpop (xrf0);
	s25 =	sxor.u32 $0x80000000, s26;
	[smem:s22+$0x2] =	sst s24;
	s22 =	sadd.s32 $0x5, s22  }
0x7a: {  	(xrf0) =	vadd.scan.msk.s32 $0xffff, v9;
	(v2sf) =	vpush v5, $0xF;
	v5, _, _ =	vpop (xrf0);
	[smem:s22+$0xFFFFFFFE] =	sst s25  }
0x7b: {  	s23 =	sadd.s32 $0x140, s23;
	v6 =	vxor.u32 $0x80000000, v8;
	(xrf0) =	vadd.scan.msk.s32 $0xffff, v10;
	(v2sf) =	vpush v5, $0xF;
	v5, _, _ =	vpop (xrf0)  }
0x7c: {  	v3 =	vxor.u32 $0x80000000, v3;
	_ =	sdelay $0x1  }
0x7d: {  	v7 =	vld [tilespmem:s21+$0x40];
	v8, _, _ =	vpop (xrf0);
	(xrf0) =	vmax.scan.msk.u32 $0xffff, v6  }
0x7e: {  	v4 =	vxor.u32 $0x80000000, v4;
	(xrf0) =	vmax.scan.msk.u32 $0xffff, v3;
	v3, _, _ =	vpop (xrf0)  }
0x7f: {  	(xrf0) =	vmax.scan.msk.u32 $0xffff, v4;
	v49, _, _ =	vpop (xrf0);
	v9 =	vxor.u32 $0x80000000, v3  }
0x80: {  	v50 =	vxor.u32 $0x80000000, v49;
	v10, _, _ =	vpop (xrf0);
	(xrf0) =	vmax.scan.msk.u32 $0xffff, v9  }
0x81: {  	(xrf0) =	vmax.scan.msk.u32 $0xffff, v50;
	v51, _, _ =	vpop (xrf0)  }
0x82: {  	v52, _, _ =	vpop (xrf0);
	(xrf0) =	vadd.scan.msk.s32 $0xffff, v7  }
0x83: {  	v53, _, _ =	vpop (xrf0)  }
0x84: {  	v11, _, _ =	vpop (xrf0)  }
0x85: {  	v12, _, _ =	vpop (xrf0)  }
0x86: {  	(v2sf) =	vpush v5, $0xF;
	v54 =	vxor.u32 $0x80000000, v10;
	v13, _, _ =	vpop (xrf0)  }
0x87: {  	(v2sf) =	vpush v8, $0xF;
	v55 =	vxor.u32 $0x80000000, v51;
	(xrf0) =	vmax.scan.msk.u32 $0xffff, v54;
	v56, _, _ =	vpop (xrf0)  }
0x88: {  	v57 =	vxor.u32 $0x80000000, v52;
	(xrf0) =	vmax.scan.msk.u32 $0xffff, v55;
	v58, _, _ =	vpop (xrf0)  }
0x89: {  	(v2sf) =	vpush v53, $0xF;
	(xrf0) =	vmax.scan.msk.u32 $0xffff, v57;
	v59 =	vxor.u32 $0x80000000, v58  }
0x8a: {  	(v2sf) =	vpush v11, $0xF;
	(xrf0) =	vmax.scan.msk.u32 $0xffff, v59  }
0x8b: {  	(v2sf) =	vpush v12, $0xF  }
0x8c: {  	s23 =	spop (v2sf);
	(v2sf) =	vpush v13, $0xF  }
0x8d: {  	s24 =	spop (v2sf);
	(v2sf) =	vpush v56, $0xF;
	v60, _, _ =	vpop (xrf0)  }
0x8e: {  	s23 =	sxor.u32 $0x80000000, s23;
	s25 =	spop (v2sf);
	(v2sf) =	vpush v60, $0xF;
	v61, _, _ =	vpop (xrf0)  }
0x8f: {  	[smem:s22+$0xFFFFFFFF] =	sst s23;
	s28 =	sxor.u32 $0x80000000, s24;
	s29 =	spop (v2sf);
	(v2sf) =	vpush v61, $0xF;
	v62, _, _ =	vpop (xrf0)  }
0x90: {  	[smem:s22] =	sst s28;
	s30 =	sxor.u32 $0x80000000, s25;
	s31 =	spop (v2sf);
	(v2sf) =	vpush v62, $0xF;
	v63, _, _ =	vpop (xrf0)  }
0x91: {  	[smem:s22+$0x1] =	sst s30;
	s24 =	sxor.u32 $0x80000000, s29;
	s25 =	sxor.u32 $0x80000000, s31;
	(v2sf) =	vpush v63, $0xF  }
0x92: {  	[smem:s22+$0x2] =	sst s24;
	s22 =	sadd.s32 $0x5, s22;
	s26 =	spop (v2sf)  }
0x93: {  	[smem:s22+$0xFFFFFFFE] =	sst s25;
	s28 =	spop (v2sf);
	s23 =	sxor.u32 $0x80000000, s26  }
0x94: {  	s29 =	spop (v2sf);
	[smem:s22+$0xFFFFFFFF] =	sst s23;
	s30 =	sxor.u32 $0x80000000, s28  }
0x95: {  	s31 =	spop (v2sf);
	[smem:s22] =	sst s30;
	s25 =	sxor.u32 $0x80000000, s29  }
0x96: {  	s26 =	spop (v2sf);
	[smem:s22+$0x1] =	sst s25;
	s28 =	sxor.u32 $0x80000000, s31  }
0x97: {  	s29 =	sxor.u32 $0x80000000, s26;
	[smem:s22+$0x2] =	sst s28;
	s22 =	sadd.s32 $0x5, s22  }
0x98: {  	[smem:s22+$0xFFFFFFFE] =	sst s29;
	s30 =	spop (v2sf)  }
0x99: {  	[tilespmem:s20+$0x1B8C0] =	vst v3;
	s20 =	sadd.s32 $0x5, s22;
	s31 =	spop (v2sf);
	s26 =	sxor.u32 $0x80000000, s30  }
0x9a: {  	s28 =	spop (v2sf);
	[smem:s22+$0xFFFFFFFF] =	sst s26;
	s23 =	sxor.u32 $0x80000000, s31  }
0x9b: {  	s29 =	spop (v2sf);
	[smem:s22] =	sst s23;
	s30 =	sxor.u32 $0x80000000, s28  }
0x9c: {  	s31 =	spop (v2sf);
	[smem:s22+$0x1] =	sst s30;
	s24 =	sxor.u32 $0x80000000, s29  }
0x9d: {  	s26 =	sxor.u32 $0x80000000, s31;
	[smem:s22+$0x2] =	sst s24;
	s28 =	spop (v2sf)  }
0x9e: {  	[smem:s20+$0xFFFFFFFE] =	sst s26;
	s22 =	sxor.u32 $0x80000000, s28;
	s29 =	spop (v2sf)  }
0x9f: {  	[tilespmem:s21+$0x1B880] =	vst v49;
	[smem:s20+$0xFFFFFFFF] =	sst s22;
	s30 =	sxor.u32 $0x80000000, s29;
	s31 =	spop (v2sf)  }
0xa0: {  	[tilespmem:s21+$0x1B890] =	vst v10;
	[smem:s20] =	sst s30;
	s24 =	sxor.u32 $0x80000000, s31;
	s25 =	spop (v2sf)  }
0xa1: {  	[tilespmem:s21+$0x1B8A0] =	vst v51;
	[smem:s20+$0x1] =	sst s24;
	s26 =	sxor.u32 $0x80000000, s25  }
0xa2: {  	[tilespmem:s21+$0x1B8B0] =	vst v52;
	s28 =	simm.s32 $0x0;
	[smem:s20+$0x2] =	sst s26  }
0xa3: {  	[tilespmem:s21+$0x1B8C0] =	vst v58;
	[smem:$0x280] =	sst s28  }
0xa4: {  	s20 =	sld [smem:$0x0];
	_ =	sdelay $0x2  }
0xa5: {  	s20 =	sadd.s32 $0x0, s20  }
0xa6: {  	[smem:$0x281] =	sst s20  }
0xa7: {  	s29 =	sld [smem:$0x1];
	_ =	sdelay $0x2  }
0xa8: {  	s20 =	sadd.s32 s20, s29  }
0xa9: {  	[smem:$0x282] =	sst s20  }
0xaa: {  	s30 =	sld [smem:$0x2];
	_ =	sdelay $0x2  }
0xab: {  	s20 =	sadd.s32 s20, s30  }
0xac: {  	[smem:$0x283] =	sst s20  }
0xad: {  	s31 =	sld [smem:$0x3];
	_ =	sdelay $0x2  }
0xae: {  	s21 =	sadd.s32 s20, s31  }
0xaf: {  	[smem:$0x284] =	sst s21  }
0xb0: {  	s22 =	simm.s32 $0x28;
	s20 =	simm.s32 $0x14;
	s23 =	sld [smem:$0x4]  }
.LBB2_4:
0xb1: {  	_ = 	snop  }
0xb2: {  	s24 =	sshra.s32 s20, $0x2  }
0xb3: {  	s20 =	smov.u32 s22;
	s25 =	sadd.s32 $0x14, s22;
	s21 =	sadd.s32 s21, s23  }
0xb4: {  	p1 =	sne.s32 s22, $0x9B0;
	[smem:s24+$0x280] =	sst s21  }
0xb5: {  	s22 =	sld [smem:s24+$0x0];
	_ =	sdelay $0x2  }
0xb6: {  	s21 =	sadd.s32 s21, s22  }
0xb7: {  	[smem:s24+$0x281] =	sst s21  }
0xb8: {  	s22 =	sld [smem:s24+$0x1];
	_ =	sdelay $0x2  }
0xb9: {  	s21 =	sadd.s32 s21, s22  }
0xba: {  	[smem:s24+$0x282] =	sst s21  }
0xbb: {  	s22 =	sld [smem:s24+$0x2];
	_ =	sdelay $0x2  }
0xbc: {  	s21 =	sadd.s32 s21, s22  }
0xbd: {  	[smem:s24+$0x283] =	sst s21  }
0xbe: {  	s22 =	sld [smem:s24+$0x3]  }
.Ltmp3:
0xbf: {  	(pc) =	sbr.rel @p1 .LBB2_4-.Ltmp3, $4  }
0xc0: {  	_ = 	snop  }
0xc1: {  	s21 =	sadd.s32 s21, s22  }
0xc2: {  	[smem:s24+$0x284] =	sst s21  }
0xc3: {  	s22 =	smov.u32 s25;
	s23 =	sld [smem:s24+$0x4]  }
0xc4: {  	_ =	sdelay $0x1  }
0xc5: {  	s20 =	sshra.s32 s20, $0x2;
	s21 =	sadd.s32 s21, s23  }
0xc6: {  	[smem:s20+$0x280] =	sst s21  }
0xc7: {  	s22 =	sld [smem:s20+$0x0];
	_ =	sdelay $0x2  }
0xc8: {  	s21 =	sadd.s32 s21, s22  }
0xc9: {  	[smem:s20+$0x281] =	sst s21  }
0xca: {  	s29 =	sld [smem:s20+$0x1];
	_ =	sdelay $0x2  }
0xcb: {  	s21 =	sadd.s32 s21, s29  }
0xcc: {  	[smem:s20+$0x282] =	sst s21  }
0xcd: {  	s30 =	sld [smem:s20+$0x2];
	_ =	sdelay $0x2  }
0xce: {  	s21 =	sadd.s32 s21, s30  }
0xcf: {  	[smem:s20+$0x283] =	sst s21  }
0xd0: {  	s31 =	sld [smem:s20+$0x3];
	_ =	sdelay $0x2  }
0xd1: {  	s21 =	sadd.s32 s21, s31  }
0xd2: {  	[smem:s20+$0x284] =	sst s21  }
0xd3: {  	s20 =	sld [smem:s20+$0x4];
	_ =	swait.ge [sflag:s15], $0xA000  }
0xd4: {  	[sflag:s15] =	ssyncset.done $0x0  }
0xd5: {  	[sflag:s15] =	ssyncadd.s32 $0xFFFF6000  }
0xd6: {  	s24 =	simm.s32 $0x1B8A0;
	_ =	swait.ge [sflag:s15], $0xA000  }
0xd7: {  	s23 =	simm.s32 $0x282;
	s22 =	simm.s32 $0x20;
	[sflag:s15] =	ssyncset.done $0x0  }
0xd8: {  	s20 =	sadd.s32 s21, s20;
	s21 =	simm.s32 $0x0;
	[sflag:s15] =	ssyncadd.s32 $0xFFFF6000  }
.LBB2_6:
0xd9: {  	v3 =	vld [tilespmem:s24+$0xFFFFFFE0]  }
0xda: {  	v4 =	vld [tilespmem:s22+$0xFFFFFFE0];
	_ =	sdelay $0x2  }
0xdb: {  	s25 =	sld [smem:s23+$0xFFFFFFFE];
	_ =	sdelay $0x1  }
0xdc: {  	vm0 =	veq.s32 v4, $0x0;
	v55 =	vsub.s32 v2, v3  }
0xdd: {  	s26 =	ssub.s32 s21, s25;
	v3 =	vadd.s32 $0xFFFFFFFF, v3;
	v4 =	vnsel vm0, $0x100000, v55  }
0xde: {  	v3 =	vsel vm0, $0x100000, v3;
	v4 =	vadd.s32 s26, v4  }
0xdf: {  	v3 =	vadd.s32 s25, v3;
	vm14 =	vlt.s32 v4, $0x2850  }
0xe0: {  	vm15 =	vlt.s32 v3, $0x2850;
	v4 =	vnsel vm14, $0x2850, v4  }
0xe1: {  	v3 =	vnsel vm15, $0x2850, v3;
	_ =	sdelay $0x1  }
0xe2: {  	s25 =	sadd.s32 s21, s7  }
0xe3: {  	v5 =	vor.u32 s25, v2  }
0xe4: {  	[tilespmem:v4+s16+$0x0] =	vst.idx.msk $0xffff, v5  }
0xe5: {  	[tilespmem:v3+s17+$0x0] =	vst.idx.msk $0xffff, v5  }
0xe6: {  	v3 =	vld [tilespmem:s24+$0xFFFFFFF0]  }
0xe7: {  	v4 =	vld [tilespmem:s22+$0xFFFFFFF0];
	_ =	sdelay $0x1  }
0xe8: {  	s31 =	sld [smem:s23+$0xFFFFFFFF];
	_ =	sdelay $0x2  }
0xe9: {  	s28 =	ssub.s32 s21, s31;
	vm4 =	veq.s32 v4, $0x0;
	v56 =	vsub.s32 v2, v3  }
0xea: {  	s28 =	sadd.s32 $0x10, s28;
	v3 =	vadd.s32 $0xFFFFFFFF, v3;
	v4 =	vnsel vm4, $0x100000, v56  }
0xeb: {  	v3 =	vsel vm4, $0x100000, v3;
	v4 =	vadd.s32 s28, v4  }
0xec: {  	v3 =	vadd.s32 s31, v3;
	vm5 =	vlt.s32 v4, $0x2850  }
0xed: {  	vm6 =	vlt.s32 v3, $0x2850;
	v4 =	vnsel vm5, $0x2850, v4  }
0xee: {  	v3 =	vnsel vm6, $0x2850, v3;
	_ =	sdelay $0x1  }
0xef: {  	s29 =	sadd.s32 $0x10, s25  }
0xf0: {  	v57 =	vor.u32 s29, v2  }
0xf1: {  	[tilespmem:v4+s16+$0x0] =	vst.idx.msk $0xffff, v57  }
0xf2: {  	[tilespmem:v3+s17+$0x0] =	vst.idx.msk $0xffff, v57  }
0xf3: {  	v3 =	vld [tilespmem:s24+$0x0]  }
0xf4: {  	v4 =	vld [tilespmem:s22+$0x0];
	_ =	sdelay $0x1  }
0xf5: {  	s30 =	sld [smem:s23+$0x0];
	_ =	sdelay $0x2  }
0xf6: {  	s31 =	ssub.s32 s21, s30;
	vm7 =	veq.s32 v4, $0x0;
	v58 =	vsub.s32 v2, v3  }
0xf7: {  	s28 =	sadd.s32 $0x20, s31;
	v3 =	vadd.s32 $0xFFFFFFFF, v3;
	v4 =	vnsel vm7, $0x100000, v58  }
0xf8: {  	v3 =	vsel vm7, $0x100000, v3;
	v4 =	vadd.s32 s28, v4  }
0xf9: {  	v3 =	vadd.s32 s30, v3;
	vm8 =	vlt.s32 v4, $0x2850  }
0xfa: {  	vm9 =	vlt.s32 v3, $0x2850;
	v4 =	vnsel vm8, $0x2850, v4  }
0xfb: {  	v3 =	vnsel vm9, $0x2850, v3;
	_ =	sdelay $0x1  }
0xfc: {  	s29 =	sadd.s32 $0x20, s25  }
0xfd: {  	v59 =	vor.u32 s29, v2  }
0xfe: {  	[tilespmem:v4+s16+$0x0] =	vst.idx.msk $0xffff, v59  }
0xff: {  	[tilespmem:v3+s17+$0x0] =	vst.idx.msk $0xffff, v59  }
0x100: {  	v3 =	vld [tilespmem:s24+$0x10]  }
0x101: {  	v4 =	vld [tilespmem:s22+$0x10];
	_ =	sdelay $0x1  }
0x102: {  	s30 =	sld [smem:s23+$0x1];
	_ =	sdelay $0x2  }
0x103: {  	s31 =	ssub.s32 s21, s30;
	vm10 =	veq.s32 v4, $0x0;
	v60 =	vsub.s32 v2, v3  }
0x104: {  	s28 =	sadd.s32 $0x30, s31;
	v3 =	vadd.s32 $0xFFFFFFFF, v3;
	v4 =	vnsel vm10, $0x100000, v60  }
0x105: {  	v3 =	vsel vm10, $0x100000, v3;
	v4 =	vadd.s32 s28, v4  }
0x106: {  	v3 =	vadd.s32 s30, v3;
	vm11 =	vlt.s32 v4, $0x2850  }
0x107: {  	vm12 =	vlt.s32 v3, $0x2850;
	v4 =	vnsel vm11, $0x2850, v4  }
0x108: {  	v3 =	vnsel vm12, $0x2850, v3;
	_ =	sdelay $0x1  }
0x109: {  	s29 =	sadd.s32 $0x30, s25  }
0x10a: {  	v61 =	vor.u32 s29, v2  }
0x10b: {  	[tilespmem:v4+s16+$0x0] =	vst.idx.msk $0xffff, v61  }
0x10c: {  	[tilespmem:v3+s17+$0x0] =	vst.idx.msk $0xffff, v61  }
0x10d: {  	v3 =	vld [tilespmem:s24+$0x20]  }
0x10e: {  	v4 =	vld [tilespmem:s22+$0x20];
	_ =	sdelay $0x1  }
0x10f: {  	s30 =	sld [smem:s23+$0x2];
	_ =	sdelay $0x2  }
0x110: {  	s31 =	ssub.s32 s21, s30;
	vm13 =	veq.s32 v4, $0x0;
	v62 =	vsub.s32 v2, v3  }
0x111: {  	s28 =	sadd.s32 $0x40, s31;
	v3 =	vadd.s32 $0xFFFFFFFF, v3;
	v4 =	vnsel vm13, $0x100000, v62  }
0x112: {  	v3 =	vsel vm13, $0x100000, v3;
	v4 =	vadd.s32 s28, v4  }
0x113: {  	v3 =	vadd.s32 s30, v3;
	vm14 =	vlt.s32 v4, $0x2850  }
0x114: {  	vm15 =	vlt.s32 v3, $0x2850;
	v4 =	vnsel vm14, $0x2850, v4  }
0x115: {  	p1 =	sne.s32 s21, $0x780;
	v3 =	vnsel vm15, $0x2850, v3  }
.Ltmp4:
0x116: {  	_ = 	snop;
	(pc) =	sbr.rel @p1 .LBB2_6-.Ltmp4, $4  }
0x117: {  	s25 =	sadd.s32 $0x40, s25  }
0x118: {  	v63 =	vor.u32 s25, v2  }
0x119: {  	s23 =	sadd.s32 $0x5, s23;
	[tilespmem:v4+s16+$0x0] =	vst.idx.msk $0xffff, v63  }
0x11a: {  	s21 =	sadd.s32 $0x50, s21;
	s22 =	sadd.s32 $0x50, s22;
	s24 =	sadd.s32 $0x50, s24;
	[tilespmem:v3+s17+$0x0] =	vst.idx.msk $0xffff, v63  }
0x11b: {  	s21 =	sld [smem:$0x2FD];
	_ =	sdelay $0x2  }
0x11c: {  	s22 =	ssub.s32 $0x7D0, s21  }
0x11d: {  	s23 =	smulhi.u32 $0x66666667, s22;
	s22 =	sshra.s32 s22, $0x1F  }
0x11e: {  	s24 =	smul.u32 $0x66666667, s22;
	_ =	sdelay $0x1  }
0x11f: {  	s23 =	sadd.s32 s24, s23  }
0x120: {  	s24 =	sshrl.u32 s23, $0x1F;
	s23 =	sshra.s32 s23, $0x7  }
0x121: {  	p1 =	sne.s32 s21, $0x7D0;
	s23 =	sadd.s32 s24, s23;
	s24 =	simm.s32 $0x1  }
0x122: {  	s24 =	simm.s32 @!p1 $0x0;
	s25 =	smul.u32 $0xFFFFFEC0, s23  }
0x123: {  	s31 =	sadd.s32 $0xFFFFF830, s21;
	s22 =	sor.u32 s24, s22  }
0x124: {  	p6 =	sne.s32 s22, $0x1;
	p2 =	sne.s32 s25, s31  }
0x125: {  	p1 =	por !p2, !p6  }
0x126: {  	s22 =	simm.s32 $0x1;
	p1 =	por !p1, !p1  }
0x127: {  	s22 =	simm.s32 @!p1 $0x0  }
0x128: {  	s23 =	ssub.s32 s23, s22  }
0x129: {  	p1 =	sgt.s32 s23, $0x0  }
.Ltmp5:
0x12a: {  	_ = 	snop;
	(pc) =	sbr.rel @!p1 .LBB2_8-.Ltmp5, $2  }
0x12b: {  	_ =	sdelay $0x2  }
0x12c: {  	s22 =	simm.s32 $0x2780  }
0x12d: {  	p1 =	seq.s32 s23, $0x1  }
.Ltmp6:
0x12e: {  	_ = 	snop;
	(pc) =	sbr.rel @p1 .LBB2_8-.Ltmp6, $3  }
0x12f: {  	_ =	sdelay $0x1  }
0x130: {  	[hbm4b:s2+s10] =	stream.indirect.scatter [tilespmem:s12], [sflag:$0x2], $0x80, s22, s10, $0xb8;
	[tilespmem:$0x1E310] =	vst v63  }
0x131: {  	s24 =	sadd.s32 $0xFFFFFFFF, s23  }
.LBB2_50:
0x132: {  	p1 =	seq.s32 s24, $0x1  }
.Ltmp7:
0x133: {  	_ = 	snop;
	(pc) =	sbr.rel @!p1 .LBB2_50-.Ltmp7, $3  }
0x134: {  	_ = 	snop  }
0x135: {  	s24 =	sadd.s32 $0xFFFFFFFF, s24;
	s22 =	sadd.s32 $0x140, s22;
	_ =	sdelay $0x1  }
0x136: {  	[hbm4b:s2+s10] =	stream.indirect.scatter [tilespmem:s12], [sflag:$0x2], $0x80, s22, s10, $0xb8;
	[tilespmem:$0x1E310] =	vst v63  }
.LBB2_8:
0x137: {  	s22 =	smulhi.u32 $0x66666667, s21;
	s24 =	sshra.s32 s21, $0x1F  }
0x138: {  	s24 =	smul.u32 $0x66666667, s24;
	_ =	sdelay $0x1  }
0x139: {  	s22 =	sadd.s32 s24, s22  }
0x13a: {  	s24 =	sshrl.u32 s22, $0x1F;
	s22 =	sshra.s32 s22, $0x7  }
0x13b: {  	s22 =	sadd.s32 s24, s22  }
0x13c: {  	s24 =	smul.u32 $0xFFFFFEC0, s22  }
0x13d: {  	s25 =	ssub.s32 $0x0, s21  }
0x13e: {  	p1 =	slt.s32 s21, $0x1;
	p2 =	sne.s32 s24, s25  }
0x13f: {  	p1 =	por !p1, !p2  }
0x140: {  	s21 =	simm.s32 $0x1;
	p1 =	por !p1, !p1  }
0x141: {  	s21 =	simm.s32 @!p1 $0x0  }
0x142: {  	s24 =	ssub.s32 s22, s21  }
0x143: {  	p1 =	sgt.s32 s24, $0x0  }
.Ltmp8:
0x144: {  	_ = 	snop;
	(pc) =	sbr.rel @!p1 .LBB2_11-.Ltmp8, $2  }
0x145: {  	_ =	sdelay $0x2  }
0x146: {  	s21 =	simm.s32 $0x5000  }
0x147: {  	p1 =	sne.s32 s24, $0x1  }
.Ltmp9:
0x148: {  	_ = 	snop;
	(pc) =	sbr.rel @!p1 .LBB2_11-.Ltmp9, $3  }
0x149: {  	_ =	sdelay $0x1  }
0x14a: {  	[hbm4b:s2+s10] =	stream.indirect.scatter [tilespmem:s14], [sflag:$0x2], $0x80, s21, s10, $0xb8;
	[tilespmem:$0x1E310] =	vst v63  }
0x14b: {  	s22 =	sadd.s32 $0xFFFFFFFF, s24  }
.LBB2_10:
0x14c: {  	p1 =	sne.s32 s22, $0x1  }
.Ltmp10:
0x14d: {  	_ = 	snop;
	(pc) =	sbr.rel @p1 .LBB2_10-.Ltmp10, $3  }
0x14e: {  	_ = 	snop  }
0x14f: {  	s22 =	sadd.s32 $0xFFFFFFFF, s22;
	s21 =	sadd.s32 $0x140, s21;
	_ =	sdelay $0x1  }
0x150: {  	[hbm4b:s2+s10] =	stream.indirect.scatter [tilespmem:s14], [sflag:$0x2], $0x80, s21, s10, $0xb8;
	[tilespmem:$0x1E310] =	vst v63  }
.LBB2_11:
0x151: {  	s21 =	ssub.s32 $0x2710, s20;
	s22 =	simm.s32 $0x810  }
0x152: {  	s25 =	simm.s32 $0x301;
	s26 =	simm.s32 $0x1C090;
	s28 =	simm.s32 $0x810  }
.LBB2_12:
0x153: {  	v3 =	vld [tilespmem:s26+$0xFFFFFFC0]  }
0x154: {  	v4 =	vld [tilespmem:s22+$0xFFFFFFC0];
	_ =	sdelay $0x1  }
0x155: {  	s29 =	sld [smem:s25+$0xFFFFFFFC];
	_ =	sdelay $0x2  }
0x156: {  	s30 =	ssub.s32 s28, s29;
	vm0 =	veq.s32 v4, $0x0;
	v55 =	vsub.s32 v2, v3  }
0x157: {  	s30 =	sadd.s32 $0xFFFFFFC0, s30;
	v3 =	vadd.s32 $0xFFFFFFFF, v3;
	v4 =	vnsel vm0, $0x100000, v55  }
0x158: {  	v3 =	vsel vm0, $0x100000, v3;
	v4 =	vadd.s32 s30, v4  }
0x159: {  	v3 =	vadd.s32 s29, v3;
	vm14 =	vlt.s32 v4, $0x2850  }
0x15a: {  	vm15 =	vlt.s32 v3, $0x2850;
	v4 =	vnsel vm14, $0x2850, v4  }
0x15b: {  	v3 =	vnsel vm15, $0x2850, v3  }
0x15c: {  	s29 =	sadd.s32 s28, s7  }
0x15d: {  	s31 =	sadd.s32 $0xFFFFFFC0, s29  }
0x15e: {  	v5 =	vor.u32 s31, v2  }
0x15f: {  	[tilespmem:v4+s16+$0x0] =	vst.idx.msk $0xffff, v5  }
0x160: {  	[tilespmem:v3+s17+$0x0] =	vst.idx.msk $0xffff, v5  }
0x161: {  	v3 =	vld [tilespmem:s26+$0xFFFFFFD0]  }
0x162: {  	v4 =	vld [tilespmem:s22+$0xFFFFFFD0];
	_ =	sdelay $0x1  }
0x163: {  	s30 =	sld [smem:s25+$0xFFFFFFFD];
	_ =	sdelay $0x2  }
0x164: {  	s31 =	ssub.s32 s28, s30;
	vm4 =	veq.s32 v4, $0x0;
	v56 =	vsub.s32 v2, v3  }
0x165: {  	s31 =	sadd.s32 $0xFFFFFFD0, s31;
	v3 =	vadd.s32 $0xFFFFFFFF, v3;
	v4 =	vnsel vm4, $0x100000, v56  }
0x166: {  	v3 =	vsel vm4, $0x100000, v3;
	v4 =	vadd.s32 s31, v4  }
0x167: {  	v3 =	vadd.s32 s30, v3;
	vm5 =	vlt.s32 v4, $0x2850  }
0x168: {  	vm6 =	vlt.s32 v3, $0x2850;
	v4 =	vnsel vm5, $0x2850, v4  }
0x169: {  	v3 =	vnsel vm6, $0x2850, v3;
	_ =	sdelay $0x1  }
0x16a: {  	s31 =	sadd.s32 $0xFFFFFFD0, s29  }
0x16b: {  	v57 =	vor.u32 s31, v2  }
0x16c: {  	[tilespmem:v4+s16+$0x0] =	vst.idx.msk $0xffff, v57  }
0x16d: {  	[tilespmem:v3+s17+$0x0] =	vst.idx.msk $0xffff, v57  }
0x16e: {  	v3 =	vld [tilespmem:s26+$0xFFFFFFE0]  }
0x16f: {  	v4 =	vld [tilespmem:s22+$0xFFFFFFE0];
	_ =	sdelay $0x1  }
0x170: {  	s30 =	sld [smem:s25+$0xFFFFFFFE];
	_ =	sdelay $0x2  }
0x171: {  	s31 =	ssub.s32 s28, s30;
	vm7 =	veq.s32 v4, $0x0;
	v58 =	vsub.s32 v2, v3  }
0x172: {  	s31 =	sadd.s32 $0xFFFFFFE0, s31;
	v3 =	vadd.s32 $0xFFFFFFFF, v3;
	v4 =	vnsel vm7, $0x100000, v58  }
0x173: {  	v3 =	vsel vm7, $0x100000, v3;
	v4 =	vadd.s32 s31, v4  }
0x174: {  	v3 =	vadd.s32 s30, v3;
	vm8 =	vlt.s32 v4, $0x2850  }
0x175: {  	vm9 =	vlt.s32 v3, $0x2850;
	v4 =	vnsel vm8, $0x2850, v4  }
0x176: {  	v3 =	vnsel vm9, $0x2850, v3;
	_ =	sdelay $0x1  }
0x177: {  	s31 =	sadd.s32 $0xFFFFFFE0, s29  }
0x178: {  	v59 =	vor.u32 s31, v2  }
0x179: {  	[tilespmem:v4+s16+$0x0] =	vst.idx.msk $0xffff, v59  }
0x17a: {  	[tilespmem:v3+s17+$0x0] =	vst.idx.msk $0xffff, v59  }
0x17b: {  	v3 =	vld [tilespmem:s26+$0xFFFFFFF0]  }
0x17c: {  	v4 =	vld [tilespmem:s22+$0xFFFFFFF0];
	_ =	sdelay $0x1  }
0x17d: {  	s30 =	sld [smem:s25+$0xFFFFFFFF];
	_ =	sdelay $0x2  }
0x17e: {  	s31 =	ssub.s32 s28, s30;
	vm10 =	veq.s32 v4, $0x0;
	v60 =	vsub.s32 v2, v3  }
0x17f: {  	s31 =	sadd.s32 $0xFFFFFFF0, s31;
	v3 =	vadd.s32 $0xFFFFFFFF, v3;
	v4 =	vnsel vm10, $0x100000, v60  }
0x180: {  	v3 =	vsel vm10, $0x100000, v3;
	v4 =	vadd.s32 s31, v4  }
0x181: {  	v3 =	vadd.s32 s30, v3;
	vm11 =	vlt.s32 v4, $0x2850  }
0x182: {  	vm12 =	vlt.s32 v3, $0x2850;
	v4 =	vnsel vm11, $0x2850, v4  }
0x183: {  	v3 =	vnsel vm12, $0x2850, v3;
	_ =	sdelay $0x1  }
0x184: {  	s31 =	sadd.s32 $0xFFFFFFF0, s29  }
0x185: {  	v61 =	vor.u32 s31, v2  }
0x186: {  	[tilespmem:v4+s16+$0x0] =	vst.idx.msk $0xffff, v61  }
0x187: {  	[tilespmem:v3+s17+$0x0] =	vst.idx.msk $0xffff, v61  }
0x188: {  	v3 =	vld [tilespmem:s26+$0x0]  }
0x189: {  	v4 =	vld [tilespmem:s22+$0x0];
	_ =	sdelay $0x2  }
0x18a: {  	s30 =	sld [smem:s25+$0x0];
	_ =	sdelay $0x1  }
0x18b: {  	vm13 =	veq.s32 v4, $0x0;
	v62 =	vsub.s32 v2, v3  }
0x18c: {  	s31 =	ssub.s32 s28, s30;
	v3 =	vadd.s32 $0xFFFFFFFF, v3;
	v4 =	vnsel vm13, $0x100000, v62  }
0x18d: {  	v3 =	vsel vm13, $0x100000, v3;
	v4 =	vadd.s32 s31, v4  }
0x18e: {  	v3 =	vadd.s32 s30, v3;
	vm14 =	vlt.s32 v4, $0x2850  }
0x18f: {  	vm15 =	vlt.s32 v3, $0x2850;
	v4 =	vnsel vm14, $0x2850, v4  }
0x190: {  	p1 =	sne.s32 s28, $0xF90;
	v3 =	vnsel vm15, $0x2850, v3  }
.Ltmp11:
0x191: {  	_ = 	snop;
	(pc) =	sbr.rel @p1 .LBB2_12-.Ltmp11, $4  }
0x192: {  	_ = 	snop  }
0x193: {  	v63 =	vor.u32 s29, v2  }
0x194: {  	s25 =	sadd.s32 $0x5, s25;
	[tilespmem:v4+s16+$0x0] =	vst.idx.msk $0xffff, v63  }
0x195: {  	s28 =	sadd.s32 $0x50, s28;
	s22 =	sadd.s32 $0x50, s22;
	s26 =	sadd.s32 $0x50, s26;
	[tilespmem:v3+s17+$0x0] =	vst.idx.msk $0xffff, v63  }
0x196: {  	s25 =	sld [smem:$0x37A];
	_ =	sdelay $0x2  }
0x197: {  	s22 =	ssub.s32 $0xFA0, s25  }
0x198: {  	s26 =	smulhi.u32 $0x66666667, s22;
	s22 =	sshra.s32 s22, $0x1F  }
0x199: {  	s28 =	smul.u32 $0x66666667, s22;
	_ =	sdelay $0x1  }
0x19a: {  	s26 =	sadd.s32 s28, s26  }
0x19b: {  	s28 =	sshrl.u32 s26, $0x1F;
	s26 =	sshra.s32 s26, $0x7  }
0x19c: {  	p1 =	sne.s32 s25, $0xFA0;
	s26 =	sadd.s32 s28, s26;
	s28 =	simm.s32 $0x1  }
0x19d: {  	s28 =	simm.s32 @!p1 $0x0;
	s29 =	smul.u32 $0xFFFFFEC0, s26  }
0x19e: {  	s31 =	sadd.s32 $0xFFFFF060, s25;
	s22 =	sor.u32 s28, s22  }
0x19f: {  	p6 =	sne.s32 s22, $0x1;
	p2 =	sne.s32 s29, s31  }
0x1a0: {  	p1 =	por !p2, !p6  }
0x1a1: {  	s22 =	simm.s32 $0x1;
	p1 =	por !p1, !p1  }
0x1a2: {  	s22 =	simm.s32 @!p1 $0x0  }
0x1a3: {  	s22 =	ssub.s32 s26, s22  }
0x1a4: {  	p1 =	sge.s32 s23, s22  }
.Ltmp12:
0x1a5: {  	_ = 	snop;
	(pc) =	sbr.rel @p1 .LBB2_16-.Ltmp12, $1  }
0x1a6: {  	_ =	sdelay $0x3  }
0x1a7: {  	s26 =	smul.u32 $0x500, s23;
	s23 =	sadd.s32 $0x1, s23  }
0x1a8: {  	p1 =	slt.s32 s23, s22  }
.Ltmp13:
0x1a9: {  	_ = 	snop;
	(pc) =	sbr.rel @!p1 .LBB2_16-.Ltmp13, $4  }
0x1aa: {  	_ = 	snop  }
0x1ab: {  	s26 =	sshra.s32 s26, $0x2  }
0x1ac: {  	s26 =	sadd.s32 $0x2780, s26  }
0x1ad: {  	[hbm4b:s2+s10] =	stream.indirect.scatter [tilespmem:s12], [sflag:$0x2], $0x80, s26, s10, $0xb8;
	[tilespmem:$0x1E310] =	vst v63  }
.LBB2_15:
0x1ae: {  	s23 =	sadd.s32 $0x1, s23  }
0x1af: {  	p1 =	slt.s32 s23, s22  }
.Ltmp14:
0x1b0: {  	_ = 	snop;
	(pc) =	sbr.rel @p1 .LBB2_15-.Ltmp14, $3  }
0x1b1: {  	_ = 	snop  }
0x1b2: {  	s26 =	sadd.s32 $0x140, s26;
	_ =	sdelay $0x1  }
0x1b3: {  	[hbm4b:s2+s10] =	stream.indirect.scatter [tilespmem:s12], [sflag:$0x2], $0x80, s26, s10, $0xb8;
	[tilespmem:$0x1E310] =	vst v63  }
.LBB2_16:
0x1b4: {  	s23 =	smulhi.u32 $0x66666667, s25;
	s26 =	sshra.s32 s25, $0x1F  }
0x1b5: {  	s26 =	smul.u32 $0x66666667, s26;
	_ =	sdelay $0x1  }
0x1b6: {  	s23 =	sadd.s32 s26, s23  }
0x1b7: {  	s26 =	sshrl.u32 s23, $0x1F;
	s23 =	sshra.s32 s23, $0x7  }
0x1b8: {  	s23 =	sadd.s32 s26, s23  }
0x1b9: {  	s26 =	smul.u32 $0xFFFFFEC0, s23  }
0x1ba: {  	s28 =	ssub.s32 $0x0, s25  }
0x1bb: {  	p1 =	slt.s32 s25, $0x1;
	p2 =	sne.s32 s26, s28  }
0x1bc: {  	p1 =	por !p1, !p2  }
0x1bd: {  	s25 =	simm.s32 $0x1;
	p1 =	por !p1, !p1  }
0x1be: {  	s25 =	simm.s32 @!p1 $0x0  }
0x1bf: {  	s23 =	ssub.s32 s23, s25  }
0x1c0: {  	p1 =	sge.s32 s24, s23  }
.Ltmp15:
0x1c1: {  	_ = 	snop;
	(pc) =	sbr.rel @p1 .LBB2_19-.Ltmp15, $1  }
0x1c2: {  	_ =	sdelay $0x3  }
0x1c3: {  	s25 =	smul.u32 $0x500, s24;
	s24 =	sadd.s32 $0x1, s24  }
0x1c4: {  	p1 =	slt.s32 s24, s23  }
.Ltmp16:
0x1c5: {  	_ = 	snop;
	(pc) =	sbr.rel @!p1 .LBB2_19-.Ltmp16, $4  }
0x1c6: {  	_ = 	snop  }
0x1c7: {  	s25 =	sshra.s32 s25, $0x2  }
0x1c8: {  	s25 =	sadd.s32 $0x5000, s25  }
0x1c9: {  	[hbm4b:s2+s10] =	stream.indirect.scatter [tilespmem:s14], [sflag:$0x2], $0x80, s25, s10, $0xb8;
	[tilespmem:$0x1E310] =	vst v63  }
.LBB2_18:
0x1ca: {  	s24 =	sadd.s32 $0x1, s24  }
0x1cb: {  	p1 =	slt.s32 s24, s23  }
.Ltmp17:
0x1cc: {  	_ = 	snop;
	(pc) =	sbr.rel @p1 .LBB2_18-.Ltmp17, $3  }
0x1cd: {  	_ = 	snop  }
0x1ce: {  	s25 =	sadd.s32 $0x140, s25;
	_ =	sdelay $0x1  }
0x1cf: {  	[hbm4b:s2+s10] =	stream.indirect.scatter [tilespmem:s14], [sflag:$0x2], $0x80, s25, s10, $0xb8;
	[tilespmem:$0x1E310] =	vst v63  }
.LBB2_19:
0x1d0: {  	s24 =	simm.s32 $0xFE0  }
0x1d1: {  	s25 =	simm.s32 $0x37E;
	s26 =	simm.s32 $0x1C860;
	s28 =	simm.s32 $0xFE0  }
.LBB2_20:
0x1d2: {  	v3 =	vld [tilespmem:s26+$0xFFFFFFC0]  }
0x1d3: {  	v4 =	vld [tilespmem:s24+$0xFFFFFFC0];
	_ =	sdelay $0x1  }
0x1d4: {  	s29 =	sld [smem:s25+$0xFFFFFFFC];
	_ =	sdelay $0x2  }
0x1d5: {  	s30 =	ssub.s32 s28, s29;
	vm0 =	veq.s32 v4, $0x0;
	v55 =	vsub.s32 v2, v3  }
0x1d6: {  	s30 =	sadd.s32 $0xFFFFFFC0, s30;
	v3 =	vadd.s32 $0xFFFFFFFF, v3;
	v4 =	vnsel vm0, $0x100000, v55  }
0x1d7: {  	v3 =	vsel vm0, $0x100000, v3;
	v4 =	vadd.s32 s30, v4  }
0x1d8: {  	v3 =	vadd.s32 s29, v3;
	vm14 =	vlt.s32 v4, $0x2850  }
0x1d9: {  	vm15 =	vlt.s32 v3, $0x2850;
	v4 =	vnsel vm14, $0x2850, v4  }
0x1da: {  	v3 =	vnsel vm15, $0x2850, v3  }
0x1db: {  	s29 =	sadd.s32 s28, s7  }
0x1dc: {  	s31 =	sadd.s32 $0xFFFFFFC0, s29  }
0x1dd: {  	v5 =	vor.u32 s31, v2  }
0x1de: {  	[tilespmem:v4+s16+$0x0] =	vst.idx.msk $0xffff, v5  }
0x1df: {  	[tilespmem:v3+s17+$0x0] =	vst.idx.msk $0xffff, v5  }
0x1e0: {  	v3 =	vld [tilespmem:s26+$0xFFFFFFD0]  }
0x1e1: {  	v4 =	vld [tilespmem:s24+$0xFFFFFFD0];
	_ =	sdelay $0x1  }
0x1e2: {  	s30 =	sld [smem:s25+$0xFFFFFFFD];
	_ =	sdelay $0x2  }
0x1e3: {  	s31 =	ssub.s32 s28, s30;
	vm4 =	veq.s32 v4, $0x0;
	v56 =	vsub.s32 v2, v3  }
0x1e4: {  	s31 =	sadd.s32 $0xFFFFFFD0, s31;
	v3 =	vadd.s32 $0xFFFFFFFF, v3;
	v4 =	vnsel vm4, $0x100000, v56  }
0x1e5: {  	v3 =	vsel vm4, $0x100000, v3;
	v4 =	vadd.s32 s31, v4  }
0x1e6: {  	v3 =	vadd.s32 s30, v3;
	vm5 =	vlt.s32 v4, $0x2850  }
0x1e7: {  	vm6 =	vlt.s32 v3, $0x2850;
	v4 =	vnsel vm5, $0x2850, v4  }
0x1e8: {  	v3 =	vnsel vm6, $0x2850, v3;
	_ =	sdelay $0x1  }
0x1e9: {  	s31 =	sadd.s32 $0xFFFFFFD0, s29  }
0x1ea: {  	v57 =	vor.u32 s31, v2  }
0x1eb: {  	[tilespmem:v4+s16+$0x0] =	vst.idx.msk $0xffff, v57  }
0x1ec: {  	[tilespmem:v3+s17+$0x0] =	vst.idx.msk $0xffff, v57  }
0x1ed: {  	v3 =	vld [tilespmem:s26+$0xFFFFFFE0]  }
0x1ee: {  	v4 =	vld [tilespmem:s24+$0xFFFFFFE0];
	_ =	sdelay $0x1  }
0x1ef: {  	s30 =	sld [smem:s25+$0xFFFFFFFE];
	_ =	sdelay $0x2  }
0x1f0: {  	s31 =	ssub.s32 s28, s30;
	vm7 =	veq.s32 v4, $0x0;
	v58 =	vsub.s32 v2, v3  }
0x1f1: {  	s31 =	sadd.s32 $0xFFFFFFE0, s31;
	v3 =	vadd.s32 $0xFFFFFFFF, v3;
	v4 =	vnsel vm7, $0x100000, v58  }
0x1f2: {  	v3 =	vsel vm7, $0x100000, v3;
	v4 =	vadd.s32 s31, v4  }
0x1f3: {  	v3 =	vadd.s32 s30, v3;
	vm8 =	vlt.s32 v4, $0x2850  }
0x1f4: {  	vm9 =	vlt.s32 v3, $0x2850;
	v4 =	vnsel vm8, $0x2850, v4  }
0x1f5: {  	v3 =	vnsel vm9, $0x2850, v3;
	_ =	sdelay $0x1  }
0x1f6: {  	s31 =	sadd.s32 $0xFFFFFFE0, s29  }
0x1f7: {  	v59 =	vor.u32 s31, v2  }
0x1f8: {  	[tilespmem:v4+s16+$0x0] =	vst.idx.msk $0xffff, v59  }
0x1f9: {  	[tilespmem:v3+s17+$0x0] =	vst.idx.msk $0xffff, v59  }
0x1fa: {  	v3 =	vld [tilespmem:s26+$0xFFFFFFF0]  }
0x1fb: {  	v4 =	vld [tilespmem:s24+$0xFFFFFFF0];
	_ =	sdelay $0x1  }
0x1fc: {  	s30 =	sld [smem:s25+$0xFFFFFFFF];
	_ =	sdelay $0x2  }
0x1fd: {  	s31 =	ssub.s32 s28, s30;
	vm10 =	veq.s32 v4, $0x0;
	v60 =	vsub.s32 v2, v3  }
0x1fe: {  	s31 =	sadd.s32 $0xFFFFFFF0, s31;
	v3 =	vadd.s32 $0xFFFFFFFF, v3;
	v4 =	vnsel vm10, $0x100000, v60  }
0x1ff: {  	v3 =	vsel vm10, $0x100000, v3;
	v4 =	vadd.s32 s31, v4  }
0x200: {  	v3 =	vadd.s32 s30, v3;
	vm11 =	vlt.s32 v4, $0x2850  }
0x201: {  	vm12 =	vlt.s32 v3, $0x2850;
	v4 =	vnsel vm11, $0x2850, v4  }
0x202: {  	v3 =	vnsel vm12, $0x2850, v3;
	_ =	sdelay $0x1  }
0x203: {  	s31 =	sadd.s32 $0xFFFFFFF0, s29  }
0x204: {  	v61 =	vor.u32 s31, v2  }
0x205: {  	[tilespmem:v4+s16+$0x0] =	vst.idx.msk $0xffff, v61  }
0x206: {  	[tilespmem:v3+s17+$0x0] =	vst.idx.msk $0xffff, v61  }
0x207: {  	v3 =	vld [tilespmem:s26+$0x0]  }
0x208: {  	v4 =	vld [tilespmem:s24+$0x0];
	_ =	sdelay $0x2  }
0x209: {  	s30 =	sld [smem:s25+$0x0];
	_ =	sdelay $0x1  }
0x20a: {  	vm13 =	veq.s32 v4, $0x0;
	v62 =	vsub.s32 v2, v3  }
0x20b: {  	s31 =	ssub.s32 s28, s30;
	v3 =	vadd.s32 $0xFFFFFFFF, v3;
	v4 =	vnsel vm13, $0x100000, v62  }
0x20c: {  	v3 =	vsel vm13, $0x100000, v3;
	v4 =	vadd.s32 s31, v4  }
0x20d: {  	v3 =	vadd.s32 s30, v3;
	vm14 =	vlt.s32 v4, $0x2850  }
0x20e: {  	vm15 =	vlt.s32 v3, $0x2850;
	v4 =	vnsel vm14, $0x2850, v4  }
0x20f: {  	p1 =	sne.s32 s28, $0x1760;
	v3 =	vnsel vm15, $0x2850, v3  }
.Ltmp18:
0x210: {  	_ = 	snop;
	(pc) =	sbr.rel @p1 .LBB2_20-.Ltmp18, $4  }
0x211: {  	_ = 	snop  }
0x212: {  	v63 =	vor.u32 s29, v2  }
0x213: {  	s25 =	sadd.s32 $0x5, s25;
	[tilespmem:v4+s16+$0x0] =	vst.idx.msk $0xffff, v63  }
0x214: {  	s28 =	sadd.s32 $0x50, s28;
	s24 =	sadd.s32 $0x50, s24;
	s26 =	sadd.s32 $0x50, s26;
	[tilespmem:v3+s17+$0x0] =	vst.idx.msk $0xffff, v63  }
0x215: {  	s25 =	sld [smem:$0x3F7];
	_ =	sdelay $0x2  }
0x216: {  	s24 =	ssub.s32 $0x1770, s25  }
0x217: {  	s26 =	smulhi.u32 $0x66666667, s24;
	s24 =	sshra.s32 s24, $0x1F  }
0x218: {  	s28 =	smul.u32 $0x66666667, s24;
	_ =	sdelay $0x1  }
0x219: {  	s26 =	sadd.s32 s28, s26  }
0x21a: {  	s28 =	sshrl.u32 s26, $0x1F;
	s26 =	sshra.s32 s26, $0x7  }
0x21b: {  	p1 =	sne.s32 s25, $0x1770;
	s26 =	sadd.s32 s28, s26;
	s28 =	simm.s32 $0x1  }
0x21c: {  	s28 =	simm.s32 @!p1 $0x0;
	s29 =	smul.u32 $0xFFFFFEC0, s26  }
0x21d: {  	s31 =	sadd.s32 $0xFFFFE890, s25;
	s24 =	sor.u32 s28, s24  }
0x21e: {  	p6 =	sne.s32 s24, $0x1;
	p2 =	sne.s32 s29, s31  }
0x21f: {  	p1 =	por !p2, !p6  }
0x220: {  	s24 =	simm.s32 $0x1;
	p1 =	por !p1, !p1  }
0x221: {  	s24 =	simm.s32 @!p1 $0x0  }
0x222: {  	s24 =	ssub.s32 s26, s24  }
0x223: {  	p1 =	sge.s32 s22, s24  }
.Ltmp19:
0x224: {  	_ = 	snop;
	(pc) =	sbr.rel @p1 .LBB2_24-.Ltmp19, $1  }
0x225: {  	_ =	sdelay $0x3  }
0x226: {  	s26 =	smul.u32 $0x500, s22;
	s22 =	sadd.s32 $0x1, s22  }
0x227: {  	p1 =	slt.s32 s22, s24  }
.Ltmp20:
0x228: {  	_ = 	snop;
	(pc) =	sbr.rel @!p1 .LBB2_24-.Ltmp20, $4  }
0x229: {  	_ = 	snop  }
0x22a: {  	s26 =	sshra.s32 s26, $0x2  }
0x22b: {  	s26 =	sadd.s32 $0x2780, s26  }
0x22c: {  	[hbm4b:s2+s10] =	stream.indirect.scatter [tilespmem:s12], [sflag:$0x2], $0x80, s26, s10, $0xb8;
	[tilespmem:$0x1E310] =	vst v63  }
.LBB2_23:
0x22d: {  	s22 =	sadd.s32 $0x1, s22  }
0x22e: {  	p1 =	slt.s32 s22, s24  }
.Ltmp21:
0x22f: {  	_ = 	snop;
	(pc) =	sbr.rel @p1 .LBB2_23-.Ltmp21, $3  }
0x230: {  	_ = 	snop  }
0x231: {  	s26 =	sadd.s32 $0x140, s26;
	_ =	sdelay $0x1  }
0x232: {  	[hbm4b:s2+s10] =	stream.indirect.scatter [tilespmem:s12], [sflag:$0x2], $0x80, s26, s10, $0xb8;
	[tilespmem:$0x1E310] =	vst v63  }
.LBB2_24:
0x233: {  	s22 =	smulhi.u32 $0x66666667, s25;
	s26 =	sshra.s32 s25, $0x1F  }
0x234: {  	s26 =	smul.u32 $0x66666667, s26;
	_ =	sdelay $0x1  }
0x235: {  	s22 =	sadd.s32 s26, s22  }
0x236: {  	s26 =	sshrl.u32 s22, $0x1F;
	s22 =	sshra.s32 s22, $0x7  }
0x237: {  	s22 =	sadd.s32 s26, s22  }
0x238: {  	s26 =	smul.u32 $0xFFFFFEC0, s22  }
0x239: {  	s28 =	ssub.s32 $0x0, s25  }
0x23a: {  	p1 =	slt.s32 s25, $0x1;
	p2 =	sne.s32 s26, s28  }
0x23b: {  	p1 =	por !p1, !p2  }
0x23c: {  	s25 =	simm.s32 $0x1;
	p1 =	por !p1, !p1  }
0x23d: {  	s25 =	simm.s32 @!p1 $0x0  }
0x23e: {  	s25 =	ssub.s32 s22, s25  }
0x23f: {  	p1 =	sge.s32 s23, s25  }
.Ltmp22:
0x240: {  	_ = 	snop;
	(pc) =	sbr.rel @p1 .LBB2_27-.Ltmp22, $1  }
0x241: {  	_ =	sdelay $0x3  }
0x242: {  	s22 =	smul.u32 $0x500, s23;
	s23 =	sadd.s32 $0x1, s23  }
0x243: {  	p1 =	slt.s32 s23, s25  }
.Ltmp23:
0x244: {  	_ = 	snop;
	(pc) =	sbr.rel @!p1 .LBB2_27-.Ltmp23, $4  }
0x245: {  	_ = 	snop  }
0x246: {  	s22 =	sshra.s32 s22, $0x2  }
0x247: {  	s22 =	sadd.s32 $0x5000, s22  }
0x248: {  	[hbm4b:s2+s10] =	stream.indirect.scatter [tilespmem:s14], [sflag:$0x2], $0x80, s22, s10, $0xb8;
	[tilespmem:$0x1E310] =	vst v63  }
.LBB2_26:
0x249: {  	s23 =	sadd.s32 $0x1, s23  }
0x24a: {  	p1 =	slt.s32 s23, s25  }
.Ltmp24:
0x24b: {  	_ = 	snop;
	(pc) =	sbr.rel @p1 .LBB2_26-.Ltmp24, $3  }
0x24c: {  	_ = 	snop  }
0x24d: {  	s22 =	sadd.s32 $0x140, s22;
	_ =	sdelay $0x1  }
0x24e: {  	[hbm4b:s2+s10] =	stream.indirect.scatter [tilespmem:s14], [sflag:$0x2], $0x80, s22, s10, $0xb8;
	[tilespmem:$0x1E310] =	vst v63  }
.LBB2_27:
0x24f: {  	s22 =	simm.s32 $0x17B0  }
0x250: {  	s23 =	simm.s32 $0x3FB;
	s26 =	simm.s32 $0x1D030;
	s28 =	simm.s32 $0x17B0  }
.LBB2_28:
0x251: {  	v3 =	vld [tilespmem:s26+$0xFFFFFFC0]  }
0x252: {  	v4 =	vld [tilespmem:s22+$0xFFFFFFC0];
	_ =	sdelay $0x1  }
0x253: {  	s29 =	sld [smem:s23+$0xFFFFFFFC];
	_ =	sdelay $0x2  }
0x254: {  	s30 =	ssub.s32 s28, s29;
	vm0 =	veq.s32 v4, $0x0;
	v55 =	vsub.s32 v2, v3  }
0x255: {  	s30 =	sadd.s32 $0xFFFFFFC0, s30;
	v3 =	vadd.s32 $0xFFFFFFFF, v3;
	v4 =	vnsel vm0, $0x100000, v55  }
0x256: {  	v3 =	vsel vm0, $0x100000, v3;
	v4 =	vadd.s32 s30, v4  }
0x257: {  	v3 =	vadd.s32 s29, v3;
	vm14 =	vlt.s32 v4, $0x2850  }
0x258: {  	vm15 =	vlt.s32 v3, $0x2850;
	v4 =	vnsel vm14, $0x2850, v4  }
0x259: {  	v3 =	vnsel vm15, $0x2850, v3  }
0x25a: {  	s29 =	sadd.s32 s28, s7  }
0x25b: {  	s31 =	sadd.s32 $0xFFFFFFC0, s29  }
0x25c: {  	v5 =	vor.u32 s31, v2  }
0x25d: {  	[tilespmem:v4+s16+$0x0] =	vst.idx.msk $0xffff, v5  }
0x25e: {  	[tilespmem:v3+s17+$0x0] =	vst.idx.msk $0xffff, v5  }
0x25f: {  	v3 =	vld [tilespmem:s26+$0xFFFFFFD0]  }
0x260: {  	v4 =	vld [tilespmem:s22+$0xFFFFFFD0];
	_ =	sdelay $0x1  }
0x261: {  	s30 =	sld [smem:s23+$0xFFFFFFFD];
	_ =	sdelay $0x2  }
0x262: {  	s31 =	ssub.s32 s28, s30;
	vm4 =	veq.s32 v4, $0x0;
	v56 =	vsub.s32 v2, v3  }
0x263: {  	s31 =	sadd.s32 $0xFFFFFFD0, s31;
	v3 =	vadd.s32 $0xFFFFFFFF, v3;
	v4 =	vnsel vm4, $0x100000, v56  }
0x264: {  	v3 =	vsel vm4, $0x100000, v3;
	v4 =	vadd.s32 s31, v4  }
0x265: {  	v3 =	vadd.s32 s30, v3;
	vm5 =	vlt.s32 v4, $0x2850  }
0x266: {  	vm6 =	vlt.s32 v3, $0x2850;
	v4 =	vnsel vm5, $0x2850, v4  }
0x267: {  	v3 =	vnsel vm6, $0x2850, v3;
	_ =	sdelay $0x1  }
0x268: {  	s31 =	sadd.s32 $0xFFFFFFD0, s29  }
0x269: {  	v57 =	vor.u32 s31, v2  }
0x26a: {  	[tilespmem:v4+s16+$0x0] =	vst.idx.msk $0xffff, v57  }
0x26b: {  	[tilespmem:v3+s17+$0x0] =	vst.idx.msk $0xffff, v57  }
0x26c: {  	v3 =	vld [tilespmem:s26+$0xFFFFFFE0]  }
0x26d: {  	v4 =	vld [tilespmem:s22+$0xFFFFFFE0];
	_ =	sdelay $0x1  }
0x26e: {  	s30 =	sld [smem:s23+$0xFFFFFFFE];
	_ =	sdelay $0x2  }
0x26f: {  	s31 =	ssub.s32 s28, s30;
	vm7 =	veq.s32 v4, $0x0;
	v58 =	vsub.s32 v2, v3  }
0x270: {  	s31 =	sadd.s32 $0xFFFFFFE0, s31;
	v3 =	vadd.s32 $0xFFFFFFFF, v3;
	v4 =	vnsel vm7, $0x100000, v58  }
0x271: {  	v3 =	vsel vm7, $0x100000, v3;
	v4 =	vadd.s32 s31, v4  }
0x272: {  	v3 =	vadd.s32 s30, v3;
	vm8 =	vlt.s32 v4, $0x2850  }
0x273: {  	vm9 =	vlt.s32 v3, $0x2850;
	v4 =	vnsel vm8, $0x2850, v4  }
0x274: {  	v3 =	vnsel vm9, $0x2850, v3;
	_ =	sdelay $0x1  }
0x275: {  	s31 =	sadd.s32 $0xFFFFFFE0, s29  }
0x276: {  	v59 =	vor.u32 s31, v2  }
0x277: {  	[tilespmem:v4+s16+$0x0] =	vst.idx.msk $0xffff, v59  }
0x278: {  	[tilespmem:v3+s17+$0x0] =	vst.idx.msk $0xffff, v59  }
0x279: {  	v3 =	vld [tilespmem:s26+$0xFFFFFFF0]  }
0x27a: {  	v4 =	vld [tilespmem:s22+$0xFFFFFFF0];
	_ =	sdelay $0x1  }
0x27b: {  	s30 =	sld [smem:s23+$0xFFFFFFFF];
	_ =	sdelay $0x2  }
0x27c: {  	s31 =	ssub.s32 s28, s30;
	vm10 =	veq.s32 v4, $0x0;
	v60 =	vsub.s32 v2, v3  }
0x27d: {  	s31 =	sadd.s32 $0xFFFFFFF0, s31;
	v3 =	vadd.s32 $0xFFFFFFFF, v3;
	v4 =	vnsel vm10, $0x100000, v60  }
0x27e: {  	v3 =	vsel vm10, $0x100000, v3;
	v4 =	vadd.s32 s31, v4  }
0x27f: {  	v3 =	vadd.s32 s30, v3;
	vm11 =	vlt.s32 v4, $0x2850  }
0x280: {  	vm12 =	vlt.s32 v3, $0x2850;
	v4 =	vnsel vm11, $0x2850, v4  }
0x281: {  	v3 =	vnsel vm12, $0x2850, v3;
	_ =	sdelay $0x1  }
0x282: {  	s31 =	sadd.s32 $0xFFFFFFF0, s29  }
0x283: {  	v61 =	vor.u32 s31, v2  }
0x284: {  	[tilespmem:v4+s16+$0x0] =	vst.idx.msk $0xffff, v61  }
0x285: {  	[tilespmem:v3+s17+$0x0] =	vst.idx.msk $0xffff, v61  }
0x286: {  	v3 =	vld [tilespmem:s26+$0x0]  }
0x287: {  	v4 =	vld [tilespmem:s22+$0x0];
	_ =	sdelay $0x2  }
0x288: {  	s30 =	sld [smem:s23+$0x0];
	_ =	sdelay $0x1  }
0x289: {  	vm13 =	veq.s32 v4, $0x0;
	v62 =	vsub.s32 v2, v3  }
0x28a: {  	s31 =	ssub.s32 s28, s30;
	v3 =	vadd.s32 $0xFFFFFFFF, v3;
	v4 =	vnsel vm13, $0x100000, v62  }
0x28b: {  	v3 =	vsel vm13, $0x100000, v3;
	v4 =	vadd.s32 s31, v4  }
0x28c: {  	v3 =	vadd.s32 s30, v3;
	vm14 =	vlt.s32 v4, $0x2850  }
0x28d: {  	vm15 =	vlt.s32 v3, $0x2850;
	v4 =	vnsel vm14, $0x2850, v4  }
0x28e: {  	p1 =	sne.s32 s28, $0x1F30;
	v3 =	vnsel vm15, $0x2850, v3  }
.Ltmp25:
0x28f: {  	_ = 	snop;
	(pc) =	sbr.rel @p1 .LBB2_28-.Ltmp25, $4  }
0x290: {  	_ = 	snop  }
0x291: {  	v63 =	vor.u32 s29, v2  }
0x292: {  	s23 =	sadd.s32 $0x5, s23;
	[tilespmem:v4+s16+$0x0] =	vst.idx.msk $0xffff, v63  }
0x293: {  	s28 =	sadd.s32 $0x50, s28;
	s22 =	sadd.s32 $0x50, s22;
	s26 =	sadd.s32 $0x50, s26;
	[tilespmem:v3+s17+$0x0] =	vst.idx.msk $0xffff, v63  }
0x294: {  	s22 =	sld [smem:$0x474];
	_ =	sdelay $0x2  }
0x295: {  	s23 =	ssub.s32 $0x1F40, s22  }
0x296: {  	s26 =	smulhi.u32 $0x66666667, s23;
	s23 =	sshra.s32 s23, $0x1F  }
0x297: {  	s28 =	smul.u32 $0x66666667, s23;
	_ =	sdelay $0x1  }
0x298: {  	s26 =	sadd.s32 s28, s26  }
0x299: {  	s28 =	sshrl.u32 s26, $0x1F;
	s26 =	sshra.s32 s26, $0x7  }
0x29a: {  	p1 =	sne.s32 s22, $0x1F40;
	s26 =	sadd.s32 s28, s26;
	s28 =	simm.s32 $0x1  }
0x29b: {  	s28 =	simm.s32 @!p1 $0x0;
	s29 =	smul.u32 $0xFFFFFEC0, s26  }
0x29c: {  	s31 =	sadd.s32 $0xFFFFE0C0, s22;
	s23 =	sor.u32 s28, s23  }
0x29d: {  	p6 =	sne.s32 s23, $0x1;
	p2 =	sne.s32 s29, s31  }
0x29e: {  	p1 =	por !p2, !p6  }
0x29f: {  	s23 =	simm.s32 $0x1;
	p1 =	por !p1, !p1  }
0x2a0: {  	s23 =	simm.s32 @!p1 $0x0  }
0x2a1: {  	s23 =	ssub.s32 s26, s23  }
0x2a2: {  	p1 =	sge.s32 s24, s23  }
.Ltmp26:
0x2a3: {  	_ = 	snop;
	(pc) =	sbr.rel @p1 .LBB2_32-.Ltmp26, $1  }
0x2a4: {  	_ =	sdelay $0x3  }
0x2a5: {  	s26 =	smul.u32 $0x500, s24;
	s24 =	sadd.s32 $0x1, s24  }
0x2a6: {  	p1 =	slt.s32 s24, s23  }
.Ltmp27:
0x2a7: {  	_ = 	snop;
	(pc) =	sbr.rel @!p1 .LBB2_32-.Ltmp27, $4  }
0x2a8: {  	_ = 	snop  }
0x2a9: {  	s26 =	sshra.s32 s26, $0x2  }
0x2aa: {  	s26 =	sadd.s32 $0x2780, s26  }
0x2ab: {  	[hbm4b:s2+s10] =	stream.indirect.scatter [tilespmem:s12], [sflag:$0x2], $0x80, s26, s10, $0xb8;
	[tilespmem:$0x1E310] =	vst v63  }
.LBB2_31:
0x2ac: {  	s24 =	sadd.s32 $0x1, s24  }
0x2ad: {  	p1 =	slt.s32 s24, s23  }
.Ltmp28:
0x2ae: {  	_ = 	snop;
	(pc) =	sbr.rel @p1 .LBB2_31-.Ltmp28, $3  }
0x2af: {  	_ = 	snop  }
0x2b0: {  	s26 =	sadd.s32 $0x140, s26;
	_ =	sdelay $0x1  }
0x2b1: {  	[hbm4b:s2+s10] =	stream.indirect.scatter [tilespmem:s12], [sflag:$0x2], $0x80, s26, s10, $0xb8;
	[tilespmem:$0x1E310] =	vst v63  }
.LBB2_32:
0x2b2: {  	s24 =	smulhi.u32 $0x66666667, s22;
	s26 =	sshra.s32 s22, $0x1F  }
0x2b3: {  	s26 =	smul.u32 $0x66666667, s26;
	_ =	sdelay $0x1  }
0x2b4: {  	s24 =	sadd.s32 s26, s24  }
0x2b5: {  	s26 =	sshrl.u32 s24, $0x1F;
	s24 =	sshra.s32 s24, $0x7  }
0x2b6: {  	s24 =	sadd.s32 s26, s24  }
0x2b7: {  	s26 =	smul.u32 $0xFFFFFEC0, s24  }
0x2b8: {  	s28 =	ssub.s32 $0x0, s22  }
0x2b9: {  	p1 =	slt.s32 s22, $0x1;
	p2 =	sne.s32 s26, s28  }
0x2ba: {  	p1 =	por !p1, !p2  }
0x2bb: {  	s22 =	simm.s32 $0x1;
	p1 =	por !p1, !p1  }
0x2bc: {  	s22 =	simm.s32 @!p1 $0x0  }
0x2bd: {  	s22 =	ssub.s32 s24, s22  }
0x2be: {  	p1 =	sge.s32 s25, s22  }
.Ltmp29:
0x2bf: {  	_ = 	snop;
	(pc) =	sbr.rel @p1 .LBB2_35-.Ltmp29, $1  }
0x2c0: {  	_ =	sdelay $0x3  }
0x2c1: {  	s24 =	smul.u32 $0x500, s25;
	s25 =	sadd.s32 $0x1, s25  }
0x2c2: {  	p1 =	slt.s32 s25, s22  }
.Ltmp30:
0x2c3: {  	_ = 	snop;
	(pc) =	sbr.rel @!p1 .LBB2_35-.Ltmp30, $4  }
0x2c4: {  	_ = 	snop  }
0x2c5: {  	s24 =	sshra.s32 s24, $0x2  }
0x2c6: {  	s24 =	sadd.s32 $0x5000, s24  }
0x2c7: {  	[hbm4b:s2+s10] =	stream.indirect.scatter [tilespmem:s14], [sflag:$0x2], $0x80, s24, s10, $0xb8;
	[tilespmem:$0x1E310] =	vst v63  }
.LBB2_34:
0x2c8: {  	s25 =	sadd.s32 $0x1, s25  }
0x2c9: {  	p1 =	slt.s32 s25, s22  }
.Ltmp31:
0x2ca: {  	_ = 	snop;
	(pc) =	sbr.rel @p1 .LBB2_34-.Ltmp31, $3  }
0x2cb: {  	_ = 	snop  }
0x2cc: {  	s24 =	sadd.s32 $0x140, s24;
	_ =	sdelay $0x1  }
0x2cd: {  	[hbm4b:s2+s10] =	stream.indirect.scatter [tilespmem:s14], [sflag:$0x2], $0x80, s24, s10, $0xb8;
	[tilespmem:$0x1E310] =	vst v63  }
.LBB2_35:
0x2ce: {  	s24 =	simm.s32 $0x1F80  }
0x2cf: {  	s25 =	simm.s32 $0x478;
	s26 =	simm.s32 $0x1D800;
	s28 =	simm.s32 $0x1F80  }
.LBB2_36:
0x2d0: {  	v3 =	vld [tilespmem:s26+$0xFFFFFFC0]  }
0x2d1: {  	v4 =	vld [tilespmem:s24+$0xFFFFFFC0];
	_ =	sdelay $0x1  }
0x2d2: {  	s29 =	sld [smem:s25+$0xFFFFFFFC];
	_ =	sdelay $0x2  }
0x2d3: {  	s30 =	ssub.s32 s28, s29;
	vm0 =	veq.s32 v4, $0x0;
	v55 =	vsub.s32 v2, v3  }
0x2d4: {  	s30 =	sadd.s32 $0xFFFFFFC0, s30;
	v3 =	vadd.s32 $0xFFFFFFFF, v3;
	v4 =	vnsel vm0, $0x100000, v55  }
0x2d5: {  	v3 =	vsel vm0, $0x100000, v3;
	v4 =	vadd.s32 s30, v4  }
0x2d6: {  	v3 =	vadd.s32 s29, v3;
	vm14 =	vlt.s32 v4, $0x2850  }
0x2d7: {  	vm15 =	vlt.s32 v3, $0x2850;
	v4 =	vnsel vm14, $0x2850, v4  }
0x2d8: {  	v3 =	vnsel vm15, $0x2850, v3  }
0x2d9: {  	s29 =	sadd.s32 s28, s7  }
0x2da: {  	s31 =	sadd.s32 $0xFFFFFFC0, s29  }
0x2db: {  	v5 =	vor.u32 s31, v2  }
0x2dc: {  	[tilespmem:v4+s16+$0x0] =	vst.idx.msk $0xffff, v5  }
0x2dd: {  	[tilespmem:v3+s17+$0x0] =	vst.idx.msk $0xffff, v5  }
0x2de: {  	v3 =	vld [tilespmem:s26+$0xFFFFFFD0]  }
0x2df: {  	v4 =	vld [tilespmem:s24+$0xFFFFFFD0];
	_ =	sdelay $0x1  }
0x2e0: {  	s30 =	sld [smem:s25+$0xFFFFFFFD];
	_ =	sdelay $0x2  }
0x2e1: {  	s31 =	ssub.s32 s28, s30;
	vm4 =	veq.s32 v4, $0x0;
	v56 =	vsub.s32 v2, v3  }
0x2e2: {  	s31 =	sadd.s32 $0xFFFFFFD0, s31;
	v3 =	vadd.s32 $0xFFFFFFFF, v3;
	v4 =	vnsel vm4, $0x100000, v56  }
0x2e3: {  	v3 =	vsel vm4, $0x100000, v3;
	v4 =	vadd.s32 s31, v4  }
0x2e4: {  	v3 =	vadd.s32 s30, v3;
	vm5 =	vlt.s32 v4, $0x2850  }
0x2e5: {  	vm6 =	vlt.s32 v3, $0x2850;
	v4 =	vnsel vm5, $0x2850, v4  }
0x2e6: {  	v3 =	vnsel vm6, $0x2850, v3;
	_ =	sdelay $0x1  }
0x2e7: {  	s31 =	sadd.s32 $0xFFFFFFD0, s29  }
0x2e8: {  	v57 =	vor.u32 s31, v2  }
0x2e9: {  	[tilespmem:v4+s16+$0x0] =	vst.idx.msk $0xffff, v57  }
0x2ea: {  	[tilespmem:v3+s17+$0x0] =	vst.idx.msk $0xffff, v57  }
0x2eb: {  	v3 =	vld [tilespmem:s26+$0xFFFFFFE0]  }
0x2ec: {  	v4 =	vld [tilespmem:s24+$0xFFFFFFE0];
	_ =	sdelay $0x1  }
0x2ed: {  	s30 =	sld [smem:s25+$0xFFFFFFFE];
	_ =	sdelay $0x2  }
0x2ee: {  	s31 =	ssub.s32 s28, s30;
	vm7 =	veq.s32 v4, $0x0;
	v58 =	vsub.s32 v2, v3  }
0x2ef: {  	s31 =	sadd.s32 $0xFFFFFFE0, s31;
	v3 =	vadd.s32 $0xFFFFFFFF, v3;
	v4 =	vnsel vm7, $0x100000, v58  }
0x2f0: {  	v3 =	vsel vm7, $0x100000, v3;
	v4 =	vadd.s32 s31, v4  }
0x2f1: {  	v3 =	vadd.s32 s30, v3;
	vm8 =	vlt.s32 v4, $0x2850  }
0x2f2: {  	vm9 =	vlt.s32 v3, $0x2850;
	v4 =	vnsel vm8, $0x2850, v4  }
0x2f3: {  	v3 =	vnsel vm9, $0x2850, v3;
	_ =	sdelay $0x1  }
0x2f4: {  	s31 =	sadd.s32 $0xFFFFFFE0, s29  }
0x2f5: {  	v59 =	vor.u32 s31, v2  }
0x2f6: {  	[tilespmem:v4+s16+$0x0] =	vst.idx.msk $0xffff, v59  }
0x2f7: {  	[tilespmem:v3+s17+$0x0] =	vst.idx.msk $0xffff, v59  }
0x2f8: {  	v3 =	vld [tilespmem:s26+$0xFFFFFFF0]  }
0x2f9: {  	v4 =	vld [tilespmem:s24+$0xFFFFFFF0];
	_ =	sdelay $0x1  }
0x2fa: {  	s30 =	sld [smem:s25+$0xFFFFFFFF];
	_ =	sdelay $0x2  }
0x2fb: {  	s31 =	ssub.s32 s28, s30;
	vm10 =	veq.s32 v4, $0x0;
	v60 =	vsub.s32 v2, v3  }
0x2fc: {  	s31 =	sadd.s32 $0xFFFFFFF0, s31;
	v3 =	vadd.s32 $0xFFFFFFFF, v3;
	v4 =	vnsel vm10, $0x100000, v60  }
0x2fd: {  	v3 =	vsel vm10, $0x100000, v3;
	v4 =	vadd.s32 s31, v4  }
0x2fe: {  	v3 =	vadd.s32 s30, v3;
	vm11 =	vlt.s32 v4, $0x2850  }
0x2ff: {  	vm12 =	vlt.s32 v3, $0x2850;
	v4 =	vnsel vm11, $0x2850, v4  }
0x300: {  	v3 =	vnsel vm12, $0x2850, v3;
	_ =	sdelay $0x1  }
0x301: {  	s31 =	sadd.s32 $0xFFFFFFF0, s29  }
0x302: {  	v61 =	vor.u32 s31, v2  }
0x303: {  	[tilespmem:v4+s16+$0x0] =	vst.idx.msk $0xffff, v61  }
0x304: {  	[tilespmem:v3+s17+$0x0] =	vst.idx.msk $0xffff, v61  }
0x305: {  	v3 =	vld [tilespmem:s26+$0x0]  }
0x306: {  	v4 =	vld [tilespmem:s24+$0x0];
	_ =	sdelay $0x2  }
0x307: {  	s30 =	sld [smem:s25+$0x0];
	_ =	sdelay $0x1  }
0x308: {  	vm13 =	veq.s32 v4, $0x0;
	v62 =	vsub.s32 v2, v3  }
0x309: {  	s31 =	ssub.s32 s28, s30;
	v3 =	vadd.s32 $0xFFFFFFFF, v3;
	v4 =	vnsel vm13, $0x100000, v62  }
0x30a: {  	v3 =	vsel vm13, $0x100000, v3;
	v4 =	vadd.s32 s31, v4  }
0x30b: {  	v3 =	vadd.s32 s30, v3;
	vm14 =	vlt.s32 v4, $0x2850  }
0x30c: {  	vm15 =	vlt.s32 v3, $0x2850;
	v4 =	vnsel vm14, $0x2850, v4  }
0x30d: {  	p1 =	sne.s32 s28, $0x2700;
	v3 =	vnsel vm15, $0x2850, v3  }
.Ltmp32:
0x30e: {  	_ = 	snop;
	(pc) =	sbr.rel @p1 .LBB2_36-.Ltmp32, $4  }
0x30f: {  	_ = 	snop  }
0x310: {  	v63 =	vor.u32 s29, v2  }
0x311: {  	s25 =	sadd.s32 $0x5, s25;
	[tilespmem:v4+s16+$0x0] =	vst.idx.msk $0xffff, v63  }
0x312: {  	s28 =	sadd.s32 $0x50, s28;
	s24 =	sadd.s32 $0x50, s24;
	s26 =	sadd.s32 $0x50, s26;
	[tilespmem:v3+s17+$0x0] =	vst.idx.msk $0xffff, v63  }
0x313: {  	v3 =	vld [tilespmem:$0x2780]  }
0x314: {  	v4 =	vld [tilespmem:$0x5000]  }
0x315: {  	v5 =	vadd.s32 s21, v2  }
0x316: {  	v6 =	vadd.s32 s20, v2;
	s29 =	ssub.s32 $0x2720, s20  }
0x317: {  	s30 =	sadd.s32 $0x10, s20;
	v7 =	vadd.s32 s29, v2  }
0x318: {  	s31 =	ssub.s32 $0x2730, s20;
	v8 =	vadd.s32 s30, v2;
	v3 =	vperm.xlane v3, v0  }
0x319: {  	s24 =	sadd.s32 $0x20, s20;
	v9 =	vadd.s32 s31, v2;
	v4 =	vperm.xlane v4, v0  }
0x31a: {  	s25 =	ssub.s32 $0x2740, s20;
	v30 =	vadd.s32 s24, v2;
	[tilespmem:v5+s16+$0x0] =	vst.idx.msk $0xffff, v3  }
0x31b: {  	s26 =	sadd.s32 $0x30, s20;
	v31 =	vadd.s32 s25, v2;
	[tilespmem:v6+s17+$0x0] =	vst.idx.msk $0xffff, v4  }
0x31c: {  	s28 =	ssub.s32 $0x2750, s20;
	v32 =	vadd.s32 s26, v2;
	[tilespmem:v7+s16+$0x0] =	vst.idx.msk $0xffff, v3  }
0x31d: {  	v33 =	vadd.s32 s28, v2;
	s29 =	sadd.s32 $0x40, s20;
	[tilespmem:v8+s17+$0x0] =	vst.idx.msk $0xffff, v4  }
0x31e: {  	s30 =	ssub.s32 $0x2760, s20;
	v34 =	vadd.s32 s29, v2;
	[tilespmem:v9+s16+$0x0] =	vst.idx.msk $0xffff, v3  }
0x31f: {  	s31 =	sadd.s32 $0x50, s20;
	v35 =	vadd.s32 s30, v2;
	[tilespmem:v30+s17+$0x0] =	vst.idx.msk $0xffff, v4  }
0x320: {  	s24 =	ssub.s32 $0x2770, s20;
	v36 =	vadd.s32 s31, v2;
	[tilespmem:v31+s16+$0x0] =	vst.idx.msk $0xffff, v3  }
0x321: {  	s25 =	sadd.s32 $0x60, s20;
	v37 =	vadd.s32 s24, v2;
	[tilespmem:v32+s17+$0x0] =	vst.idx.msk $0xffff, v4  }
0x322: {  	s26 =	ssub.s32 $0x2780, s20;
	v38 =	vadd.s32 s25, v2;
	[tilespmem:v33+s16+$0x0] =	vst.idx.msk $0xffff, v3  }
0x323: {  	s28 =	sadd.s32 $0x70, s20;
	v39 =	vadd.s32 s26, v2;
	[tilespmem:v34+s17+$0x0] =	vst.idx.msk $0xffff, v4  }
0x324: {  	v40 =	vadd.s32 s28, v2;
	s29 =	ssub.s32 $0x2790, s20;
	[tilespmem:v35+s16+$0x0] =	vst.idx.msk $0xffff, v3  }
0x325: {  	s30 =	sadd.s32 $0x80, s20;
	v41 =	vadd.s32 s29, v2;
	[tilespmem:v36+s17+$0x0] =	vst.idx.msk $0xffff, v4  }
0x326: {  	s31 =	ssub.s32 $0x27A0, s20;
	v42 =	vadd.s32 s30, v2;
	[tilespmem:v37+s16+$0x0] =	vst.idx.msk $0xffff, v3  }
0x327: {  	s24 =	sadd.s32 $0x90, s20;
	v43 =	vadd.s32 s31, v2;
	[tilespmem:v38+s17+$0x0] =	vst.idx.msk $0xffff, v4  }
0x328: {  	s25 =	ssub.s32 $0x27B0, s20;
	v44 =	vadd.s32 s24, v2;
	[tilespmem:v39+s16+$0x0] =	vst.idx.msk $0xffff, v3  }
0x329: {  	s26 =	sadd.s32 $0xA0, s20;
	v45 =	vadd.s32 s25, v2;
	[tilespmem:v40+s17+$0x0] =	vst.idx.msk $0xffff, v4  }
0x32a: {  	s28 =	ssub.s32 $0x27C0, s20;
	v46 =	vadd.s32 s26, v2;
	[tilespmem:v41+s16+$0x0] =	vst.idx.msk $0xffff, v3  }
0x32b: {  	v47 =	vadd.s32 s28, v2;
	s29 =	sadd.s32 $0xB0, s20;
	[tilespmem:v42+s17+$0x0] =	vst.idx.msk $0xffff, v4  }
0x32c: {  	s30 =	ssub.s32 $0x27D0, s20;
	v48 =	vadd.s32 s29, v2;
	[tilespmem:v43+s16+$0x0] =	vst.idx.msk $0xffff, v3  }
0x32d: {  	s31 =	sadd.s32 $0xC0, s20;
	s24 =	ssub.s32 $0x27E0, s20;
	v49 =	vadd.s32 s30, v2;
	[tilespmem:v44+s17+$0x0] =	vst.idx.msk $0xffff, v4  }
0x32e: {  	s25 =	sadd.s32 $0xD0, s20;
	v50 =	vadd.s32 s31, v2;
	v51 =	vadd.s32 s24, v2;
	s24 =	ssub.s32 $0x284F, s20;
	[tilespmem:v45+s16+$0x0] =	vst.idx.msk $0xffff, v3  }
0x32f: {  	s26 =	ssub.s32 $0x27F0, s20;
	v52 =	vadd.s32 s25, v2;
	s25 =	smulhi.u32 $0x66666667, s24;
	s24 =	sshra.s32 s24, $0x1F;
	[tilespmem:v46+s17+$0x0] =	vst.idx.msk $0xffff, v4  }
0x330: {  	v53 =	vadd.s32 s26, v2;
	s26 =	smul.u32 $0x66666667, s24;
	[tilespmem:v47+s16+$0x0] =	vst.idx.msk $0xffff, v3  }
0x331: {  	p1 =	sne.s32 s20, $0x284F;
	s28 =	sadd.s32 $0xE0, s20;
	s29 =	ssub.s32 $0x2800, s20;
	[tilespmem:v48+s17+$0x0] =	vst.idx.msk $0xffff, v4  }
0x332: {  	v54 =	vadd.s32 s28, v2;
	s30 =	sadd.s32 $0xF0, s20;
	s31 =	ssub.s32 $0x2810, s20;
	s25 =	sadd.s32 s26, s25;
	[tilespmem:v49+s16+$0x0] =	vst.idx.msk $0xffff, v3  }
0x333: {  	s28 =	sadd.s32 $0x100, s20;
	v55 =	vadd.s32 s29, v2;
	s26 =	sshrl.u32 s25, $0x1F;
	s25 =	sshra.s32 s25, $0x7;
	[tilespmem:v50+s17+$0x0] =	vst.idx.msk $0xffff, v4  }
0x334: {  	v56 =	vadd.s32 s30, v2;
	v58 =	vadd.s32 s28, v2;
	s28 =	sadd.s32 $0x110, s20;
	s25 =	sadd.s32 s26, s25;
	s26 =	simm.s32 $0x1;
	[tilespmem:v51+s16+$0x0] =	vst.idx.msk $0xffff, v3  }
0x335: {  	v57 =	vadd.s32 s31, v2;
	s30 =	ssub.s32 $0x2830, s20;
	v60 =	vadd.s32 s28, v2;
	s26 =	simm.s32 @!p1 $0x0;
	s28 =	smul.u32 $0xFFFFFEC0, s25;
	[tilespmem:v52+s17+$0x0] =	vst.idx.msk $0xffff, v4  }
0x336: {  	s29 =	ssub.s32 $0x2820, s20;
	v61 =	vadd.s32 s30, v2;
	s30 =	sadd.s32 $0xFFFFD7B1, s20;
	s24 =	sor.u32 s26, s24;
	[tilespmem:v53+s16+$0x0] =	vst.idx.msk $0xffff, v3  }
0x337: {  	v59 =	vadd.s32 s29, v2;
	p6 =	sne.s32 s24, $0x1;
	p2 =	sne.s32 s28, s30;
	[tilespmem:v54+s17+$0x0] =	vst.idx.msk $0xffff, v4  }
0x338: {  	p1 =	por !p2, !p6;
	[tilespmem:v55+s16+$0x0] =	vst.idx.msk $0xffff, v3  }
0x339: {  	s21 =	simm.s32 $0x1;
	s31 =	sadd.s32 $0x120, s20;
	p1 =	por !p1, !p1;
	[tilespmem:v56+s17+$0x0] =	vst.idx.msk $0xffff, v4  }
0x33a: {  	v62 =	vadd.s32 s31, v2;
	s29 =	ssub.s32 $0x2840, s20;
	s21 =	simm.s32 @!p1 $0x0;
	[tilespmem:v57+s16+$0x0] =	vst.idx.msk $0xffff, v3  }
0x33b: {  	s31 =	sadd.s32 $0x130, s20;
	v10 =	vadd.s32 s29, v2;
	s21 =	ssub.s32 s25, s21;
	[tilespmem:v58+s17+$0x0] =	vst.idx.msk $0xffff, v4  }
0x33c: {  	v63 =	vadd.s32 s31, v2;
	p1 =	sge.s32 s23, s21;
	[tilespmem:v59+s16+$0x0] =	vst.idx.msk $0xffff, v3  }
.Ltmp33:
0x33d: {  	[tilespmem:v60+s17+$0x0] =	vst.idx.msk $0xffff, v4;
	(pc) =	sbr.rel @p1 .LBB2_40-.Ltmp33, $4  }
0x33e: {  	[tilespmem:v61+s16+$0x0] =	vst.idx.msk $0xffff, v3  }
0x33f: {  	[tilespmem:v62+s17+$0x0] =	vst.idx.msk $0xffff, v4  }
0x340: {  	[tilespmem:v10+s16+$0x0] =	vst.idx.msk $0xffff, v3  }
0x341: {  	[tilespmem:v63+s17+$0x0] =	vst.idx.msk $0xffff, v4  }
0x342: {  	s24 =	smul.u32 $0x500, s23;
	s23 =	sadd.s32 $0x1, s23  }
0x343: {  	p1 =	slt.s32 s23, s21  }
.Ltmp34:
0x344: {  	_ = 	snop;
	(pc) =	sbr.rel @!p1 .LBB2_40-.Ltmp34, $4  }
0x345: {  	_ = 	snop  }
0x346: {  	s24 =	sshra.s32 s24, $0x2  }
0x347: {  	s24 =	sadd.s32 $0x2780, s24  }
0x348: {  	[hbm4b:s2+s10] =	stream.indirect.scatter [tilespmem:s12], [sflag:$0x2], $0x80, s24, s10, $0xb8;
	[tilespmem:$0x1E310] =	vst v63  }
.LBB2_39:
0x349: {  	s23 =	sadd.s32 $0x1, s23  }
0x34a: {  	p1 =	slt.s32 s23, s21  }
.Ltmp35:
0x34b: {  	_ = 	snop;
	(pc) =	sbr.rel @p1 .LBB2_39-.Ltmp35, $3  }
0x34c: {  	_ = 	snop  }
0x34d: {  	s24 =	sadd.s32 $0x140, s24;
	_ =	sdelay $0x1  }
0x34e: {  	[hbm4b:s2+s10] =	stream.indirect.scatter [tilespmem:s12], [sflag:$0x2], $0x80, s24, s10, $0xb8;
	[tilespmem:$0x1E310] =	vst v63  }
.LBB2_40:
0x34f: {  	s23 =	sadd.s32 $0x13F, s20  }
0x350: {  	s24 =	smulhi.u32 $0x66666667, s23;
	s25 =	sshra.s32 s23, $0x1F  }
0x351: {  	s25 =	smul.u32 $0x66666667, s25;
	_ =	sdelay $0x1  }
0x352: {  	s24 =	sadd.s32 s25, s24  }
0x353: {  	s25 =	sshrl.u32 s24, $0x1F;
	s24 =	sshra.s32 s24, $0x7  }
0x354: {  	s24 =	sadd.s32 s25, s24  }
0x355: {  	s25 =	smul.u32 $0xFFFFFEC0, s24  }
0x356: {  	s31 =	ssub.s32 $0xFFFFFEC1, s20  }
0x357: {  	p1 =	slt.s32 s23, $0x1;
	p2 =	sne.s32 s25, s31  }
0x358: {  	p1 =	por !p1, !p2  }
0x359: {  	s20 =	simm.s32 $0x1;
	p1 =	por !p1, !p1  }
0x35a: {  	s20 =	simm.s32 @!p1 $0x0  }
0x35b: {  	s20 =	ssub.s32 s24, s20  }
0x35c: {  	p1 =	sge.s32 s22, s20  }
.Ltmp36:
0x35d: {  	_ = 	snop;
	(pc) =	sbr.rel @p1 .LBB2_43-.Ltmp36, $1  }
0x35e: {  	_ =	sdelay $0x3  }
0x35f: {  	s23 =	smul.u32 $0x500, s22;
	s22 =	sadd.s32 $0x1, s22  }
0x360: {  	p1 =	slt.s32 s22, s20  }
.Ltmp37:
0x361: {  	_ = 	snop;
	(pc) =	sbr.rel @!p1 .LBB2_43-.Ltmp37, $4  }
0x362: {  	_ = 	snop  }
0x363: {  	s23 =	sshra.s32 s23, $0x2  }
0x364: {  	s23 =	sadd.s32 $0x5000, s23  }
0x365: {  	[hbm4b:s2+s10] =	stream.indirect.scatter [tilespmem:s14], [sflag:$0x2], $0x80, s23, s10, $0xb8;
	[tilespmem:$0x1E310] =	vst v63  }
.LBB2_42:
0x366: {  	s22 =	sadd.s32 $0x1, s22  }
0x367: {  	p1 =	slt.s32 s22, s20  }
.Ltmp38:
0x368: {  	_ = 	snop;
	(pc) =	sbr.rel @p1 .LBB2_42-.Ltmp38, $3  }
0x369: {  	_ = 	snop  }
0x36a: {  	s23 =	sadd.s32 $0x140, s23;
	_ =	sdelay $0x1  }
0x36b: {  	[hbm4b:s2+s10] =	stream.indirect.scatter [tilespmem:s14], [sflag:$0x2], $0x80, s23, s10, $0xb8;
	[tilespmem:$0x1E310] =	vst v63  }
.LBB2_43:
0x36c: {  	s20 =	sadd.s32 s20, s21  }
0x36d: {  	p1 =	slt.s32 s20, $0x1  }
.Ltmp39:
0x36e: {  	_ = 	snop;
	(pc) =	sbr.rel @p1 .LBB2_47-.Ltmp39, $1  }
0x36f: {  	_ =	sdelay $0x3  }
0x370: {  	p1 =	sne.s32 s20, $0x1  }
.Ltmp40:
0x371: {  	_ = 	snop;
	(pc) =	sbr.rel @!p1 .LBB2_46-.Ltmp40, $3  }
0x372: {  	_ =	sdelay $0x1  }
0x373: {  	_ =	swait.ge [sflag:s18], $0xA000  }
0x374: {  	s20 =	sadd.s32 $0xFFFFFFFF, s20;
	[sflag:s18] =	ssyncset.done $0x0  }
.LBB2_45:
0x375: {  	p1 =	sne.s32 s20, $0x1;
	s20 =	sadd.s32 $0xFFFFFFFF, s20;
	[sflag:s18] =	ssyncadd.s32 $0xFFFF6000  }
.Ltmp41:
0x376: {  	(pc) =	sbr.rel @p1 .LBB2_45-.Ltmp41, $3  }
0x377: {  	_ =	sdelay $0x1  }
0x378: {  	_ =	swait.ge [sflag:s18], $0xA000  }
0x379: {  	[sflag:s18] =	ssyncset.done $0x0  }
.Ltmp42:
0x37a: {  	_ = 	snop;
	(pc) =	sbr.rel .LBB2_46-.Ltmp42, $1  }
0x37b: {  	_ =	sdelay $0x3  }
.LBB2_48:
0x37c: {  	_ =	sfence.sel $0x180000  }
0x37d: {  	[bflag:$0x0] =	sbarrier.arrive $0xFFFF  }
0x37e: {  	_ =	strace $0x90000047  }
0x37f: {  	s0 =	sadd.s32 @!p0 $0x100000, s1;
	[bflag:$0x2] =	sbarrier.arrive $0xFFFF  }
0x380: {  	[sflag:s0] =	ssyncadd.tile.s32 @!p0 $0x1;
	_ =	shalt  }
.Lfunc_end2:
_tile_overlayer_lowered:
.L_overlay_start_2:
0x381: {  	(tag) =	ssettag $0x2  }
0x382: {  	s0 =	rddreg [dreg:$0x0];
	s2 =	stileid.u32  }
0x383: {  	s1 =	rddreg [dreg:$0x1];
	p0 =	sne.s32 s2, $0x0  }
0x384: {  	s3 =	rddreg [dreg:$0x2];
	[bflag:$0x3] =	sbarrier.arrive $0xFFFF;
	s2 =	simm.s32 @!p0 $0x1C03  }
0x385: {  	[timem:s3], [sflag:s2] =	dma.local @!p0 [hbm:s0], s1  }
0x386: {  	s0 =	simm.s32 @!p0 $0x3  }
0x387: {  	_ =	swait.ge @!p0 [sflag:s0], s1  }
0x388: {  	s1 =	ssub.s32 @!p0 $0x0, s1;
	[sflag:s0] =	ssyncset.done @!p0 $0x0  }
0x389: {  	[sflag:s0] =	ssyncadd.s32 @!p0 s1  }
0x38a: {  	[bflag:$0x3] =	sbarrier.arrive $0xFFFF  }
0x38b: {  	_ =	shalt  }

</sc_bundles>
